<compile_context>
chip_gen: v7x
topology: tpu7x:2x2x1
jax: 0.10.2.dev20260603
libtpu: 0.0.44.dev20260713+nightly
codegen_flags: <defaults>
</compile_context>

<pallas_src>
import functools

import jax
import jax.numpy as jnp
from jax import lax
from jax.experimental import pallas as pl
from jax.experimental.pallas import tpu as pltpu
from jax.experimental.pallas import tpu_sc as plsc

B, N, C, D = 4, 4096, 3, 64
S = 1024
_NR, _NC, _NCB = 8, 512, 9
RADII2 = (0.2 * 0.2, 0.4 * 0.4, 0.8 * 0.8)
KS = (16, 32, 64)
SEG = (0, 16, 48)
TOTK = 112
INV_BN = 1.0 / (1.0 + 1e-5) ** 0.5
NCHUNK = N // 16



def _fps_body(x_ref, zi_ref, zf_ref, idx_ref):
    iota2 = (lax.broadcasted_iota(jnp.int32, (B, _NR, _NC), 1) * _NC
             + lax.broadcasted_iota(jnp.int32, (B, _NR, _NC), 2))
    riota = lax.broadcasted_iota(jnp.int32, (B, 8, 128), 1)
    liota = lax.broadcasted_iota(jnp.int32, (B, 8, 128), 2)
    big = jnp.int32(2**30)
    neg = jnp.float32(-3e38)
    X = x_ref[0]
    Y = x_ref[1]
    Z = x_ref[2]

    def body(i, state):
        dist, far, cent = state
        ih = i >> 7
        il = i & 127
        cent = jnp.where((riota == ih) & (liota == il),
                         jnp.broadcast_to(far, (B, 8, 128)), cent)
        eq2 = iota2 == far
        cx = jnp.max(jnp.where(eq2, X, neg), axis=(1, 2), keepdims=True)
        cy = jnp.max(jnp.where(eq2, Y, neg), axis=(1, 2), keepdims=True)
        cz = jnp.max(jnp.where(eq2, Z, neg), axis=(1, 2), keepdims=True)
        dx = X - cx
        dy = Y - cy
        dz = Z - cz
        d = (dx * dx + dy * dy) + dz * dz
        dist = jnp.minimum(dist, d)
        m = jnp.max(dist, axis=(1, 2), keepdims=True)
        far = jnp.min(jnp.where(dist == m, iota2, big),
                      axis=(1, 2), keepdims=True)
        return dist, far, cent

    init = (zf_ref[...] + jnp.float32(1e10),
            zi_ref[:, 0:1, 0:1],
            zi_ref[...])
    _, _, cent = lax.fori_loop(0, S, body, init)
    idx_ref[...] = cent


def _fps(xr):
    zi = jnp.zeros((B, 8, 128), jnp.int32)
    zf = jnp.zeros((B, _NR, _NC), jnp.float32)
    return pl.pallas_call(
        _fps_body,
        out_shape=jax.ShapeDtypeStruct((B, 8, 128), jnp.int32),
    )(xr, zi, zf)



_MLP_BLK = 512


def _mlp_body(f_ref, w00, b00, w01, b01, w10, b10, w11, b11, w20, b20, w21,
              b21, y0_ref, y1_ref, y2_ref):
    f = f_ref[...]
    inv = jnp.float32(INV_BN)

    def layer(x, w_ref, b_ref):
        h = lax.dot_general(x, w_ref[...], (((1,), (1,)), ((), ())),
                            preferred_element_type=jnp.float32,
                            precision=lax.Precision.HIGHEST)
        return jnp.maximum((h + b_ref[...][None, :]) * inv, 0.0)

    y0_ref[...] = layer(layer(f, w00, b00), w01, b01)
    y1_ref[...] = layer(layer(f, w10, b10), w11, b11)
    y2_ref[...] = layer(layer(f, w20, b20), w21, b21)


def _mlp(feats, weights):
    grid = (B * N // _MLP_BLK,)
    fspec = pl.BlockSpec((_MLP_BLK, D), lambda i: (i, 0))
    wspecs = []
    for w in weights:
        nd = len(w.shape)
        wspecs.append(pl.BlockSpec(w.shape, (lambda i: (0, 0)) if nd == 2
                                   else (lambda i: (0,))))
    outspec = [
        pl.BlockSpec((_MLP_BLK, 128), lambda i: (i, 0)),
        pl.BlockSpec((_MLP_BLK, 128), lambda i: (i, 0)),
        pl.BlockSpec((_MLP_BLK, 128), lambda i: (i, 0)),
    ]
    outshape = [jax.ShapeDtypeStruct((B * N, 128), jnp.float32)] * 3
    return pl.pallas_call(
        _mlp_body,
        grid=grid,
        in_specs=[fspec] + wspecs,
        out_specs=outspec,
        out_shape=outshape,
    )(feats, *weights)



_SBLK = S * B // 32


SEGP = (0, 16, 48)
IDXW = 128


def _sc_body(xf_hbm, yf_hbm, zf_hbm, fps_hbm, y0_hbm, y1_hbm, y2_hbm,
             nx_hbm, pts_hbm,
             x_v, y_v, z_v, fidx_v, cxs_v, cys_v, czs_v, idx_v, rows_v,
             blk_v, semA, semB):
    ncores = 2
    wid = lax.axis_index("s") * ncores + lax.axis_index("c")
    b = wid // 8
    t = wid % 8

    pltpu.sync_copy(xf_hbm.at[pl.ds(b * N, N)], x_v)
    pltpu.sync_copy(yf_hbm.at[pl.ds(b * N, N)], y_v)
    pltpu.sync_copy(zf_hbm.at[pl.ds(b * N, N)], z_v)
    pltpu.sync_copy(fps_hbm.at[pl.ds((b * 8 + t) * _SBLK, _SBLK)], fidx_v)

    iota = lax.iota(jnp.int32, 16)

    def cgather(u, _):
        iv = fidx_v[pl.ds(u * 16, 16)]
        cxs_v[pl.ds(u * 16, 16)] = plsc.load_gather(x_v, [iv])
        cys_v[pl.ds(u * 16, 16)] = plsc.load_gather(y_v, [iv])
        czs_v[pl.ds(u * 16, 16)] = plsc.load_gather(z_v, [iv])
        return 0

    lax.fori_loop(0, _SBLK // 16, cgather, 0, unroll=True)
    nxb = ((b * 8 + t) * 3) * _SBLK
    pltpu.sync_copy(cxs_v, nx_hbm.at[pl.ds(nxb, _SBLK)])
    pltpu.sync_copy(cys_v, nx_hbm.at[pl.ds(nxb + _SBLK, _SBLK)])
    pltpu.sync_copy(czs_v, nx_hbm.at[pl.ds(nxb + 2 * _SBLK, _SBLK)])

    base = b * N
    ys = (y0_hbm, y1_hbm, y2_hbm)

    def select_fire(c):
        par = c & 1
        sem = semA
        ibase = par * IDXW
        cfull = jnp.full((16,), c, jnp.int32)
        cxv = plsc.load_gather(cxs_v, [cfull])
        cyv = plsc.load_gather(cys_v, [cfull])
        czv = plsc.load_gather(czs_v, [cfull])

        for bi in (2, 1, 0):
            off0 = ibase + SEGP[bi]
            kq = KS[bi]

            def cond(state, kq=kq):
                q, cnt = state
                return (q < NCHUNK) & (cnt < kq)

            def chunk(state, bi=bi, off0=off0, kq=kq):
                q, cnt = state
                px = x_v[pl.ds(q * 16, 16)]
                py = y_v[pl.ds(q * 16, 16)]
                pz = z_v[pl.ds(q * 16, 16)]
                dx = px - cxv
                dy = py - cyv
                dz = pz - czv
                d2 = (dx * dx + dy * dy) + dz * dz
                m = d2 <= RADII2[bi]
                jv = iota + (q * 16 + base)
                rank = plsc.cumsum(jnp.where(m, 1, 0))
                sel = m & (rank <= (kq - cnt))
                plsc.store_compressed(idx_v.at[pl.ds(off0 + cnt, 16)],
                                      jv, mask=sel)
                npc = jnp.max(plsc.all_reduce_population_count(sel))
                return q + 1, cnt + npc

            _, cnt = lax.while_loop(cond, chunk, (jnp.int32(0), jnp.int32(0)))

            firstv = plsc.load_gather(
                idx_v, [jnp.full((16,), off0, jnp.int32)])

            def pcond(cnt, kq=kq):
                return cnt < kq

            def pbody(cnt, off0=off0, kq=kq, firstv=firstv):
                plsc.store_compressed(idx_v.at[pl.ds(off0 + cnt, 16)],
                                      firstv, mask=iota < (kq - cnt))
                return cnt + jnp.minimum(kq - cnt, 16)

            lax.while_loop(pcond, pbody, cnt)

        for bi in range(3):
            pltpu.async_copy(
                ys[bi].at[idx_v.at[pl.ds(ibase + SEGP[bi], KS[bi])]],
                rows_v.at[pl.ds(par * TOTK + SEG[bi], KS[bi]), :], sem)

    def wait_reduce(c):
        par = c & 1
        sem = semA
        ibase = par * IDXW
        for bi in range(3):
            pltpu.make_async_copy(
                ys[bi].at[idx_v.at[pl.ds(ibase + SEGP[bi], KS[bi])]],
                rows_v.at[pl.ds(par * TOTK + SEG[bi], KS[bi]), :], sem).wait()
        for bi in range(3):
            seg, k = par * TOTK + SEG[bi], KS[bi]

            def red(kk, acc, seg=seg):
                return [jnp.maximum(acc[v],
                                    rows_v[seg + kk, pl.ds(v * 16, 16)])
                        for v in range(8)]

            acc = [rows_v[seg, pl.ds(v * 16, 16)] for v in range(8)]
            acc = lax.fori_loop(1, k, red, acc)
            for v in range(8):
                blk_v[c, pl.ds(bi * 128 + v * 16, 16)] = acc[v]

    def step(c, _):
        select_fire(c)

        @pl.when(c > 0)
        def _():
            wait_reduce(c - 1)
        return 0

    lax.fori_loop(0, _SBLK, step, 0)
    wait_reduce(_SBLK - 1)
    pltpu.sync_copy(blk_v, pts_hbm.at[pl.ds((b * 8 + t) * _SBLK, _SBLK), :])


def _sc_call(xf, yf, zf, fps_idx, y0, y1, y2):
    mesh = plsc.VectorSubcoreMesh(core_axis_name="c", subcore_axis_name="s")
    f = pl.kernel(
        _sc_body,
        mesh=mesh,
        compiler_params=pltpu.CompilerParams(needs_layout_passes=False),
        out_type=[
            jax.ShapeDtypeStruct((B * 8 * 3 * _SBLK,), jnp.float32),
            jax.ShapeDtypeStruct((B * 8 * _SBLK, 3 * 128), jnp.float32),
        ],
        scratch_types=[
            pltpu.VMEM((N,), jnp.float32),
            pltpu.VMEM((N,), jnp.float32),
            pltpu.VMEM((N,), jnp.float32),
            pltpu.VMEM((_SBLK,), jnp.int32),
            pltpu.VMEM((_SBLK,), jnp.float32),
            pltpu.VMEM((_SBLK,), jnp.float32),
            pltpu.VMEM((_SBLK,), jnp.float32),
            pltpu.VMEM((2 * IDXW,), jnp.int32),
            pltpu.VMEM((2 * TOTK, 128), jnp.float32),
            pltpu.VMEM((_SBLK, 3 * 128), jnp.float32),
            pltpu.SemaphoreType.DMA,
            pltpu.SemaphoreType.DMA,
        ],
    )
    return f(xf, yf, zf, fps_idx, y0, y1, y2)




def kernel(xyz, features, W0_0, b0_0, W0_1, b0_1, W1_0, b1_0, W1_1, b1_1,
           W2_0, b2_0, W2_1, b2_1):
    xr = jnp.transpose(xyz, (2, 0, 1)).reshape(3, B, _NR, _NC)
    fps_idx = _fps(xr).reshape(B, S)
    feats = features.reshape(B * N, D)
    y0, y1, y2 = _mlp(feats, [W0_0, b0_0, W0_1, b0_1, W1_0, b1_0, W1_1, b1_1,
                              W2_0, b2_0, W2_1, b2_1])
    xf = xyz[:, :, 0].reshape(B * N)
    yf = xyz[:, :, 1].reshape(B * N)
    zf = xyz[:, :, 2].reshape(B * N)
    fpsr = jnp.transpose(fps_idx.reshape(B, _SBLK, 8),
                         (0, 2, 1)).reshape(B * 8 * _SBLK)
    nx_flat, pts = _sc_call(xf, yf, zf, fpsr, y0, y1, y2)
    new_xyz_t = jnp.transpose(nx_flat.reshape(B, 8, 3, _SBLK),
                              (0, 2, 3, 1)).reshape(B, 3, S)
    new_pts = jnp.transpose(pts.reshape(B, 8, _SBLK, 3 * 128),
                            (0, 3, 2, 1)).reshape(B, 3 * 128, S)
    return new_xyz_t, new_pts

# --- scband reference (transcript-rebuilt; emitter-appended) ---
"""Pipeline reference for scband-point-net-set-abstraction-msg-31980326486608 (READ-ONLY COPY).

The authoritative reference and input builder live on the scoring server;
editing this copy changes nothing except your own understanding.
"""

import jax, jax.numpy as jnp
import numpy as np

RATIO = 0.25
RADIUS_LIST = [0.2, 0.4, 0.8]
MAX_SAMPLE_LIST = [16, 32, 64]
MLP_LIST = [[64, 64, 128], [64, 96, 128], [64, 128, 128]]
BN_EPS = 1e-5
B, N, C, D = 4, 4096, 3, 64


def setup_inputs(seed: int = 0):
    key = jax.random.key(seed)
    ks = jax.random.split(key, 16)
    inp = {}
    inp["xyz"] = jax.random.uniform(ks[0], (B, N, C), dtype=jnp.float32)
    inp["features"] = jax.random.normal(ks[1], (B, N, D), dtype=jnp.float32)
    ki = 2
    for bi, channels in enumerate(MLP_LIST):
        for li in range(len(channels) - 1):
            cin, cout = channels[li], channels[li + 1]
            inp["W%d_%d" % (bi, li)] = jax.random.normal(ks[ki], (cout, cin), dtype=jnp.float32) * (1.0 / np.sqrt(cin))
            ki += 1
            inp["b%d_%d" % (bi, li)] = jnp.zeros((cout,), dtype=jnp.float32)
    return inp


def farthest_point_sample(xyz, npoint):
    b, n, _ = xyz.shape

    def body(i, state):
        centroids, distance, farthest = state
        centroids = centroids.at[:, i].set(farthest)
        centroid = xyz[jnp.arange(b), farthest][:, None, :]
        dist = jnp.sum((xyz - centroid) ** 2, axis=-1)
        distance = jnp.minimum(distance, dist)
        farthest = jnp.argmax(distance, axis=-1).astype(jnp.int32)
        return centroids, distance, farthest

    centroids = jnp.zeros((b, npoint), dtype=jnp.int32)
    distance = jnp.full((b, n), 1e10, dtype=jnp.float32)
    farthest = jnp.zeros((b,), dtype=jnp.int32)
    centroids, _, _ = jax.lax.fori_loop(0, npoint, body, (centroids, distance, farthest))
    return centroids


def index_points(points, idx):
    batch = jnp.arange(points.shape[0]).reshape((points.shape[0],) + (1,) * (idx.ndim - 1))
    return points[batch, idx]


def square_distance(src, dst):
    return jnp.sum((src[:, :, None, :] - dst[:, None, :, :]) ** 2, axis=-1)


def query_ball_point(radius, nsample, xyz, new_xyz):
    b, n, _ = xyz.shape
    s = new_xyz.shape[1]
    group_idx = jnp.broadcast_to(jnp.arange(n, dtype=jnp.int32), (b, s, n))
    sqrdists = square_distance(new_xyz, xyz)
    group_idx = jnp.where(sqrdists > radius ** 2, n, group_idx)
    group_idx = jnp.sort(group_idx, axis=-1)[:, :, :nsample]
    group_first = jnp.broadcast_to(group_idx[:, :, :1], (b, s, nsample))
    group_idx = jnp.where(group_idx == n, group_first, group_idx)
    return group_idx


def branch_mlp(x, Ws, bs):
    # x: [B, D, K, S]; 1x1 Conv2d + BatchNorm2d (inference, init stats) + ReLU per layer
    for W, bias in zip(Ws, bs):
        x = jnp.einsum('bdks,od->boks', x, W) + bias[None, :, None, None]
        x = x / jnp.sqrt(1.0 + BN_EPS)
        x = jax.nn.relu(x)
    return x


def _forward(xyz, features, params):
    s = int(xyz.shape[1] * RATIO)
    fps_idx = farthest_point_sample(xyz, s)
    new_xyz = index_points(xyz, fps_idx)
    new_points_list = []
    for i, radius in enumerate(RADIUS_LIST):
        K = MAX_SAMPLE_LIST[i]
        group_idx = query_ball_point(radius, K, xyz, new_xyz)
        grouped = index_points(features, group_idx)
        grouped = jnp.transpose(grouped, (0, 3, 2, 1))
        out = branch_mlp(grouped, params[i][0], params[i][1])
        new_points_list.append(jnp.max(out, axis=2))
    new_xyz_t = jnp.transpose(new_xyz, (0, 2, 1))
    return new_xyz_t, jnp.concatenate(new_points_list, axis=1)


def reference(xyz, features, W0_0, b0_0, W0_1, b0_1, W1_0, b1_0, W1_1, b1_1, W2_0, b2_0, W2_1, b2_1):
    params = [([W0_0, W0_1], [b0_0, b0_1]),
              ([W1_0, W1_1], [b1_0, b1_1]),
              ([W2_0, W2_1], [b2_0, b2_1])]
    return _forward(xyz, features, params)

if __name__ == "__main__":
    import jax
    _d = setup_inputs()
    print(jax.jit(kernel)(*tuple(_d.values())))

</pallas_src>

<mosaic_0001>
#map = affine_map<(d0, d1) -> (0)>
#map1 = affine_map<(d0, d1) -> (0, 0)>
module attributes {stable_mosaic.version = 14 : i64} {
  func.func @_sc_body(%arg0: i32, %arg1: i32, %arg2: memref<16384xf32, #tpu.memory_space<hbm>>, %arg3: memref<16384xf32, #tpu.memory_space<hbm>>, %arg4: memref<16384xf32, #tpu.memory_space<hbm>>, %arg5: memref<4096xi32, #tpu.memory_space<hbm>>, %arg6: memref<16384x128xf32, #tpu.memory_space<hbm>>, %arg7: memref<16384x128xf32, #tpu.memory_space<hbm>>, %arg8: memref<16384x128xf32, #tpu.memory_space<hbm>>, %arg9: memref<12288xf32, #tpu.memory_space<hbm>>, %arg10: memref<4096x384xf32, #tpu.memory_space<hbm>>, %arg11: memref<4096xf32, #tpu.memory_space<vmem>>, %arg12: memref<4096xf32, #tpu.memory_space<vmem>>, %arg13: memref<4096xf32, #tpu.memory_space<vmem>>, %arg14: memref<128xi32, #tpu.memory_space<vmem>>, %arg15: memref<128xf32, #tpu.memory_space<vmem>>, %arg16: memref<128xf32, #tpu.memory_space<vmem>>, %arg17: memref<128xf32, #tpu.memory_space<vmem>>, %arg18: memref<256xi32, #tpu.memory_space<vmem>>, %arg19: memref<224x128xf32, #tpu.memory_space<vmem>>, %arg20: memref<128x384xf32, #tpu.memory_space<vmem>>, %arg21: memref<!tpu.dma_semaphore, #tpu.memory_space<semaphore_mem>>, %arg22: memref<!tpu.dma_semaphore, #tpu.memory_space<semaphore_mem>>) attributes {dimension_semantics = [#tpu.dimension_semantics<core_parallel>, #tpu.dimension_semantics<subcore_parallel>], iteration_bounds = array<i64: 2, 16>, scalar_prefetch = 0 : i64, scratch_operands = 12 : i64, tpu.core_type = #tpu.core_type<sc_vector_subcore>, window_params = [{transform_indices = #map}, {transform_indices = #map}, {transform_indices = #map}, {transform_indices = #map}, {transform_indices = #map1}, {transform_indices = #map1}, {transform_indices = #map1}, {transform_indices = #map}, {transform_indices = #map1}]} {
    %mul3A = arith.constant 2 : i32
    %mul3A_0 = arith.muli %arg1, %mul3A : i32
    %add3A = arith.addi %mul3A_0, %arg0 : i32
    %jit3A = arith.constant 8 : i32
    %div3A = arith.divsi %add3A, %jit3A : i32
    %sign3A = arith.constant 0 : i32
    %sign3A_1 = arith.cmpi sgt, %add3A, %sign3A : i32
    %sign3A_2 = arith.extui %sign3A_1 : i1 to i32
    %sign3A_3 = arith.constant 0 : i32
    %sign3A_4 = arith.cmpi slt, %add3A, %sign3A_3 : i32
    %sign3A_5 = arith.extui %sign3A_4 : i1 to i32
    %sign3A_6 = arith.subi %sign3A_2, %sign3A_5 : i32
    %sign3A_7 = arith.constant 0 : i32
    %sign3A_8 = arith.cmpi sgt, %jit3A, %sign3A_7 : i32
    %sign3A_9 = arith.extui %sign3A_8 : i1 to i32
    %sign3A_10 = arith.constant 0 : i32
    %sign3A_11 = arith.cmpi slt, %jit3A, %sign3A_10 : i32
    %sign3A_12 = arith.extui %sign3A_11 : i1 to i32
    %sign3A_13 = arith.subi %sign3A_9, %sign3A_12 : i32
    %ne3A = arith.cmpi ne, %sign3A_6, %sign3A_13 : i32
    %rem3A = arith.remsi %add3A, %jit3A : i32
    %ne3A_14 = arith.constant 0 : i32
    %ne3A_15 = arith.cmpi ne, %rem3A, %ne3A_14 : i32
    %and3A = arith.andi %ne3A, %ne3A_15 : i1
    %sub3A = arith.constant 1 : i32
    %sub3A_16 = arith.subi %div3A, %sub3A : i32
    %select_n3A = arith.select %and3A, %sub3A_16, %div3A : i32
    %jit3A_17 = arith.constant 8 : i32
    %eq3A = arith.constant 0 : i32
    %eq3A_18 = arith.cmpi eq, %jit3A_17, %eq3A : i32
    %jit3A_19 = arith.constant 1 : i32
    %select_n3A_20 = arith.select %eq3A_18, %jit3A_19, %jit3A_17 : i32
    %rem3A_21 = arith.remsi %add3A, %select_n3A_20 : i32
    %ne3A_22 = arith.constant 0 : i32
    %ne3A_23 = arith.cmpi ne, %rem3A_21, %ne3A_22 : i32
    %lt3A = arith.constant 0 : i32
    %lt3A_24 = arith.cmpi slt, %rem3A_21, %lt3A : i32
    %lt3A_25 = arith.constant 0 : i32
    %lt3A_26 = arith.cmpi slt, %select_n3A_20, %lt3A_25 : i32
    %ne3A_27 = arith.xori %lt3A_24, %lt3A_26 : i1
    %and3A_28 = arith.andi %ne3A_27, %ne3A_23 : i1
    %add3A_29 = arith.addi %rem3A_21, %select_n3A_20 : i32
    %select_n3A_30 = arith.select %and3A_28, %add3A_29, %rem3A_21 : i32
    %mul3A_31 = arith.constant 4096 : i32
    %mul3A_32 = arith.muli %select_n3A, %mul3A_31 : i32
    "tpu.region"() ({
      %run_scoped3A = tpu.sem_alloc : memref<!tpu.dma_semaphore, #tpu.memory_space<semaphore_mem>>
      %dma_start3A = tpu.memref_slice %arg2[%mul3A_32] : memref<16384xf32, #tpu.memory_space<hbm>> -> memref<4096xf32, #tpu.memory_space<hbm>>
      %dma_start3A_466 = tpu.memref_slice %arg2[%mul3A_32] : memref<16384xf32, #tpu.memory_space<hbm>> -> memref<4096xf32, #tpu.memory_space<hbm>>
      tpu.enqueue_dma source(%dma_start3A_466 : memref<4096xf32, #tpu.memory_space<hbm>>) target(%arg11 : memref<4096xf32, #tpu.memory_space<vmem>>) target_semaphore(%run_scoped3A : memref<!tpu.dma_semaphore, #tpu.memory_space<semaphore_mem>>)
      %dma_wait3A_467 = tpu.memref_slice %arg2[%mul3A_32] : memref<16384xf32, #tpu.memory_space<hbm>> -> memref<4096xf32, #tpu.memory_space<hbm>>
      %dma_wait3A_468 = tpu.memref_slice %arg2[%mul3A_32] : memref<16384xf32, #tpu.memory_space<hbm>> -> memref<4096xf32, #tpu.memory_space<hbm>>
      tpu.wait_dma2 semaphore(%run_scoped3A : memref<!tpu.dma_semaphore, #tpu.memory_space<semaphore_mem>>) src(%dma_wait3A_468 : memref<4096xf32, #tpu.memory_space<hbm>>) dst(%arg11 : memref<4096xf32, #tpu.memory_space<vmem>>)
      tpu.yield
    }) : () -> ()
    %mul3A_33 = arith.constant 4096 : i32
    %mul3A_34 = arith.muli %select_n3A, %mul3A_33 : i32
    "tpu.region"() ({
      %run_scoped3A = tpu.sem_alloc : memref<!tpu.dma_semaphore, #tpu.memory_space<semaphore_mem>>
      %dma_start3A = tpu.memref_slice %arg3[%mul3A_34] : memref<16384xf32, #tpu.memory_space<hbm>> -> memref<4096xf32, #tpu.memory_space<hbm>>
      %dma_start3A_466 = tpu.memref_slice %arg3[%mul3A_34] : memref<16384xf32, #tpu.memory_space<hbm>> -> memref<4096xf32, #tpu.memory_space<hbm>>
      tpu.enqueue_dma source(%dma_start3A_466 : memref<4096xf32, #tpu.memory_space<hbm>>) target(%arg12 : memref<4096xf32, #tpu.memory_space<vmem>>) target_semaphore(%run_scoped3A : memref<!tpu.dma_semaphore, #tpu.memory_space<semaphore_mem>>)
      %dma_wait3A_467 = tpu.memref_slice %arg3[%mul3A_34] : memref<16384xf32, #tpu.memory_space<hbm>> -> memref<4096xf32, #tpu.memory_space<hbm>>
      %dma_wait3A_468 = tpu.memref_slice %arg3[%mul3A_34] : memref<16384xf32, #tpu.memory_space<hbm>> -> memref<4096xf32, #tpu.memory_space<hbm>>
      tpu.wait_dma2 semaphore(%run_scoped3A : memref<!tpu.dma_semaphore, #tpu.memory_space<semaphore_mem>>) src(%dma_wait3A_468 : memref<4096xf32, #tpu.memory_space<hbm>>) dst(%arg12 : memref<4096xf32, #tpu.memory_space<vmem>>)
      tpu.yield
    }) : () -> ()
    %mul3A_35 = arith.constant 4096 : i32
    %mul3A_36 = arith.muli %select_n3A, %mul3A_35 : i32
    "tpu.region"() ({
      %run_scoped3A = tpu.sem_alloc : memref<!tpu.dma_semaphore, #tpu.memory_space<semaphore_mem>>
      %dma_start3A = tpu.memref_slice %arg4[%mul3A_36] : memref<16384xf32, #tpu.memory_space<hbm>> -> memref<4096xf32, #tpu.memory_space<hbm>>
      %dma_start3A_466 = tpu.memref_slice %arg4[%mul3A_36] : memref<16384xf32, #tpu.memory_space<hbm>> -> memref<4096xf32, #tpu.memory_space<hbm>>
      tpu.enqueue_dma source(%dma_start3A_466 : memref<4096xf32, #tpu.memory_space<hbm>>) target(%arg13 : memref<4096xf32, #tpu.memory_space<vmem>>) target_semaphore(%run_scoped3A : memref<!tpu.dma_semaphore, #tpu.memory_space<semaphore_mem>>)
      %dma_wait3A_467 = tpu.memref_slice %arg4[%mul3A_36] : memref<16384xf32, #tpu.memory_space<hbm>> -> memref<4096xf32, #tpu.memory_space<hbm>>
      %dma_wait3A_468 = tpu.memref_slice %arg4[%mul3A_36] : memref<16384xf32, #tpu.memory_space<hbm>> -> memref<4096xf32, #tpu.memory_space<hbm>>
      tpu.wait_dma2 semaphore(%run_scoped3A : memref<!tpu.dma_semaphore, #tpu.memory_space<semaphore_mem>>) src(%dma_wait3A_468 : memref<4096xf32, #tpu.memory_space<hbm>>) dst(%arg13 : memref<4096xf32, #tpu.memory_space<vmem>>)
      tpu.yield
    }) : () -> ()
    %mul3A_37 = arith.constant 8 : i32
    %mul3A_38 = arith.muli %select_n3A, %mul3A_37 : i32
    %add3A_39 = arith.addi %mul3A_38, %select_n3A_30 : i32
    %mul3A_40 = arith.constant 128 : i32
    %mul3A_41 = arith.muli %add3A_39, %mul3A_40 : i32
    "tpu.region"() ({
      %run_scoped3A = tpu.sem_alloc : memref<!tpu.dma_semaphore, #tpu.memory_space<semaphore_mem>>
      %dma_start3A = tpu.memref_slice %arg5[%mul3A_41] : memref<4096xi32, #tpu.memory_space<hbm>> -> memref<128xi32, #tpu.memory_space<hbm>>
      %dma_start3A_466 = tpu.memref_slice %arg5[%mul3A_41] : memref<4096xi32, #tpu.memory_space<hbm>> -> memref<128xi32, #tpu.memory_space<hbm>>
      tpu.enqueue_dma source(%dma_start3A_466 : memref<128xi32, #tpu.memory_space<hbm>>) target(%arg14 : memref<128xi32, #tpu.memory_space<vmem>>) target_semaphore(%run_scoped3A : memref<!tpu.dma_semaphore, #tpu.memory_space<semaphore_mem>>)
      %dma_wait3A_467 = tpu.memref_slice %arg5[%mul3A_41] : memref<4096xi32, #tpu.memory_space<hbm>> -> memref<128xi32, #tpu.memory_space<hbm>>
      %dma_wait3A_468 = tpu.memref_slice %arg5[%mul3A_41] : memref<4096xi32, #tpu.memory_space<hbm>> -> memref<128xi32, #tpu.memory_space<hbm>>
      tpu.wait_dma2 semaphore(%run_scoped3A : memref<!tpu.dma_semaphore, #tpu.memory_space<semaphore_mem>>) src(%dma_wait3A_468 : memref<128xi32, #tpu.memory_space<hbm>>) dst(%arg14 : memref<128xi32, #tpu.memory_space<vmem>>)
      tpu.yield
    }) : () -> ()
    %iota3A = tpu.iota {dimensions = array<i32: 0>} : vector<16xi32>
    %scan3A = arith.constant 0 : i32
    %scan3A_42 = arith.constant 0 : i32
    %mul3A_43 = arith.constant 16 : i32
    %mul3A_44 = arith.muli %scan3A_42, %mul3A_43 : i32
    %get3A = arith.index_cast %mul3A_44 : i32 to index
    %get3A_45 = tpu.vector_load %arg14[%get3A] {strides = array<i32>} : memref<128xi32, #tpu.memory_space<vmem>>, vector<16xi32>,
    %gather3A = tpu.vector_load_idx %arg11[%get3A_45] : memref<4096xf32, #tpu.memory_space<vmem>>[vector<16xi32>], vector<16xf32>,
    %mul3A_46 = arith.constant 16 : i32
    %mul3A_47 = arith.muli %scan3A_42, %mul3A_46 : i32
    %swap3A = arith.index_cast %mul3A_47 : i32 to index
    %swap3A_48 = tpu.vector_load %arg15[%swap3A] {strides = array<i32>} : memref<128xf32, #tpu.memory_space<vmem>>, vector<16xf32>,
    tpu.vector_store %arg15[%swap3A], %gather3A {strides = array<i32>} : memref<128xf32, #tpu.memory_space<vmem>>, vector<16xf32>,
    %gather3A_49 = tpu.vector_load_idx %arg12[%get3A_45] : memref<4096xf32, #tpu.memory_space<vmem>>[vector<16xi32>], vector<16xf32>,
    %mul3A_50 = arith.constant 16 : i32
    %mul3A_51 = arith.muli %scan3A_42, %mul3A_50 : i32
    %swap3A_52 = arith.index_cast %mul3A_51 : i32 to index
    %swap3A_53 = tpu.vector_load %arg16[%swap3A_52] {strides = array<i32>} : memref<128xf32, #tpu.memory_space<vmem>>, vector<16xf32>,
    tpu.vector_store %arg16[%swap3A_52], %gather3A_49 {strides = array<i32>} : memref<128xf32, #tpu.memory_space<vmem>>, vector<16xf32>,
    %gather3A_54 = tpu.vector_load_idx %arg13[%get3A_45] : memref<4096xf32, #tpu.memory_space<vmem>>[vector<16xi32>], vector<16xf32>,
    %mul3A_55 = arith.constant 16 : i32
    %mul3A_56 = arith.muli %scan3A_42, %mul3A_55 : i32
    %swap3A_57 = arith.index_cast %mul3A_56 : i32 to index
    %swap3A_58 = tpu.vector_load %arg17[%swap3A_57] {strides = array<i32>} : memref<128xf32, #tpu.memory_space<vmem>>, vector<16xf32>,
    tpu.vector_store %arg17[%swap3A_57], %gather3A_54 {strides = array<i32>} : memref<128xf32, #tpu.memory_space<vmem>>, vector<16xf32>,
    %scan3A_59 = arith.constant 0 : i32
    %scan3A_60 = arith.constant 1 : i32
    %mul3A_61 = arith.constant 16 : i32
    %mul3A_62 = arith.muli %scan3A_60, %mul3A_61 : i32
    %get3A_63 = arith.index_cast %mul3A_62 : i32 to index
    %get3A_64 = tpu.vector_load %arg14[%get3A_63] {strides = array<i32>} : memref<128xi32, #tpu.memory_space<vmem>>, vector<16xi32>,
    %gather3A_65 = tpu.vector_load_idx %arg11[%get3A_64] : memref<4096xf32, #tpu.memory_space<vmem>>[vector<16xi32>], vector<16xf32>,
    %mul3A_66 = arith.constant 16 : i32
    %mul3A_67 = arith.muli %scan3A_60, %mul3A_66 : i32
    %swap3A_68 = arith.index_cast %mul3A_67 : i32 to index
    %swap3A_69 = tpu.vector_load %arg15[%swap3A_68] {strides = array<i32>} : memref<128xf32, #tpu.memory_space<vmem>>, vector<16xf32>,
    tpu.vector_store %arg15[%swap3A_68], %gather3A_65 {strides = array<i32>} : memref<128xf32, #tpu.memory_space<vmem>>, vector<16xf32>,
    %gather3A_70 = tpu.vector_load_idx %arg12[%get3A_64] : memref<4096xf32, #tpu.memory_space<vmem>>[vector<16xi32>], vector<16xf32>,
    %mul3A_71 = arith.constant 16 : i32
    %mul3A_72 = arith.muli %scan3A_60, %mul3A_71 : i32
    %swap3A_73 = arith.index_cast %mul3A_72 : i32 to index
    %swap3A_74 = tpu.vector_load %arg16[%swap3A_73] {strides = array<i32>} : memref<128xf32, #tpu.memory_space<vmem>>, vector<16xf32>,
    tpu.vector_store %arg16[%swap3A_73], %gather3A_70 {strides = array<i32>} : memref<128xf32, #tpu.memory_space<vmem>>, vector<16xf32>,
    %gather3A_75 = tpu.vector_load_idx %arg13[%get3A_64] : memref<4096xf32, #tpu.memory_space<vmem>>[vector<16xi32>], vector<16xf32>,
    %mul3A_76 = arith.constant 16 : i32
    %mul3A_77 = arith.muli %scan3A_60, %mul3A_76 : i32
    %swap3A_78 = arith.index_cast %mul3A_77 : i32 to index
    %swap3A_79 = tpu.vector_load %arg17[%swap3A_78] {strides = array<i32>} : memref<128xf32, #tpu.memory_space<vmem>>, vector<16xf32>,
    tpu.vector_store %arg17[%swap3A_78], %gather3A_75 {strides = array<i32>} : memref<128xf32, #tpu.memory_space<vmem>>, vector<16xf32>,
    %scan3A_80 = arith.constant 0 : i32
    %scan3A_81 = arith.constant 2 : i32
    %mul3A_82 = arith.constant 16 : i32
    %mul3A_83 = arith.muli %scan3A_81, %mul3A_82 : i32
    %get3A_84 = arith.index_cast %mul3A_83 : i32 to index
    %get3A_85 = tpu.vector_load %arg14[%get3A_84] {strides = array<i32>} : memref<128xi32, #tpu.memory_space<vmem>>, vector<16xi32>,
    %gather3A_86 = tpu.vector_load_idx %arg11[%get3A_85] : memref<4096xf32, #tpu.memory_space<vmem>>[vector<16xi32>], vector<16xf32>,
    %mul3A_87 = arith.constant 16 : i32
    %mul3A_88 = arith.muli %scan3A_81, %mul3A_87 : i32
    %swap3A_89 = arith.index_cast %mul3A_88 : i32 to index
    %swap3A_90 = tpu.vector_load %arg15[%swap3A_89] {strides = array<i32>} : memref<128xf32, #tpu.memory_space<vmem>>, vector<16xf32>,
    tpu.vector_store %arg15[%swap3A_89], %gather3A_86 {strides = array<i32>} : memref<128xf32, #tpu.memory_space<vmem>>, vector<16xf32>,
    %gather3A_91 = tpu.vector_load_idx %arg12[%get3A_85] : memref<4096xf32, #tpu.memory_space<vmem>>[vector<16xi32>], vector<16xf32>,
    %mul3A_92 = arith.constant 16 : i32
    %mul3A_93 = arith.muli %scan3A_81, %mul3A_92 : i32
    %swap3A_94 = arith.index_cast %mul3A_93 : i32 to index
    %swap3A_95 = tpu.vector_load %arg16[%swap3A_94] {strides = array<i32>} : memref<128xf32, #tpu.memory_space<vmem>>, vector<16xf32>,
    tpu.vector_store %arg16[%swap3A_94], %gather3A_91 {strides = array<i32>} : memref<128xf32, #tpu.memory_space<vmem>>, vector<16xf32>,
    %gather3A_96 = tpu.vector_load_idx %arg13[%get3A_85] : memref<4096xf32, #tpu.memory_space<vmem>>[vector<16xi32>], vector<16xf32>,
    %mul3A_97 = arith.constant 16 : i32
    %mul3A_98 = arith.muli %scan3A_81, %mul3A_97 : i32
    %swap3A_99 = arith.index_cast %mul3A_98 : i32 to index
    %swap3A_100 = tpu.vector_load %arg17[%swap3A_99] {strides = array<i32>} : memref<128xf32, #tpu.memory_space<vmem>>, vector<16xf32>,
    tpu.vector_store %arg17[%swap3A_99], %gather3A_96 {strides = array<i32>} : memref<128xf32, #tpu.memory_space<vmem>>, vector<16xf32>,
    %scan3A_101 = arith.constant 0 : i32
    %scan3A_102 = arith.constant 3 : i32
    %mul3A_103 = arith.constant 16 : i32
    %mul3A_104 = arith.muli %scan3A_102, %mul3A_103 : i32
    %get3A_105 = arith.index_cast %mul3A_104 : i32 to index
    %get3A_106 = tpu.vector_load %arg14[%get3A_105] {strides = array<i32>} : memref<128xi32, #tpu.memory_space<vmem>>, vector<16xi32>,
    %gather3A_107 = tpu.vector_load_idx %arg11[%get3A_106] : memref<4096xf32, #tpu.memory_space<vmem>>[vector<16xi32>], vector<16xf32>,
    %mul3A_108 = arith.constant 16 : i32
    %mul3A_109 = arith.muli %scan3A_102, %mul3A_108 : i32
    %swap3A_110 = arith.index_cast %mul3A_109 : i32 to index
    %swap3A_111 = tpu.vector_load %arg15[%swap3A_110] {strides = array<i32>} : memref<128xf32, #tpu.memory_space<vmem>>, vector<16xf32>,
    tpu.vector_store %arg15[%swap3A_110], %gather3A_107 {strides = array<i32>} : memref<128xf32, #tpu.memory_space<vmem>>, vector<16xf32>,
    %gather3A_112 = tpu.vector_load_idx %arg12[%get3A_106] : memref<4096xf32, #tpu.memory_space<vmem>>[vector<16xi32>], vector<16xf32>,
    %mul3A_113 = arith.constant 16 : i32
    %mul3A_114 = arith.muli %scan3A_102, %mul3A_113 : i32
    %swap3A_115 = arith.index_cast %mul3A_114 : i32 to index
    %swap3A_116 = tpu.vector_load %arg16[%swap3A_115] {strides = array<i32>} : memref<128xf32, #tpu.memory_space<vmem>>, vector<16xf32>,
    tpu.vector_store %arg16[%swap3A_115], %gather3A_112 {strides = array<i32>} : memref<128xf32, #tpu.memory_space<vmem>>, vector<16xf32>,
    %gather3A_117 = tpu.vector_load_idx %arg13[%get3A_106] : memref<4096xf32, #tpu.memory_space<vmem>>[vector<16xi32>], vector<16xf32>,
    %mul3A_118 = arith.constant 16 : i32
    %mul3A_119 = arith.muli %scan3A_102, %mul3A_118 : i32
    %swap3A_120 = arith.index_cast %mul3A_119 : i32 to index
    %swap3A_121 = tpu.vector_load %arg17[%swap3A_120] {strides = array<i32>} : memref<128xf32, #tpu.memory_space<vmem>>, vector<16xf32>,
    tpu.vector_store %arg17[%swap3A_120], %gather3A_117 {strides = array<i32>} : memref<128xf32, #tpu.memory_space<vmem>>, vector<16xf32>,
    %scan3A_122 = arith.constant 0 : i32
    %scan3A_123 = arith.constant 4 : i32
    %mul3A_124 = arith.constant 16 : i32
    %mul3A_125 = arith.muli %scan3A_123, %mul3A_124 : i32
    %get3A_126 = arith.index_cast %mul3A_125 : i32 to index
    %get3A_127 = tpu.vector_load %arg14[%get3A_126] {strides = array<i32>} : memref<128xi32, #tpu.memory_space<vmem>>, vector<16xi32>,
    %gather3A_128 = tpu.vector_load_idx %arg11[%get3A_127] : memref<4096xf32, #tpu.memory_space<vmem>>[vector<16xi32>], vector<16xf32>,
    %mul3A_129 = arith.constant 16 : i32
    %mul3A_130 = arith.muli %scan3A_123, %mul3A_129 : i32
    %swap3A_131 = arith.index_cast %mul3A_130 : i32 to index
    %swap3A_132 = tpu.vector_load %arg15[%swap3A_131] {strides = array<i32>} : memref<128xf32, #tpu.memory_space<vmem>>, vector<16xf32>,
    tpu.vector_store %arg15[%swap3A_131], %gather3A_128 {strides = array<i32>} : memref<128xf32, #tpu.memory_space<vmem>>, vector<16xf32>,
    %gather3A_133 = tpu.vector_load_idx %arg12[%get3A_127] : memref<4096xf32, #tpu.memory_space<vmem>>[vector<16xi32>], vector<16xf32>,
    %mul3A_134 = arith.constant 16 : i32
    %mul3A_135 = arith.muli %scan3A_123, %mul3A_134 : i32
    %swap3A_136 = arith.index_cast %mul3A_135 : i32 to index
    %swap3A_137 = tpu.vector_load %arg16[%swap3A_136] {strides = array<i32>} : memref<128xf32, #tpu.memory_space<vmem>>, vector<16xf32>,
    tpu.vector_store %arg16[%swap3A_136], %gather3A_133 {strides = array<i32>} : memref<128xf32, #tpu.memory_space<vmem>>, vector<16xf32>,
    %gather3A_138 = tpu.vector_load_idx %arg13[%get3A_127] : memref<4096xf32, #tpu.memory_space<vmem>>[vector<16xi32>], vector<16xf32>,
    %mul3A_139 = arith.constant 16 : i32
    %mul3A_140 = arith.muli %scan3A_123, %mul3A_139 : i32
    %swap3A_141 = arith.index_cast %mul3A_140 : i32 to index
    %swap3A_142 = tpu.vector_load %arg17[%swap3A_141] {strides = array<i32>} : memref<128xf32, #tpu.memory_space<vmem>>, vector<16xf32>,
    tpu.vector_store %arg17[%swap3A_141], %gather3A_138 {strides = array<i32>} : memref<128xf32, #tpu.memory_space<vmem>>, vector<16xf32>,
    %scan3A_143 = arith.constant 0 : i32
    %scan3A_144 = arith.constant 5 : i32
    %mul3A_145 = arith.constant 16 : i32
    %mul3A_146 = arith.muli %scan3A_144, %mul3A_145 : i32
    %get3A_147 = arith.index_cast %mul3A_146 : i32 to index
    %get3A_148 = tpu.vector_load %arg14[%get3A_147] {strides = array<i32>} : memref<128xi32, #tpu.memory_space<vmem>>, vector<16xi32>,
    %gather3A_149 = tpu.vector_load_idx %arg11[%get3A_148] : memref<4096xf32, #tpu.memory_space<vmem>>[vector<16xi32>], vector<16xf32>,
    %mul3A_150 = arith.constant 16 : i32
    %mul3A_151 = arith.muli %scan3A_144, %mul3A_150 : i32
    %swap3A_152 = arith.index_cast %mul3A_151 : i32 to index
    %swap3A_153 = tpu.vector_load %arg15[%swap3A_152] {strides = array<i32>} : memref<128xf32, #tpu.memory_space<vmem>>, vector<16xf32>,
    tpu.vector_store %arg15[%swap3A_152], %gather3A_149 {strides = array<i32>} : memref<128xf32, #tpu.memory_space<vmem>>, vector<16xf32>,
    %gather3A_154 = tpu.vector_load_idx %arg12[%get3A_148] : memref<4096xf32, #tpu.memory_space<vmem>>[vector<16xi32>], vector<16xf32>,
    %mul3A_155 = arith.constant 16 : i32
    %mul3A_156 = arith.muli %scan3A_144, %mul3A_155 : i32
    %swap3A_157 = arith.index_cast %mul3A_156 : i32 to index
    %swap3A_158 = tpu.vector_load %arg16[%swap3A_157] {strides = array<i32>} : memref<128xf32, #tpu.memory_space<vmem>>, vector<16xf32>,
    tpu.vector_store %arg16[%swap3A_157], %gather3A_154 {strides = array<i32>} : memref<128xf32, #tpu.memory_space<vmem>>, vector<16xf32>,
    %gather3A_159 = tpu.vector_load_idx %arg13[%get3A_148] : memref<4096xf32, #tpu.memory_space<vmem>>[vector<16xi32>], vector<16xf32>,
    %mul3A_160 = arith.constant 16 : i32
    %mul3A_161 = arith.muli %scan3A_144, %mul3A_160 : i32
    %swap3A_162 = arith.index_cast %mul3A_161 : i32 to index
    %swap3A_163 = tpu.vector_load %arg17[%swap3A_162] {strides = array<i32>} : memref<128xf32, #tpu.memory_space<vmem>>, vector<16xf32>,
    tpu.vector_store %arg17[%swap3A_162], %gather3A_159 {strides = array<i32>} : memref<128xf32, #tpu.memory_space<vmem>>, vector<16xf32>,
    %scan3A_164 = arith.constant 0 : i32
    %scan3A_165 = arith.constant 6 : i32
    %mul3A_166 = arith.constant 16 : i32
    %mul3A_167 = arith.muli %scan3A_165, %mul3A_166 : i32
    %get3A_168 = arith.index_cast %mul3A_167 : i32 to index
    %get3A_169 = tpu.vector_load %arg14[%get3A_168] {strides = array<i32>} : memref<128xi32, #tpu.memory_space<vmem>>, vector<16xi32>,
    %gather3A_170 = tpu.vector_load_idx %arg11[%get3A_169] : memref<4096xf32, #tpu.memory_space<vmem>>[vector<16xi32>], vector<16xf32>,
    %mul3A_171 = arith.constant 16 : i32
    %mul3A_172 = arith.muli %scan3A_165, %mul3A_171 : i32
    %swap3A_173 = arith.index_cast %mul3A_172 : i32 to index
    %swap3A_174 = tpu.vector_load %arg15[%swap3A_173] {strides = array<i32>} : memref<128xf32, #tpu.memory_space<vmem>>, vector<16xf32>,
    tpu.vector_store %arg15[%swap3A_173], %gather3A_170 {strides = array<i32>} : memref<128xf32, #tpu.memory_space<vmem>>, vector<16xf32>,
    %gather3A_175 = tpu.vector_load_idx %arg12[%get3A_169] : memref<4096xf32, #tpu.memory_space<vmem>>[vector<16xi32>], vector<16xf32>,
    %mul3A_176 = arith.constant 16 : i32
    %mul3A_177 = arith.muli %scan3A_165, %mul3A_176 : i32
    %swap3A_178 = arith.index_cast %mul3A_177 : i32 to index
    %swap3A_179 = tpu.vector_load %arg16[%swap3A_178] {strides = array<i32>} : memref<128xf32, #tpu.memory_space<vmem>>, vector<16xf32>,
    tpu.vector_store %arg16[%swap3A_178], %gather3A_175 {strides = array<i32>} : memref<128xf32, #tpu.memory_space<vmem>>, vector<16xf32>,
    %gather3A_180 = tpu.vector_load_idx %arg13[%get3A_169] : memref<4096xf32, #tpu.memory_space<vmem>>[vector<16xi32>], vector<16xf32>,
    %mul3A_181 = arith.constant 16 : i32
    %mul3A_182 = arith.muli %scan3A_165, %mul3A_181 : i32
    %swap3A_183 = arith.index_cast %mul3A_182 : i32 to index
    %swap3A_184 = tpu.vector_load %arg17[%swap3A_183] {strides = array<i32>} : memref<128xf32, #tpu.memory_space<vmem>>, vector<16xf32>,
    tpu.vector_store %arg17[%swap3A_183], %gather3A_180 {strides = array<i32>} : memref<128xf32, #tpu.memory_space<vmem>>, vector<16xf32>,
    %scan3A_185 = arith.constant 0 : i32
    %scan3A_186 = arith.constant 7 : i32
    %mul3A_187 = arith.constant 16 : i32
    %mul3A_188 = arith.muli %scan3A_186, %mul3A_187 : i32
    %get3A_189 = arith.index_cast %mul3A_188 : i32 to index
    %get3A_190 = tpu.vector_load %arg14[%get3A_189] {strides = array<i32>} : memref<128xi32, #tpu.memory_space<vmem>>, vector<16xi32>,
    %gather3A_191 = tpu.vector_load_idx %arg11[%get3A_190] : memref<4096xf32, #tpu.memory_space<vmem>>[vector<16xi32>], vector<16xf32>,
    %mul3A_192 = arith.constant 16 : i32
    %mul3A_193 = arith.muli %scan3A_186, %mul3A_192 : i32
    %swap3A_194 = arith.index_cast %mul3A_193 : i32 to index
    %swap3A_195 = tpu.vector_load %arg15[%swap3A_194] {strides = array<i32>} : memref<128xf32, #tpu.memory_space<vmem>>, vector<16xf32>,
    tpu.vector_store %arg15[%swap3A_194], %gather3A_191 {strides = array<i32>} : memref<128xf32, #tpu.memory_space<vmem>>, vector<16xf32>,
    %gather3A_196 = tpu.vector_load_idx %arg12[%get3A_190] : memref<4096xf32, #tpu.memory_space<vmem>>[vector<16xi32>], vector<16xf32>,
    %mul3A_197 = arith.constant 16 : i32
    %mul3A_198 = arith.muli %scan3A_186, %mul3A_197 : i32
    %swap3A_199 = arith.index_cast %mul3A_198 : i32 to index
    %swap3A_200 = tpu.vector_load %arg16[%swap3A_199] {strides = array<i32>} : memref<128xf32, #tpu.memory_space<vmem>>, vector<16xf32>,
    tpu.vector_store %arg16[%swap3A_199], %gather3A_196 {strides = array<i32>} : memref<128xf32, #tpu.memory_space<vmem>>, vector<16xf32>,
    %gather3A_201 = tpu.vector_load_idx %arg13[%get3A_190] : memref<4096xf32, #tpu.memory_space<vmem>>[vector<16xi32>], vector<16xf32>,
    %mul3A_202 = arith.constant 16 : i32
    %mul3A_203 = arith.muli %scan3A_186, %mul3A_202 : i32
    %swap3A_204 = arith.index_cast %mul3A_203 : i32 to index
    %swap3A_205 = tpu.vector_load %arg17[%swap3A_204] {strides = array<i32>} : memref<128xf32, #tpu.memory_space<vmem>>, vector<16xf32>,
    tpu.vector_store %arg17[%swap3A_204], %gather3A_201 {strides = array<i32>} : memref<128xf32, #tpu.memory_space<vmem>>, vector<16xf32>,
    %scan3A_206 = arith.constant 0 : i32
    %scan3A_207 = arith.constant 8 : i32
    %mul3A_208 = arith.constant 8 : i32
    %mul3A_209 = arith.muli %select_n3A, %mul3A_208 : i32
    %add3A_210 = arith.addi %mul3A_209, %select_n3A_30 : i32
    %mul3A_211 = arith.constant 3 : i32
    %mul3A_212 = arith.muli %add3A_210, %mul3A_211 : i32
    %mul3A_213 = arith.constant 128 : i32
    %mul3A_214 = arith.muli %mul3A_212, %mul3A_213 : i32
    "tpu.region"() ({
      %run_scoped3A = tpu.sem_alloc : memref<!tpu.dma_semaphore, #tpu.memory_space<semaphore_mem>>
      %dma_start3A = tpu.memref_slice %arg9[%mul3A_214] : memref<12288xf32, #tpu.memory_space<hbm>> -> memref<128xf32, #tpu.memory_space<hbm>>
      %dma_start3A_466 = tpu.memref_slice %arg9[%mul3A_214] : memref<12288xf32, #tpu.memory_space<hbm>> -> memref<128xf32, #tpu.memory_space<hbm>>
      tpu.enqueue_dma source(%arg15 : memref<128xf32, #tpu.memory_space<vmem>>) target(%dma_start3A_466 : memref<128xf32, #tpu.memory_space<hbm>>) target_semaphore(%run_scoped3A : memref<!tpu.dma_semaphore, #tpu.memory_space<semaphore_mem>>)
      %dma_wait3A_467 = tpu.memref_slice %arg9[%mul3A_214] : memref<12288xf32, #tpu.memory_space<hbm>> -> memref<128xf32, #tpu.memory_space<hbm>>
      %dma_wait3A_468 = tpu.memref_slice %arg9[%mul3A_214] : memref<12288xf32, #tpu.memory_space<hbm>> -> memref<128xf32, #tpu.memory_space<hbm>>
      tpu.wait_dma2 semaphore(%run_scoped3A : memref<!tpu.dma_semaphore, #tpu.memory_space<semaphore_mem>>) src(%arg15 : memref<128xf32, #tpu.memory_space<vmem>>) dst(%dma_wait3A_468 : memref<128xf32, #tpu.memory_space<hbm>>)
      tpu.yield
    }) : () -> ()
    %add3A_215 = arith.constant 128 : i32
    %add3A_216 = arith.addi %mul3A_214, %add3A_215 : i32
    "tpu.region"() ({
      %run_scoped3A = tpu.sem_alloc : memref<!tpu.dma_semaphore, #tpu.memory_space<semaphore_mem>>
      %dma_start3A = tpu.memref_slice %arg9[%add3A_216] : memref<12288xf32, #tpu.memory_space<hbm>> -> memref<128xf32, #tpu.memory_space<hbm>>
      %dma_start3A_466 = tpu.memref_slice %arg9[%add3A_216] : memref<12288xf32, #tpu.memory_space<hbm>> -> memref<128xf32, #tpu.memory_space<hbm>>
      tpu.enqueue_dma source(%arg16 : memref<128xf32, #tpu.memory_space<vmem>>) target(%dma_start3A_466 : memref<128xf32, #tpu.memory_space<hbm>>) target_semaphore(%run_scoped3A : memref<!tpu.dma_semaphore, #tpu.memory_space<semaphore_mem>>)
      %dma_wait3A_467 = tpu.memref_slice %arg9[%add3A_216] : memref<12288xf32, #tpu.memory_space<hbm>> -> memref<128xf32, #tpu.memory_space<hbm>>
      %dma_wait3A_468 = tpu.memref_slice %arg9[%add3A_216] : memref<12288xf32, #tpu.memory_space<hbm>> -> memref<128xf32, #tpu.memory_space<hbm>>
      tpu.wait_dma2 semaphore(%run_scoped3A : memref<!tpu.dma_semaphore, #tpu.memory_space<semaphore_mem>>) src(%arg16 : memref<128xf32, #tpu.memory_space<vmem>>) dst(%dma_wait3A_468 : memref<128xf32, #tpu.memory_space<hbm>>)
      tpu.yield
    }) : () -> ()
    %add3A_217 = arith.constant 256 : i32
    %add3A_218 = arith.addi %mul3A_214, %add3A_217 : i32
    "tpu.region"() ({
      %run_scoped3A = tpu.sem_alloc : memref<!tpu.dma_semaphore, #tpu.memory_space<semaphore_mem>>
      %dma_start3A = tpu.memref_slice %arg9[%add3A_218] : memref<12288xf32, #tpu.memory_space<hbm>> -> memref<128xf32, #tpu.memory_space<hbm>>
      %dma_start3A_466 = tpu.memref_slice %arg9[%add3A_218] : memref<12288xf32, #tpu.memory_space<hbm>> -> memref<128xf32, #tpu.memory_space<hbm>>
      tpu.enqueue_dma source(%arg17 : memref<128xf32, #tpu.memory_space<vmem>>) target(%dma_start3A_466 : memref<128xf32, #tpu.memory_space<hbm>>) target_semaphore(%run_scoped3A : memref<!tpu.dma_semaphore, #tpu.memory_space<semaphore_mem>>)
      %dma_wait3A_467 = tpu.memref_slice %arg9[%add3A_218] : memref<12288xf32, #tpu.memory_space<hbm>> -> memref<128xf32, #tpu.memory_space<hbm>>
      %dma_wait3A_468 = tpu.memref_slice %arg9[%add3A_218] : memref<12288xf32, #tpu.memory_space<hbm>> -> memref<128xf32, #tpu.memory_space<hbm>>
      tpu.wait_dma2 semaphore(%run_scoped3A : memref<!tpu.dma_semaphore, #tpu.memory_space<semaphore_mem>>) src(%arg17 : memref<128xf32, #tpu.memory_space<vmem>>) dst(%dma_wait3A_468 : memref<128xf32, #tpu.memory_space<hbm>>)
      tpu.yield
    }) : () -> ()
    %mul3A_219 = arith.constant 4096 : i32
    %mul3A_220 = arith.muli %select_n3A, %mul3A_219 : i32
    %scan3A_221 = arith.constant 0 : i32
    %scan3A_222 = arith.constant 0 : i32
    %scan3A_223 = arith.constant 128 : i32
    %scan3A_224 = arith.addi %scan3A_222, %scan3A_223 : i32
    %scan3A_225 = arith.constant 1 : i32
    %scan3A_226 = scf.for %scan3A_466 = %scan3A_222 to %scan3A_224 step %scan3A_225 iter_args(%scan3A_467 = %scan3A_221) -> (i32)  : i32 {
      %and3A_468 = arith.constant 1 : i32
      %and3A_469 = arith.andi %scan3A_466, %and3A_468 : i32
      %mul3A_470 = arith.constant 128 : i32
      %mul3A_471 = arith.muli %and3A_469, %mul3A_470 : i32
      %broadcast_in_dim3A = vector.broadcast %scan3A_466 : i32 to vector<16xi32>
      %gather3A_472 = tpu.vector_load_idx %arg15[%broadcast_in_dim3A] : memref<128xf32, #tpu.memory_space<vmem>>[vector<16xi32>], vector<16xf32>,
      %gather3A_473 = tpu.vector_load_idx %arg16[%broadcast_in_dim3A] : memref<128xf32, #tpu.memory_space<vmem>>[vector<16xi32>], vector<16xf32>,
      %gather3A_474 = tpu.vector_load_idx %arg17[%broadcast_in_dim3A] : memref<128xf32, #tpu.memory_space<vmem>>[vector<16xi32>], vector<16xf32>,
      %add3A_475 = arith.constant 48 : i32
      %add3A_476 = arith.addi %mul3A_471, %add3A_475 : i32
      %while3A = arith.constant 0 : i32
      %while3A_477 = arith.constant 0 : i32
      %while3A_478:2 = scf.while (%while3A_536 = %while3A, %while3A_537 = %while3A_477) : (i32, i32) -> (i32, i32) {
        %lt3A_538 = arith.constant 256 : i32
        %lt3A_539 = arith.cmpi slt, %while3A_536, %lt3A_538 : i32
        %lt3A_540 = arith.constant 64 : i32
        %lt3A_541 = arith.cmpi slt, %while3A_537, %lt3A_540 : i32
        %and3A_542 = arith.andi %lt3A_539, %lt3A_541 : i1
        scf.condition(%and3A_542) %while3A_536, %while3A_537 : i32, i32
      } do {
      ^bb0(%while3A_536: i32, %while3A_537: i32):
        %mul3A_538 = arith.constant 16 : i32
        %mul3A_539 = arith.muli %while3A_536, %mul3A_538 : i32
        %get3A_540 = arith.index_cast %mul3A_539 : i32 to index
        %get3A_541 = tpu.vector_load %arg11[%get3A_540] {strides = array<i32>} : memref<4096xf32, #tpu.memory_space<vmem>>, vector<16xf32>,
        %mul3A_542 = arith.constant 16 : i32
        %mul3A_543 = arith.muli %while3A_536, %mul3A_542 : i32
        %get3A_544 = arith.index_cast %mul3A_543 : i32 to index
        %get3A_545 = tpu.vector_load %arg12[%get3A_544] {strides = array<i32>} : memref<4096xf32, #tpu.memory_space<vmem>>, vector<16xf32>,
        %mul3A_546 = arith.constant 16 : i32
        %mul3A_547 = arith.muli %while3A_536, %mul3A_546 : i32
        %get3A_548 = arith.index_cast %mul3A_547 : i32 to index
        %get3A_549 = tpu.vector_load %arg13[%get3A_548] {strides = array<i32>} : memref<4096xf32, #tpu.memory_space<vmem>>, vector<16xf32>,
        %sub3A_550 = arith.subf %get3A_541, %gather3A_472 : vector<16xf32>
        %sub3A_551 = arith.subf %get3A_545, %gather3A_473 : vector<16xf32>
        %sub3A_552 = arith.subf %get3A_549, %gather3A_474 : vector<16xf32>
        %mul3A_553 = arith.mulf %sub3A_550, %sub3A_550 : vector<16xf32>
        %mul3A_554 = arith.mulf %sub3A_551, %sub3A_551 : vector<16xf32>
        %add3A_555 = arith.addf %mul3A_553, %mul3A_554 : vector<16xf32>
        %mul3A_556 = arith.mulf %sub3A_552, %sub3A_552 : vector<16xf32>
        %add3A_557 = arith.addf %add3A_555, %mul3A_556 : vector<16xf32>
        %le3A = arith.constant 6.400000e-01 : f32
        %le3A_558 = vector.broadcast %le3A : f32 to vector<16xf32>
        %le3A_559 = arith.cmpf ole, %add3A_557, %le3A_558 : vector<16xf32>
        %mul3A_560 = arith.constant 16 : i32
        %mul3A_561 = arith.muli %while3A_536, %mul3A_560 : i32
        %add3A_562 = arith.addi %mul3A_561, %mul3A_220 : i32
        %add3A_563 = vector.broadcast %add3A_562 : i32 to vector<16xi32>
        %add3A_564 = arith.addi %iota3A, %add3A_563 : vector<16xi32>
        %jit3A_565 = arith.constant 1 : i32
        %jit3A_566 = arith.constant 0 : i32
        %broadcast_in_dim3A_567 = vector.broadcast %jit3A_565 : i32 to vector<16xi32>
        %broadcast_in_dim3A_568 = vector.broadcast %jit3A_566 : i32 to vector<16xi32>
        %select_n3A_569 = arith.select %le3A_559, %broadcast_in_dim3A_567, %broadcast_in_dim3A_568 : vector<16xi1>, vector<16xi32>
        %broadcast_in_dim3A_570 = arith.constant true
        %broadcast_in_dim3A_571 = vector.broadcast %broadcast_in_dim3A_570 : i1 to vector<16xi1>
        %masked_cumsum3A = tpu.scan <sum>, %select_n3A_569 masked %broadcast_in_dim3A_571 : vector<16xi32>, vector<16xi1> -> vector<16xi32>
        %sub3A_572 = arith.constant 64 : i32
        %sub3A_573 = arith.subi %sub3A_572, %while3A_537 : i32
        %le3A_574 = vector.broadcast %sub3A_573 : i32 to vector<16xi32>
        %le3A_575 = arith.cmpi sle, %masked_cumsum3A, %le3A_574 : vector<16xi32>
        %and3A_576 = arith.andi %le3A_559, %le3A_575 : vector<16xi1>
        %add3A_577 = arith.addi %add3A_476, %while3A_537 : i32
        %swap3A_578 = arith.index_cast %add3A_577 : i32 to index
        %swap3A_579 = tpu.vector_load %arg18[%swap3A_578] masked %and3A_576 {strides = array<i32>} : memref<256xi32, #tpu.memory_space<vmem>>, vector<16xi32>, vector<16xi1>
        tpu.vector_store %arg18[%swap3A_578], %add3A_564 masked %and3A_576 {strides = array<i32>} : memref<256xi32, #tpu.memory_space<vmem>>, vector<16xi32>, vector<16xi1>
        %all_reduce_population_count3A = tpu.all_reduce %and3A_576 {dim = 0 : i64, kind = #tpu.reduction_kind<sum>} : vector<16xi1> -> vector<16xi32>
        %reduce_max3A = arith.constant true
        %reduce_max3A_580 = vector.broadcast %reduce_max3A : i1 to vector<16xi1>
        %reduce_max3A_581 = arith.constant -2147483648 : i32
        %reduce_max3A_582 = vector.broadcast %reduce_max3A_581 : i32 to vector<16xi32>
        %reduce_max3A_583 = arith.xori %all_reduce_population_count3A, %reduce_max3A_582 : vector<16xi32>
        %reduce_max3A_584 = tpu.scan <max>, %reduce_max3A_583 masked %reduce_max3A_580 : vector<16xi32>, vector<16xi1> -> vector<16xi32>
        %reduce_max3A_585 = arith.xori %reduce_max3A_584, %reduce_max3A_582 : vector<16xi32>
        %reduce_max3A_586 = vector.extract %reduce_max3A_585[15] : i32 from vector<16xi32>
        %add3A_587 = arith.constant 1 : i32
        %add3A_588 = arith.addi %while3A_536, %add3A_587 : i32
        %add3A_589 = arith.addi %while3A_537, %reduce_max3A_586 : i32
        scf.yield %add3A_588, %add3A_589 : i32, i32
      }
      %broadcast_in_dim3A_479 = vector.broadcast %add3A_476 : i32 to vector<16xi32>
      %gather3A_480 = tpu.vector_load_idx %arg18[%broadcast_in_dim3A_479] : memref<256xi32, #tpu.memory_space<vmem>>[vector<16xi32>], vector<16xi32>,
      %while3A_481 = scf.while (%while3A_536 = %while3A_478#1) : (i32) -> i32 {
        %lt3A_537 = arith.constant 64 : i32
        %lt3A_538 = arith.cmpi slt, %while3A_536, %lt3A_537 : i32
        scf.condition(%lt3A_538) %while3A_536 : i32
      } do {
      ^bb0(%while3A_536: i32):
        %add3A_537 = arith.addi %add3A_476, %while3A_536 : i32
        %sub3A_538 = arith.constant 64 : i32
        %sub3A_539 = arith.subi %sub3A_538, %while3A_536 : i32
        %lt3A_540 = vector.broadcast %sub3A_539 : i32 to vector<16xi32>
        %lt3A_541 = arith.cmpi slt, %iota3A, %lt3A_540 : vector<16xi32>
        %swap3A_542 = arith.index_cast %add3A_537 : i32 to index
        %swap3A_543 = tpu.vector_load %arg18[%swap3A_542] masked %lt3A_541 {strides = array<i32>} : memref<256xi32, #tpu.memory_space<vmem>>, vector<16xi32>, vector<16xi1>
        tpu.vector_store %arg18[%swap3A_542], %gather3A_480 masked %lt3A_541 {strides = array<i32>} : memref<256xi32, #tpu.memory_space<vmem>>, vector<16xi32>, vector<16xi1>
        %sub3A_544 = arith.constant 64 : i32
        %sub3A_545 = arith.subi %sub3A_544, %while3A_536 : i32
        %min3A = arith.constant 16 : i32
        %min3A_546 = arith.minsi %sub3A_545, %min3A : i32
        %add3A_547 = arith.addi %while3A_536, %min3A_546 : i32
        scf.yield %add3A_547 : i32
      }
      %add3A_482 = arith.constant 16 : i32
      %add3A_483 = arith.addi %mul3A_471, %add3A_482 : i32
      %while3A_484 = arith.constant 0 : i32
      %while3A_485 = arith.constant 0 : i32
      %while3A_486:2 = scf.while (%while3A_536 = %while3A_484, %while3A_537 = %while3A_485) : (i32, i32) -> (i32, i32) {
        %lt3A_538 = arith.constant 256 : i32
        %lt3A_539 = arith.cmpi slt, %while3A_536, %lt3A_538 : i32
        %lt3A_540 = arith.constant 32 : i32
        %lt3A_541 = arith.cmpi slt, %while3A_537, %lt3A_540 : i32
        %and3A_542 = arith.andi %lt3A_539, %lt3A_541 : i1
        scf.condition(%and3A_542) %while3A_536, %while3A_537 : i32, i32
      } do {
      ^bb0(%while3A_536: i32, %while3A_537: i32):
        %mul3A_538 = arith.constant 16 : i32
        %mul3A_539 = arith.muli %while3A_536, %mul3A_538 : i32
        %get3A_540 = arith.index_cast %mul3A_539 : i32 to index
        %get3A_541 = tpu.vector_load %arg11[%get3A_540] {strides = array<i32>} : memref<4096xf32, #tpu.memory_space<vmem>>, vector<16xf32>,
        %mul3A_542 = arith.constant 16 : i32
        %mul3A_543 = arith.muli %while3A_536, %mul3A_542 : i32
        %get3A_544 = arith.index_cast %mul3A_543 : i32 to index
        %get3A_545 = tpu.vector_load %arg12[%get3A_544] {strides = array<i32>} : memref<4096xf32, #tpu.memory_space<vmem>>, vector<16xf32>,
        %mul3A_546 = arith.constant 16 : i32
        %mul3A_547 = arith.muli %while3A_536, %mul3A_546 : i32
        %get3A_548 = arith.index_cast %mul3A_547 : i32 to index
        %get3A_549 = tpu.vector_load %arg13[%get3A_548] {strides = array<i32>} : memref<4096xf32, #tpu.memory_space<vmem>>, vector<16xf32>,
        %sub3A_550 = arith.subf %get3A_541, %gather3A_472 : vector<16xf32>
        %sub3A_551 = arith.subf %get3A_545, %gather3A_473 : vector<16xf32>
        %sub3A_552 = arith.subf %get3A_549, %gather3A_474 : vector<16xf32>
        %mul3A_553 = arith.mulf %sub3A_550, %sub3A_550 : vector<16xf32>
        %mul3A_554 = arith.mulf %sub3A_551, %sub3A_551 : vector<16xf32>
        %add3A_555 = arith.addf %mul3A_553, %mul3A_554 : vector<16xf32>
        %mul3A_556 = arith.mulf %sub3A_552, %sub3A_552 : vector<16xf32>
        %add3A_557 = arith.addf %add3A_555, %mul3A_556 : vector<16xf32>
        %le3A = arith.constant 1.600000e-01 : f32
        %le3A_558 = vector.broadcast %le3A : f32 to vector<16xf32>
        %le3A_559 = arith.cmpf ole, %add3A_557, %le3A_558 : vector<16xf32>
        %mul3A_560 = arith.constant 16 : i32
        %mul3A_561 = arith.muli %while3A_536, %mul3A_560 : i32
        %add3A_562 = arith.addi %mul3A_561, %mul3A_220 : i32
        %add3A_563 = vector.broadcast %add3A_562 : i32 to vector<16xi32>
        %add3A_564 = arith.addi %iota3A, %add3A_563 : vector<16xi32>
        %jit3A_565 = arith.constant 1 : i32
        %jit3A_566 = arith.constant 0 : i32
        %broadcast_in_dim3A_567 = vector.broadcast %jit3A_565 : i32 to vector<16xi32>
        %broadcast_in_dim3A_568 = vector.broadcast %jit3A_566 : i32 to vector<16xi32>
        %select_n3A_569 = arith.select %le3A_559, %broadcast_in_dim3A_567, %broadcast_in_dim3A_568 : vector<16xi1>, vector<16xi32>
        %broadcast_in_dim3A_570 = arith.constant true
        %broadcast_in_dim3A_571 = vector.broadcast %broadcast_in_dim3A_570 : i1 to vector<16xi1>
        %masked_cumsum3A = tpu.scan <sum>, %select_n3A_569 masked %broadcast_in_dim3A_571 : vector<16xi32>, vector<16xi1> -> vector<16xi32>
        %sub3A_572 = arith.constant 32 : i32
        %sub3A_573 = arith.subi %sub3A_572, %while3A_537 : i32
        %le3A_574 = vector.broadcast %sub3A_573 : i32 to vector<16xi32>
        %le3A_575 = arith.cmpi sle, %masked_cumsum3A, %le3A_574 : vector<16xi32>
        %and3A_576 = arith.andi %le3A_559, %le3A_575 : vector<16xi1>
        %add3A_577 = arith.addi %add3A_483, %while3A_537 : i32
        %swap3A_578 = arith.index_cast %add3A_577 : i32 to index
        %swap3A_579 = tpu.vector_load %arg18[%swap3A_578] masked %and3A_576 {strides = array<i32>} : memref<256xi32, #tpu.memory_space<vmem>>, vector<16xi32>, vector<16xi1>
        tpu.vector_store %arg18[%swap3A_578], %add3A_564 masked %and3A_576 {strides = array<i32>} : memref<256xi32, #tpu.memory_space<vmem>>, vector<16xi32>, vector<16xi1>
        %all_reduce_population_count3A = tpu.all_reduce %and3A_576 {dim = 0 : i64, kind = #tpu.reduction_kind<sum>} : vector<16xi1> -> vector<16xi32>
        %reduce_max3A = arith.constant true
        %reduce_max3A_580 = vector.broadcast %reduce_max3A : i1 to vector<16xi1>
        %reduce_max3A_581 = arith.constant -2147483648 : i32
        %reduce_max3A_582 = vector.broadcast %reduce_max3A_581 : i32 to vector<16xi32>
        %reduce_max3A_583 = arith.xori %all_reduce_population_count3A, %reduce_max3A_582 : vector<16xi32>
        %reduce_max3A_584 = tpu.scan <max>, %reduce_max3A_583 masked %reduce_max3A_580 : vector<16xi32>, vector<16xi1> -> vector<16xi32>
        %reduce_max3A_585 = arith.xori %reduce_max3A_584, %reduce_max3A_582 : vector<16xi32>
        %reduce_max3A_586 = vector.extract %reduce_max3A_585[15] : i32 from vector<16xi32>
        %add3A_587 = arith.constant 1 : i32
        %add3A_588 = arith.addi %while3A_536, %add3A_587 : i32
        %add3A_589 = arith.addi %while3A_537, %reduce_max3A_586 : i32
        scf.yield %add3A_588, %add3A_589 : i32, i32
      }
      %broadcast_in_dim3A_487 = vector.broadcast %add3A_483 : i32 to vector<16xi32>
      %gather3A_488 = tpu.vector_load_idx %arg18[%broadcast_in_dim3A_487] : memref<256xi32, #tpu.memory_space<vmem>>[vector<16xi32>], vector<16xi32>,
      %while3A_489 = scf.while (%while3A_536 = %while3A_486#1) : (i32) -> i32 {
        %lt3A_537 = arith.constant 32 : i32
        %lt3A_538 = arith.cmpi slt, %while3A_536, %lt3A_537 : i32
        scf.condition(%lt3A_538) %while3A_536 : i32
      } do {
      ^bb0(%while3A_536: i32):
        %add3A_537 = arith.addi %add3A_483, %while3A_536 : i32
        %sub3A_538 = arith.constant 32 : i32
        %sub3A_539 = arith.subi %sub3A_538, %while3A_536 : i32
        %lt3A_540 = vector.broadcast %sub3A_539 : i32 to vector<16xi32>
        %lt3A_541 = arith.cmpi slt, %iota3A, %lt3A_540 : vector<16xi32>
        %swap3A_542 = arith.index_cast %add3A_537 : i32 to index
        %swap3A_543 = tpu.vector_load %arg18[%swap3A_542] masked %lt3A_541 {strides = array<i32>} : memref<256xi32, #tpu.memory_space<vmem>>, vector<16xi32>, vector<16xi1>
        tpu.vector_store %arg18[%swap3A_542], %gather3A_488 masked %lt3A_541 {strides = array<i32>} : memref<256xi32, #tpu.memory_space<vmem>>, vector<16xi32>, vector<16xi1>
        %sub3A_544 = arith.constant 32 : i32
        %sub3A_545 = arith.subi %sub3A_544, %while3A_536 : i32
        %min3A = arith.constant 16 : i32
        %min3A_546 = arith.minsi %sub3A_545, %min3A : i32
        %add3A_547 = arith.addi %while3A_536, %min3A_546 : i32
        scf.yield %add3A_547 : i32
      }
      %add3A_490 = arith.constant 0 : i32
      %add3A_491 = arith.addi %mul3A_471, %add3A_490 : i32
      %while3A_492 = arith.constant 0 : i32
      %while3A_493 = arith.constant 0 : i32
      %while3A_494:2 = scf.while (%while3A_536 = %while3A_492, %while3A_537 = %while3A_493) : (i32, i32) -> (i32, i32) {
        %lt3A_538 = arith.constant 256 : i32
        %lt3A_539 = arith.cmpi slt, %while3A_536, %lt3A_538 : i32
        %lt3A_540 = arith.constant 16 : i32
        %lt3A_541 = arith.cmpi slt, %while3A_537, %lt3A_540 : i32
        %and3A_542 = arith.andi %lt3A_539, %lt3A_541 : i1
        scf.condition(%and3A_542) %while3A_536, %while3A_537 : i32, i32
      } do {
      ^bb0(%while3A_536: i32, %while3A_537: i32):
        %mul3A_538 = arith.constant 16 : i32
        %mul3A_539 = arith.muli %while3A_536, %mul3A_538 : i32
        %get3A_540 = arith.index_cast %mul3A_539 : i32 to index
        %get3A_541 = tpu.vector_load %arg11[%get3A_540] {strides = array<i32>} : memref<4096xf32, #tpu.memory_space<vmem>>, vector<16xf32>,
        %mul3A_542 = arith.constant 16 : i32
        %mul3A_543 = arith.muli %while3A_536, %mul3A_542 : i32
        %get3A_544 = arith.index_cast %mul3A_543 : i32 to index
        %get3A_545 = tpu.vector_load %arg12[%get3A_544] {strides = array<i32>} : memref<4096xf32, #tpu.memory_space<vmem>>, vector<16xf32>,
        %mul3A_546 = arith.constant 16 : i32
        %mul3A_547 = arith.muli %while3A_536, %mul3A_546 : i32
        %get3A_548 = arith.index_cast %mul3A_547 : i32 to index
        %get3A_549 = tpu.vector_load %arg13[%get3A_548] {strides = array<i32>} : memref<4096xf32, #tpu.memory_space<vmem>>, vector<16xf32>,
        %sub3A_550 = arith.subf %get3A_541, %gather3A_472 : vector<16xf32>
        %sub3A_551 = arith.subf %get3A_545, %gather3A_473 : vector<16xf32>
        %sub3A_552 = arith.subf %get3A_549, %gather3A_474 : vector<16xf32>
        %mul3A_553 = arith.mulf %sub3A_550, %sub3A_550 : vector<16xf32>
        %mul3A_554 = arith.mulf %sub3A_551, %sub3A_551 : vector<16xf32>
        %add3A_555 = arith.addf %mul3A_553, %mul3A_554 : vector<16xf32>
        %mul3A_556 = arith.mulf %sub3A_552, %sub3A_552 : vector<16xf32>
        %add3A_557 = arith.addf %add3A_555, %mul3A_556 : vector<16xf32>
        %le3A = arith.constant 4.000000e-02 : f32
        %le3A_558 = vector.broadcast %le3A : f32 to vector<16xf32>
        %le3A_559 = arith.cmpf ole, %add3A_557, %le3A_558 : vector<16xf32>
        %mul3A_560 = arith.constant 16 : i32
        %mul3A_561 = arith.muli %while3A_536, %mul3A_560 : i32
        %add3A_562 = arith.addi %mul3A_561, %mul3A_220 : i32
        %add3A_563 = vector.broadcast %add3A_562 : i32 to vector<16xi32>
        %add3A_564 = arith.addi %iota3A, %add3A_563 : vector<16xi32>
        %jit3A_565 = arith.constant 1 : i32
        %jit3A_566 = arith.constant 0 : i32
        %broadcast_in_dim3A_567 = vector.broadcast %jit3A_565 : i32 to vector<16xi32>
        %broadcast_in_dim3A_568 = vector.broadcast %jit3A_566 : i32 to vector<16xi32>
        %select_n3A_569 = arith.select %le3A_559, %broadcast_in_dim3A_567, %broadcast_in_dim3A_568 : vector<16xi1>, vector<16xi32>
        %broadcast_in_dim3A_570 = arith.constant true
        %broadcast_in_dim3A_571 = vector.broadcast %broadcast_in_dim3A_570 : i1 to vector<16xi1>
        %masked_cumsum3A = tpu.scan <sum>, %select_n3A_569 masked %broadcast_in_dim3A_571 : vector<16xi32>, vector<16xi1> -> vector<16xi32>
        %sub3A_572 = arith.constant 16 : i32
        %sub3A_573 = arith.subi %sub3A_572, %while3A_537 : i32
        %le3A_574 = vector.broadcast %sub3A_573 : i32 to vector<16xi32>
        %le3A_575 = arith.cmpi sle, %masked_cumsum3A, %le3A_574 : vector<16xi32>
        %and3A_576 = arith.andi %le3A_559, %le3A_575 : vector<16xi1>
        %add3A_577 = arith.addi %add3A_491, %while3A_537 : i32
        %swap3A_578 = arith.index_cast %add3A_577 : i32 to index
        %swap3A_579 = tpu.vector_load %arg18[%swap3A_578] masked %and3A_576 {strides = array<i32>} : memref<256xi32, #tpu.memory_space<vmem>>, vector<16xi32>, vector<16xi1>
        tpu.vector_store %arg18[%swap3A_578], %add3A_564 masked %and3A_576 {strides = array<i32>} : memref<256xi32, #tpu.memory_space<vmem>>, vector<16xi32>, vector<16xi1>
        %all_reduce_population_count3A = tpu.all_reduce %and3A_576 {dim = 0 : i64, kind = #tpu.reduction_kind<sum>} : vector<16xi1> -> vector<16xi32>
        %reduce_max3A = arith.constant true
        %reduce_max3A_580 = vector.broadcast %reduce_max3A : i1 to vector<16xi1>
        %reduce_max3A_581 = arith.constant -2147483648 : i32
        %reduce_max3A_582 = vector.broadcast %reduce_max3A_581 : i32 to vector<16xi32>
        %reduce_max3A_583 = arith.xori %all_reduce_population_count3A, %reduce_max3A_582 : vector<16xi32>
        %reduce_max3A_584 = tpu.scan <max>, %reduce_max3A_583 masked %reduce_max3A_580 : vector<16xi32>, vector<16xi1> -> vector<16xi32>
        %reduce_max3A_585 = arith.xori %reduce_max3A_584, %reduce_max3A_582 : vector<16xi32>
        %reduce_max3A_586 = vector.extract %reduce_max3A_585[15] : i32 from vector<16xi32>
        %add3A_587 = arith.constant 1 : i32
        %add3A_588 = arith.addi %while3A_536, %add3A_587 : i32
        %add3A_589 = arith.addi %while3A_537, %reduce_max3A_586 : i32
        scf.yield %add3A_588, %add3A_589 : i32, i32
      }
      %broadcast_in_dim3A_495 = vector.broadcast %add3A_491 : i32 to vector<16xi32>
      %gather3A_496 = tpu.vector_load_idx %arg18[%broadcast_in_dim3A_495] : memref<256xi32, #tpu.memory_space<vmem>>[vector<16xi32>], vector<16xi32>,
      %while3A_497 = scf.while (%while3A_536 = %while3A_494#1) : (i32) -> i32 {
        %lt3A_537 = arith.constant 16 : i32
        %lt3A_538 = arith.cmpi slt, %while3A_536, %lt3A_537 : i32
        scf.condition(%lt3A_538) %while3A_536 : i32
      } do {
      ^bb0(%while3A_536: i32):
        %add3A_537 = arith.addi %add3A_491, %while3A_536 : i32
        %sub3A_538 = arith.constant 16 : i32
        %sub3A_539 = arith.subi %sub3A_538, %while3A_536 : i32
        %lt3A_540 = vector.broadcast %sub3A_539 : i32 to vector<16xi32>
        %lt3A_541 = arith.cmpi slt, %iota3A, %lt3A_540 : vector<16xi32>
        %swap3A_542 = arith.index_cast %add3A_537 : i32 to index
        %swap3A_543 = tpu.vector_load %arg18[%swap3A_542] masked %lt3A_541 {strides = array<i32>} : memref<256xi32, #tpu.memory_space<vmem>>, vector<16xi32>, vector<16xi1>
        tpu.vector_store %arg18[%swap3A_542], %gather3A_496 masked %lt3A_541 {strides = array<i32>} : memref<256xi32, #tpu.memory_space<vmem>>, vector<16xi32>, vector<16xi1>
        %sub3A_544 = arith.constant 16 : i32
        %sub3A_545 = arith.subi %sub3A_544, %while3A_536 : i32
        %min3A = arith.constant 16 : i32
        %min3A_546 = arith.minsi %sub3A_545, %min3A : i32
        %add3A_547 = arith.addi %while3A_536, %min3A_546 : i32
        scf.yield %add3A_547 : i32
      }
      %add3A_498 = arith.constant 0 : i32
      %add3A_499 = arith.addi %mul3A_471, %add3A_498 : i32
      %mul3A_500 = arith.constant 112 : i32
      %mul3A_501 = arith.muli %and3A_469, %mul3A_500 : i32
      %add3A_502 = arith.constant 0 : i32
      %add3A_503 = arith.addi %mul3A_501, %add3A_502 : i32
      %dma_start3A = arith.constant 0 : i32
      %dma_start3A_504 = tpu.memref_slice %arg19[%add3A_503, %dma_start3A] : memref<224x128xf32, #tpu.memory_space<vmem>> -> memref<16x128xf32, #tpu.memory_space<vmem>>
      %dma_start3A_505 = tpu.memref_slice %arg18[%add3A_499] : memref<256xi32, #tpu.memory_space<vmem>> -> memref<16xi32, #tpu.memory_space<vmem>>
      %dma_start3A_506 = arith.constant 0 : i32
      %dma_start3A_507 = arith.constant 0 : i32
      %dma_start3A_508 = tpu.memref_slice %arg6[%dma_start3A_506, %dma_start3A_507] : memref<16384x128xf32, #tpu.memory_space<hbm>> -> memref<16384x128xf32, #tpu.memory_space<hbm>>
      tpu.enqueue_indirect_dma source(%dma_start3A_508 : memref<16384x128xf32, #tpu.memory_space<hbm>>) target(%dma_start3A_504 : memref<16x128xf32, #tpu.memory_space<vmem>>) offsets(%dma_start3A_505 : memref<16xi32, #tpu.memory_space<vmem>>) semaphore(%arg21 : memref<!tpu.dma_semaphore, #tpu.memory_space<semaphore_mem>>)
      %add3A_509 = arith.constant 16 : i32
      %add3A_510 = arith.addi %mul3A_471, %add3A_509 : i32
      %mul3A_511 = arith.constant 112 : i32
      %mul3A_512 = arith.muli %and3A_469, %mul3A_511 : i32
      %add3A_513 = arith.constant 16 : i32
      %add3A_514 = arith.addi %mul3A_512, %add3A_513 : i32
      %dma_start3A_515 = arith.constant 0 : i32
      %dma_start3A_516 = tpu.memref_slice %arg19[%add3A_514, %dma_start3A_515] : memref<224x128xf32, #tpu.memory_space<vmem>> -> memref<32x128xf32, #tpu.memory_space<vmem>>
      %dma_start3A_517 = tpu.memref_slice %arg18[%add3A_510] : memref<256xi32, #tpu.memory_space<vmem>> -> memref<32xi32, #tpu.memory_space<vmem>>
      %dma_start3A_518 = arith.constant 0 : i32
      %dma_start3A_519 = arith.constant 0 : i32
      %dma_start3A_520 = tpu.memref_slice %arg7[%dma_start3A_518, %dma_start3A_519] : memref<16384x128xf32, #tpu.memory_space<hbm>> -> memref<16384x128xf32, #tpu.memory_space<hbm>>
      tpu.enqueue_indirect_dma source(%dma_start3A_520 : memref<16384x128xf32, #tpu.memory_space<hbm>>) target(%dma_start3A_516 : memref<32x128xf32, #tpu.memory_space<vmem>>) offsets(%dma_start3A_517 : memref<32xi32, #tpu.memory_space<vmem>>) semaphore(%arg21 : memref<!tpu.dma_semaphore, #tpu.memory_space<semaphore_mem>>)
      %add3A_521 = arith.constant 48 : i32
      %add3A_522 = arith.addi %mul3A_471, %add3A_521 : i32
      %mul3A_523 = arith.constant 112 : i32
      %mul3A_524 = arith.muli %and3A_469, %mul3A_523 : i32
      %add3A_525 = arith.constant 48 : i32
      %add3A_526 = arith.addi %mul3A_524, %add3A_525 : i32
      %dma_start3A_527 = arith.constant 0 : i32
      %dma_start3A_528 = tpu.memref_slice %arg19[%add3A_526, %dma_start3A_527] : memref<224x128xf32, #tpu.memory_space<vmem>> -> memref<64x128xf32, #tpu.memory_space<vmem>>
      %dma_start3A_529 = tpu.memref_slice %arg18[%add3A_522] : memref<256xi32, #tpu.memory_space<vmem>> -> memref<64xi32, #tpu.memory_space<vmem>>
      %dma_start3A_530 = arith.constant 0 : i32
      %dma_start3A_531 = arith.constant 0 : i32
      %dma_start3A_532 = tpu.memref_slice %arg8[%dma_start3A_530, %dma_start3A_531] : memref<16384x128xf32, #tpu.memory_space<hbm>> -> memref<16384x128xf32, #tpu.memory_space<hbm>>
      tpu.enqueue_indirect_dma source(%dma_start3A_532 : memref<16384x128xf32, #tpu.memory_space<hbm>>) target(%dma_start3A_528 : memref<64x128xf32, #tpu.memory_space<vmem>>) offsets(%dma_start3A_529 : memref<64xi32, #tpu.memory_space<vmem>>) semaphore(%arg21 : memref<!tpu.dma_semaphore, #tpu.memory_space<semaphore_mem>>)
      %gt3A = arith.constant 0 : i32
      %gt3A_533 = arith.cmpi sgt, %scan3A_466, %gt3A : i32
      %convert_element_type3A = arith.extui %gt3A_533 : i1 to i32
      %cond3A = arith.constant 0 : i32
      %cond3A_534 = arith.cmpi ne, %convert_element_type3A, %cond3A : i32
      scf.if %cond3A_534 {
        %sub3A_536 = arith.constant 1 : i32
        %sub3A_537 = arith.subi %scan3A_466, %sub3A_536 : i32
        %and3A_538 = arith.constant 1 : i32
        %and3A_539 = arith.andi %sub3A_537, %and3A_538 : i32
        %mul3A_540 = arith.constant 128 : i32
        %mul3A_541 = arith.muli %and3A_539, %mul3A_540 : i32
        %add3A_542 = arith.constant 0 : i32
        %add3A_543 = arith.addi %mul3A_541, %add3A_542 : i32
        %mul3A_544 = arith.constant 112 : i32
        %mul3A_545 = arith.muli %and3A_539, %mul3A_544 : i32
        %add3A_546 = arith.constant 0 : i32
        %add3A_547 = arith.addi %mul3A_545, %add3A_546 : i32
        %dma_wait3A_548 = arith.constant 0 : i32
        %dma_wait3A_549 = tpu.memref_slice %arg19[%add3A_547, %dma_wait3A_548] : memref<224x128xf32, #tpu.memory_space<vmem>> -> memref<16x128xf32, #tpu.memory_space<vmem>>
        %dma_wait3A_550 = tpu.memref_slice %arg18[%add3A_543] : memref<256xi32, #tpu.memory_space<vmem>> -> memref<16xi32, #tpu.memory_space<vmem>>
        %dma_wait3A_551 = arith.constant 0 : i32
        %dma_wait3A_552 = arith.constant 0 : i32
        %dma_wait3A_553 = tpu.memref_slice %arg6[%dma_wait3A_551, %dma_wait3A_552] : memref<16384x128xf32, #tpu.memory_space<hbm>> -> memref<16384x128xf32, #tpu.memory_space<hbm>>
        tpu.wait_indirect_dma semaphore(%arg21 : memref<!tpu.dma_semaphore, #tpu.memory_space<semaphore_mem>>) src(%dma_wait3A_553 : memref<16384x128xf32, #tpu.memory_space<hbm>>) dst(%dma_wait3A_549 : memref<16x128xf32, #tpu.memory_space<vmem>>)
        %add3A_554 = arith.constant 16 : i32
        %add3A_555 = arith.addi %mul3A_541, %add3A_554 : i32
        %mul3A_556 = arith.constant 112 : i32
        %mul3A_557 = arith.muli %and3A_539, %mul3A_556 : i32
        %add3A_558 = arith.constant 16 : i32
        %add3A_559 = arith.addi %mul3A_557, %add3A_558 : i32
        %dma_wait3A_560 = arith.constant 0 : i32
        %dma_wait3A_561 = tpu.memref_slice %arg19[%add3A_559, %dma_wait3A_560] : memref<224x128xf32, #tpu.memory_space<vmem>> -> memref<32x128xf32, #tpu.memory_space<vmem>>
        %dma_wait3A_562 = tpu.memref_slice %arg18[%add3A_555] : memref<256xi32, #tpu.memory_space<vmem>> -> memref<32xi32, #tpu.memory_space<vmem>>
        %dma_wait3A_563 = arith.constant 0 : i32
        %dma_wait3A_564 = arith.constant 0 : i32
        %dma_wait3A_565 = tpu.memref_slice %arg7[%dma_wait3A_563, %dma_wait3A_564] : memref<16384x128xf32, #tpu.memory_space<hbm>> -> memref<16384x128xf32, #tpu.memory_space<hbm>>
        tpu.wait_indirect_dma semaphore(%arg21 : memref<!tpu.dma_semaphore, #tpu.memory_space<semaphore_mem>>) src(%dma_wait3A_565 : memref<16384x128xf32, #tpu.memory_space<hbm>>) dst(%dma_wait3A_561 : memref<32x128xf32, #tpu.memory_space<vmem>>)
        %add3A_566 = arith.constant 48 : i32
        %add3A_567 = arith.addi %mul3A_541, %add3A_566 : i32
        %mul3A_568 = arith.constant 112 : i32
        %mul3A_569 = arith.muli %and3A_539, %mul3A_568 : i32
        %add3A_570 = arith.constant 48 : i32
        %add3A_571 = arith.addi %mul3A_569, %add3A_570 : i32
        %dma_wait3A_572 = arith.constant 0 : i32
        %dma_wait3A_573 = tpu.memref_slice %arg19[%add3A_571, %dma_wait3A_572] : memref<224x128xf32, #tpu.memory_space<vmem>> -> memref<64x128xf32, #tpu.memory_space<vmem>>
        %dma_wait3A_574 = tpu.memref_slice %arg18[%add3A_567] : memref<256xi32, #tpu.memory_space<vmem>> -> memref<64xi32, #tpu.memory_space<vmem>>
        %dma_wait3A_575 = arith.constant 0 : i32
        %dma_wait3A_576 = arith.constant 0 : i32
        %dma_wait3A_577 = tpu.memref_slice %arg8[%dma_wait3A_575, %dma_wait3A_576] : memref<16384x128xf32, #tpu.memory_space<hbm>> -> memref<16384x128xf32, #tpu.memory_space<hbm>>
        tpu.wait_indirect_dma semaphore(%arg21 : memref<!tpu.dma_semaphore, #tpu.memory_space<semaphore_mem>>) src(%dma_wait3A_577 : memref<16384x128xf32, #tpu.memory_space<hbm>>) dst(%dma_wait3A_573 : memref<64x128xf32, #tpu.memory_space<vmem>>)
        %mul3A_578 = arith.constant 112 : i32
        %mul3A_579 = arith.muli %and3A_539, %mul3A_578 : i32
        %add3A_580 = arith.constant 0 : i32
        %add3A_581 = arith.addi %mul3A_579, %add3A_580 : i32
        %get3A_582 = arith.index_cast %add3A_581 : i32 to index
        %get3A_583 = arith.constant 0 : index
        %get3A_584 = tpu.vector_load %arg19[%get3A_582, %get3A_583] {strides = array<i32>} : memref<224x128xf32, #tpu.memory_space<vmem>>, vector<16xf32>,
        %get3A_585 = arith.index_cast %add3A_581 : i32 to index
        %get3A_586 = arith.constant 16 : index
        %get3A_587 = tpu.vector_load %arg19[%get3A_585, %get3A_586] {strides = array<i32>} : memref<224x128xf32, #tpu.memory_space<vmem>>, vector<16xf32>,
        %get3A_588 = arith.index_cast %add3A_581 : i32 to index
        %get3A_589 = arith.constant 32 : index
        %get3A_590 = tpu.vector_load %arg19[%get3A_588, %get3A_589] {strides = array<i32>} : memref<224x128xf32, #tpu.memory_space<vmem>>, vector<16xf32>,
        %get3A_591 = arith.index_cast %add3A_581 : i32 to index
        %get3A_592 = arith.constant 48 : index
        %get3A_593 = tpu.vector_load %arg19[%get3A_591, %get3A_592] {strides = array<i32>} : memref<224x128xf32, #tpu.memory_space<vmem>>, vector<16xf32>,
        %get3A_594 = arith.index_cast %add3A_581 : i32 to index
        %get3A_595 = arith.constant 64 : index
        %get3A_596 = tpu.vector_load %arg19[%get3A_594, %get3A_595] {strides = array<i32>} : memref<224x128xf32, #tpu.memory_space<vmem>>, vector<16xf32>,
        %get3A_597 = arith.index_cast %add3A_581 : i32 to index
        %get3A_598 = arith.constant 80 : index
        %get3A_599 = tpu.vector_load %arg19[%get3A_597, %get3A_598] {strides = array<i32>} : memref<224x128xf32, #tpu.memory_space<vmem>>, vector<16xf32>,
        %get3A_600 = arith.index_cast %add3A_581 : i32 to index
        %get3A_601 = arith.constant 96 : index
        %get3A_602 = tpu.vector_load %arg19[%get3A_600, %get3A_601] {strides = array<i32>} : memref<224x128xf32, #tpu.memory_space<vmem>>, vector<16xf32>,
        %get3A_603 = arith.index_cast %add3A_581 : i32 to index
        %get3A_604 = arith.constant 112 : index
        %get3A_605 = tpu.vector_load %arg19[%get3A_603, %get3A_604] {strides = array<i32>} : memref<224x128xf32, #tpu.memory_space<vmem>>, vector<16xf32>,
        %scan3A_606 = arith.constant 1 : i32
        %scan3A_607 = arith.constant 15 : i32
        %scan3A_608 = arith.addi %scan3A_606, %scan3A_607 : i32
        %scan3A_609 = arith.constant 1 : i32
        %scan3A_610:8 = scf.for %scan3A_752 = %scan3A_606 to %scan3A_608 step %scan3A_609 iter_args(%scan3A_753 = %get3A_584, %scan3A_754 = %get3A_587, %scan3A_755 = %get3A_590, %scan3A_756 = %get3A_593, %scan3A_757 = %get3A_596, %scan3A_758 = %get3A_599, %scan3A_759 = %get3A_602, %scan3A_760 = %get3A_605) -> (vector<16xf32>, vector<16xf32>, vector<16xf32>, vector<16xf32>, vector<16xf32>, vector<16xf32>, vector<16xf32>, vector<16xf32>)  : i32 {
          %add3A_761 = arith.addi %add3A_581, %scan3A_752 : i32
          %get3A_762 = arith.index_cast %add3A_761 : i32 to index
          %get3A_763 = arith.constant 0 : index
          %get3A_764 = tpu.vector_load %arg19[%get3A_762, %get3A_763] {strides = array<i32>} : memref<224x128xf32, #tpu.memory_space<vmem>>, vector<16xf32>,
          %max3A = arith.maximumf %scan3A_753, %get3A_764 : vector<16xf32>
          %add3A_765 = arith.addi %add3A_581, %scan3A_752 : i32
          %get3A_766 = arith.index_cast %add3A_765 : i32 to index
          %get3A_767 = arith.constant 16 : index
          %get3A_768 = tpu.vector_load %arg19[%get3A_766, %get3A_767] {strides = array<i32>} : memref<224x128xf32, #tpu.memory_space<vmem>>, vector<16xf32>,
          %max3A_769 = arith.maximumf %scan3A_754, %get3A_768 : vector<16xf32>
          %add3A_770 = arith.addi %add3A_581, %scan3A_752 : i32
          %get3A_771 = arith.index_cast %add3A_770 : i32 to index
          %get3A_772 = arith.constant 32 : index
          %get3A_773 = tpu.vector_load %arg19[%get3A_771, %get3A_772] {strides = array<i32>} : memref<224x128xf32, #tpu.memory_space<vmem>>, vector<16xf32>,
          %max3A_774 = arith.maximumf %scan3A_755, %get3A_773 : vector<16xf32>
          %add3A_775 = arith.addi %add3A_581, %scan3A_752 : i32
          %get3A_776 = arith.index_cast %add3A_775 : i32 to index
          %get3A_777 = arith.constant 48 : index
          %get3A_778 = tpu.vector_load %arg19[%get3A_776, %get3A_777] {strides = array<i32>} : memref<224x128xf32, #tpu.memory_space<vmem>>, vector<16xf32>,
          %max3A_779 = arith.maximumf %scan3A_756, %get3A_778 : vector<16xf32>
          %add3A_780 = arith.addi %add3A_581, %scan3A_752 : i32
          %get3A_781 = arith.index_cast %add3A_780 : i32 to index
          %get3A_782 = arith.constant 64 : index
          %get3A_783 = tpu.vector_load %arg19[%get3A_781, %get3A_782] {strides = array<i32>} : memref<224x128xf32, #tpu.memory_space<vmem>>, vector<16xf32>,
          %max3A_784 = arith.maximumf %scan3A_757, %get3A_783 : vector<16xf32>
          %add3A_785 = arith.addi %add3A_581, %scan3A_752 : i32
          %get3A_786 = arith.index_cast %add3A_785 : i32 to index
          %get3A_787 = arith.constant 80 : index
          %get3A_788 = tpu.vector_load %arg19[%get3A_786, %get3A_787] {strides = array<i32>} : memref<224x128xf32, #tpu.memory_space<vmem>>, vector<16xf32>,
          %max3A_789 = arith.maximumf %scan3A_758, %get3A_788 : vector<16xf32>
          %add3A_790 = arith.addi %add3A_581, %scan3A_752 : i32
          %get3A_791 = arith.index_cast %add3A_790 : i32 to index
          %get3A_792 = arith.constant 96 : index
          %get3A_793 = tpu.vector_load %arg19[%get3A_791, %get3A_792] {strides = array<i32>} : memref<224x128xf32, #tpu.memory_space<vmem>>, vector<16xf32>,
          %max3A_794 = arith.maximumf %scan3A_759, %get3A_793 : vector<16xf32>
          %add3A_795 = arith.addi %add3A_581, %scan3A_752 : i32
          %get3A_796 = arith.index_cast %add3A_795 : i32 to index
          %get3A_797 = arith.constant 112 : index
          %get3A_798 = tpu.vector_load %arg19[%get3A_796, %get3A_797] {strides = array<i32>} : memref<224x128xf32, #tpu.memory_space<vmem>>, vector<16xf32>,
          %max3A_799 = arith.maximumf %scan3A_760, %get3A_798 : vector<16xf32>
          scf.yield %max3A, %max3A_769, %max3A_774, %max3A_779, %max3A_784, %max3A_789, %max3A_794, %max3A_799 : vector<16xf32>, vector<16xf32>, vector<16xf32>, vector<16xf32>, vector<16xf32>, vector<16xf32>, vector<16xf32>, vector<16xf32>
        }
        %scan3A_611 = arith.constant 15 : i32
        %swap3A_612 = arith.index_cast %sub3A_537 : i32 to index
        %swap3A_613 = arith.constant 0 : index
        %swap3A_614 = tpu.vector_load %arg20[%swap3A_612, %swap3A_613] {strides = array<i32>} : memref<128x384xf32, #tpu.memory_space<vmem>>, vector<16xf32>,
        tpu.vector_store %arg20[%swap3A_612, %swap3A_613], %scan3A_610#0 {strides = array<i32>} : memref<128x384xf32, #tpu.memory_space<vmem>>, vector<16xf32>,
        %swap3A_615 = arith.index_cast %sub3A_537 : i32 to index
        %swap3A_616 = arith.constant 16 : index
        %swap3A_617 = tpu.vector_load %arg20[%swap3A_615, %swap3A_616] {strides = array<i32>} : memref<128x384xf32, #tpu.memory_space<vmem>>, vector<16xf32>,
        tpu.vector_store %arg20[%swap3A_615, %swap3A_616], %scan3A_610#1 {strides = array<i32>} : memref<128x384xf32, #tpu.memory_space<vmem>>, vector<16xf32>,
        %swap3A_618 = arith.index_cast %sub3A_537 : i32 to index
        %swap3A_619 = arith.constant 32 : index
        %swap3A_620 = tpu.vector_load %arg20[%swap3A_618, %swap3A_619] {strides = array<i32>} : memref<128x384xf32, #tpu.memory_space<vmem>>, vector<16xf32>,
        tpu.vector_store %arg20[%swap3A_618, %swap3A_619], %scan3A_610#2 {strides = array<i32>} : memref<128x384xf32, #tpu.memory_space<vmem>>, vector<16xf32>,
        %swap3A_621 = arith.index_cast %sub3A_537 : i32 to index
        %swap3A_622 = arith.constant 48 : index
        %swap3A_623 = tpu.vector_load %arg20[%swap3A_621, %swap3A_622] {strides = array<i32>} : memref<128x384xf32, #tpu.memory_space<vmem>>, vector<16xf32>,
        tpu.vector_store %arg20[%swap3A_621, %swap3A_622], %scan3A_610#3 {strides = array<i32>} : memref<128x384xf32, #tpu.memory_space<vmem>>, vector<16xf32>,
        %swap3A_624 = arith.index_cast %sub3A_537 : i32 to index
        %swap3A_625 = arith.constant 64 : index
        %swap3A_626 = tpu.vector_load %arg20[%swap3A_624, %swap3A_625] {strides = array<i32>} : memref<128x384xf32, #tpu.memory_space<vmem>>, vector<16xf32>,
        tpu.vector_store %arg20[%swap3A_624, %swap3A_625], %scan3A_610#4 {strides = array<i32>} : memref<128x384xf32, #tpu.memory_space<vmem>>, vector<16xf32>,
        %swap3A_627 = arith.index_cast %sub3A_537 : i32 to index
        %swap3A_628 = arith.constant 80 : index
        %swap3A_629 = tpu.vector_load %arg20[%swap3A_627, %swap3A_628] {strides = array<i32>} : memref<128x384xf32, #tpu.memory_space<vmem>>, vector<16xf32>,
        tpu.vector_store %arg20[%swap3A_627, %swap3A_628], %scan3A_610#5 {strides = array<i32>} : memref<128x384xf32, #tpu.memory_space<vmem>>, vector<16xf32>,
        %swap3A_630 = arith.index_cast %sub3A_537 : i32 to index
        %swap3A_631 = arith.constant 96 : index
        %swap3A_632 = tpu.vector_load %arg20[%swap3A_630, %swap3A_631] {strides = array<i32>} : memref<128x384xf32, #tpu.memory_space<vmem>>, vector<16xf32>,
        tpu.vector_store %arg20[%swap3A_630, %swap3A_631], %scan3A_610#6 {strides = array<i32>} : memref<128x384xf32, #tpu.memory_space<vmem>>, vector<16xf32>,
        %swap3A_633 = arith.index_cast %sub3A_537 : i32 to index
        %swap3A_634 = arith.constant 112 : index
        %swap3A_635 = tpu.vector_load %arg20[%swap3A_633, %swap3A_634] {strides = array<i32>} : memref<128x384xf32, #tpu.memory_space<vmem>>, vector<16xf32>,
        tpu.vector_store %arg20[%swap3A_633, %swap3A_634], %scan3A_610#7 {strides = array<i32>} : memref<128x384xf32, #tpu.memory_space<vmem>>, vector<16xf32>,
        %mul3A_636 = arith.constant 112 : i32
        %mul3A_637 = arith.muli %and3A_539, %mul3A_636 : i32
        %add3A_638 = arith.constant 16 : i32
        %add3A_639 = arith.addi %mul3A_637, %add3A_638 : i32
        %get3A_640 = arith.index_cast %add3A_639 : i32 to index
        %get3A_641 = arith.constant 0 : index
        %get3A_642 = tpu.vector_load %arg19[%get3A_640, %get3A_641] {strides = array<i32>} : memref<224x128xf32, #tpu.memory_space<vmem>>, vector<16xf32>,
        %get3A_643 = arith.index_cast %add3A_639 : i32 to index
        %get3A_644 = arith.constant 16 : index
        %get3A_645 = tpu.vector_load %arg19[%get3A_643, %get3A_644] {strides = array<i32>} : memref<224x128xf32, #tpu.memory_space<vmem>>, vector<16xf32>,
        %get3A_646 = arith.index_cast %add3A_639 : i32 to index
        %get3A_647 = arith.constant 32 : index
        %get3A_648 = tpu.vector_load %arg19[%get3A_646, %get3A_647] {strides = array<i32>} : memref<224x128xf32, #tpu.memory_space<vmem>>, vector<16xf32>,
        %get3A_649 = arith.index_cast %add3A_639 : i32 to index
        %get3A_650 = arith.constant 48 : index
        %get3A_651 = tpu.vector_load %arg19[%get3A_649, %get3A_650] {strides = array<i32>} : memref<224x128xf32, #tpu.memory_space<vmem>>, vector<16xf32>,
        %get3A_652 = arith.index_cast %add3A_639 : i32 to index
        %get3A_653 = arith.constant 64 : index
        %get3A_654 = tpu.vector_load %arg19[%get3A_652, %get3A_653] {strides = array<i32>} : memref<224x128xf32, #tpu.memory_space<vmem>>, vector<16xf32>,
        %get3A_655 = arith.index_cast %add3A_639 : i32 to index
        %get3A_656 = arith.constant 80 : index
        %get3A_657 = tpu.vector_load %arg19[%get3A_655, %get3A_656] {strides = array<i32>} : memref<224x128xf32, #tpu.memory_space<vmem>>, vector<16xf32>,
        %get3A_658 = arith.index_cast %add3A_639 : i32 to index
        %get3A_659 = arith.constant 96 : index
        %get3A_660 = tpu.vector_load %arg19[%get3A_658, %get3A_659] {strides = array<i32>} : memref<224x128xf32, #tpu.memory_space<vmem>>, vector<16xf32>,
        %get3A_661 = arith.index_cast %add3A_639 : i32 to index
        %get3A_662 = arith.constant 112 : index
        %get3A_663 = tpu.vector_load %arg19[%get3A_661, %get3A_662] {strides = array<i32>} : memref<224x128xf32, #tpu.memory_space<vmem>>, vector<16xf32>,
        %scan3A_664 = arith.constant 1 : i32
        %scan3A_665 = arith.constant 31 : i32
        %scan3A_666 = arith.addi %scan3A_664, %scan3A_665 : i32
        %scan3A_667 = arith.constant 1 : i32
        %scan3A_668:8 = scf.for %scan3A_752 = %scan3A_664 to %scan3A_666 step %scan3A_667 iter_args(%scan3A_753 = %get3A_642, %scan3A_754 = %get3A_645, %scan3A_755 = %get3A_648, %scan3A_756 = %get3A_651, %scan3A_757 = %get3A_654, %scan3A_758 = %get3A_657, %scan3A_759 = %get3A_660, %scan3A_760 = %get3A_663) -> (vector<16xf32>, vector<16xf32>, vector<16xf32>, vector<16xf32>, vector<16xf32>, vector<16xf32>, vector<16xf32>, vector<16xf32>)  : i32 {
          %add3A_761 = arith.addi %add3A_639, %scan3A_752 : i32
          %get3A_762 = arith.index_cast %add3A_761 : i32 to index
          %get3A_763 = arith.constant 0 : index
          %get3A_764 = tpu.vector_load %arg19[%get3A_762, %get3A_763] {strides = array<i32>} : memref<224x128xf32, #tpu.memory_space<vmem>>, vector<16xf32>,
          %max3A = arith.maximumf %scan3A_753, %get3A_764 : vector<16xf32>
          %add3A_765 = arith.addi %add3A_639, %scan3A_752 : i32
          %get3A_766 = arith.index_cast %add3A_765 : i32 to index
          %get3A_767 = arith.constant 16 : index
          %get3A_768 = tpu.vector_load %arg19[%get3A_766, %get3A_767] {strides = array<i32>} : memref<224x128xf32, #tpu.memory_space<vmem>>, vector<16xf32>,
          %max3A_769 = arith.maximumf %scan3A_754, %get3A_768 : vector<16xf32>
          %add3A_770 = arith.addi %add3A_639, %scan3A_752 : i32
          %get3A_771 = arith.index_cast %add3A_770 : i32 to index
          %get3A_772 = arith.constant 32 : index
          %get3A_773 = tpu.vector_load %arg19[%get3A_771, %get3A_772] {strides = array<i32>} : memref<224x128xf32, #tpu.memory_space<vmem>>, vector<16xf32>,
          %max3A_774 = arith.maximumf %scan3A_755, %get3A_773 : vector<16xf32>
          %add3A_775 = arith.addi %add3A_639, %scan3A_752 : i32
          %get3A_776 = arith.index_cast %add3A_775 : i32 to index
          %get3A_777 = arith.constant 48 : index
          %get3A_778 = tpu.vector_load %arg19[%get3A_776, %get3A_777] {strides = array<i32>} : memref<224x128xf32, #tpu.memory_space<vmem>>, vector<16xf32>,
          %max3A_779 = arith.maximumf %scan3A_756, %get3A_778 : vector<16xf32>
          %add3A_780 = arith.addi %add3A_639, %scan3A_752 : i32
          %get3A_781 = arith.index_cast %add3A_780 : i32 to index
          %get3A_782 = arith.constant 64 : index
          %get3A_783 = tpu.vector_load %arg19[%get3A_781, %get3A_782] {strides = array<i32>} : memref<224x128xf32, #tpu.memory_space<vmem>>, vector<16xf32>,
          %max3A_784 = arith.maximumf %scan3A_757, %get3A_783 : vector<16xf32>
          %add3A_785 = arith.addi %add3A_639, %scan3A_752 : i32
          %get3A_786 = arith.index_cast %add3A_785 : i32 to index
          %get3A_787 = arith.constant 80 : index
          %get3A_788 = tpu.vector_load %arg19[%get3A_786, %get3A_787] {strides = array<i32>} : memref<224x128xf32, #tpu.memory_space<vmem>>, vector<16xf32>,
          %max3A_789 = arith.maximumf %scan3A_758, %get3A_788 : vector<16xf32>
          %add3A_790 = arith.addi %add3A_639, %scan3A_752 : i32
          %get3A_791 = arith.index_cast %add3A_790 : i32 to index
          %get3A_792 = arith.constant 96 : index
          %get3A_793 = tpu.vector_load %arg19[%get3A_791, %get3A_792] {strides = array<i32>} : memref<224x128xf32, #tpu.memory_space<vmem>>, vector<16xf32>,
          %max3A_794 = arith.maximumf %scan3A_759, %get3A_793 : vector<16xf32>
          %add3A_795 = arith.addi %add3A_639, %scan3A_752 : i32
          %get3A_796 = arith.index_cast %add3A_795 : i32 to index
          %get3A_797 = arith.constant 112 : index
          %get3A_798 = tpu.vector_load %arg19[%get3A_796, %get3A_797] {strides = array<i32>} : memref<224x128xf32, #tpu.memory_space<vmem>>, vector<16xf32>,
          %max3A_799 = arith.maximumf %scan3A_760, %get3A_798 : vector<16xf32>
          scf.yield %max3A, %max3A_769, %max3A_774, %max3A_779, %max3A_784, %max3A_789, %max3A_794, %max3A_799 : vector<16xf32>, vector<16xf32>, vector<16xf32>, vector<16xf32>, vector<16xf32>, vector<16xf32>, vector<16xf32>, vector<16xf32>
        }
        %scan3A_669 = arith.constant 31 : i32
        %swap3A_670 = arith.index_cast %sub3A_537 : i32 to index
        %swap3A_671 = arith.constant 128 : index
        %swap3A_672 = tpu.vector_load %arg20[%swap3A_670, %swap3A_671] {strides = array<i32>} : memref<128x384xf32, #tpu.memory_space<vmem>>, vector<16xf32>,
        tpu.vector_store %arg20[%swap3A_670, %swap3A_671], %scan3A_668#0 {strides = array<i32>} : memref<128x384xf32, #tpu.memory_space<vmem>>, vector<16xf32>,
        %swap3A_673 = arith.index_cast %sub3A_537 : i32 to index
        %swap3A_674 = arith.constant 144 : index
        %swap3A_675 = tpu.vector_load %arg20[%swap3A_673, %swap3A_674] {strides = array<i32>} : memref<128x384xf32, #tpu.memory_space<vmem>>, vector<16xf32>,
        tpu.vector_store %arg20[%swap3A_673, %swap3A_674], %scan3A_668#1 {strides = array<i32>} : memref<128x384xf32, #tpu.memory_space<vmem>>, vector<16xf32>,
        %swap3A_676 = arith.index_cast %sub3A_537 : i32 to index
        %swap3A_677 = arith.constant 160 : index
        %swap3A_678 = tpu.vector_load %arg20[%swap3A_676, %swap3A_677] {strides = array<i32>} : memref<128x384xf32, #tpu.memory_space<vmem>>, vector<16xf32>,
        tpu.vector_store %arg20[%swap3A_676, %swap3A_677], %scan3A_668#2 {strides = array<i32>} : memref<128x384xf32, #tpu.memory_space<vmem>>, vector<16xf32>,
        %swap3A_679 = arith.index_cast %sub3A_537 : i32 to index
        %swap3A_680 = arith.constant 176 : index
        %swap3A_681 = tpu.vector_load %arg20[%swap3A_679, %swap3A_680] {strides = array<i32>} : memref<128x384xf32, #tpu.memory_space<vmem>>, vector<16xf32>,
        tpu.vector_store %arg20[%swap3A_679, %swap3A_680], %scan3A_668#3 {strides = array<i32>} : memref<128x384xf32, #tpu.memory_space<vmem>>, vector<16xf32>,
        %swap3A_682 = arith.index_cast %sub3A_537 : i32 to index
        %swap3A_683 = arith.constant 192 : index
        %swap3A_684 = tpu.vector_load %arg20[%swap3A_682, %swap3A_683] {strides = array<i32>} : memref<128x384xf32, #tpu.memory_space<vmem>>, vector<16xf32>,
        tpu.vector_store %arg20[%swap3A_682, %swap3A_683], %scan3A_668#4 {strides = array<i32>} : memref<128x384xf32, #tpu.memory_space<vmem>>, vector<16xf32>,
        %swap3A_685 = arith.index_cast %sub3A_537 : i32 to index
        %swap3A_686 = arith.constant 208 : index
        %swap3A_687 = tpu.vector_load %arg20[%swap3A_685, %swap3A_686] {strides = array<i32>} : memref<128x384xf32, #tpu.memory_space<vmem>>, vector<16xf32>,
        tpu.vector_store %arg20[%swap3A_685, %swap3A_686], %scan3A_668#5 {strides = array<i32>} : memref<128x384xf32, #tpu.memory_space<vmem>>, vector<16xf32>,
        %swap3A_688 = arith.index_cast %sub3A_537 : i32 to index
        %swap3A_689 = arith.constant 224 : index
        %swap3A_690 = tpu.vector_load %arg20[%swap3A_688, %swap3A_689] {strides = array<i32>} : memref<128x384xf32, #tpu.memory_space<vmem>>, vector<16xf32>,
        tpu.vector_store %arg20[%swap3A_688, %swap3A_689], %scan3A_668#6 {strides = array<i32>} : memref<128x384xf32, #tpu.memory_space<vmem>>, vector<16xf32>,
        %swap3A_691 = arith.index_cast %sub3A_537 : i32 to index
        %swap3A_692 = arith.constant 240 : index
        %swap3A_693 = tpu.vector_load %arg20[%swap3A_691, %swap3A_692] {strides = array<i32>} : memref<128x384xf32, #tpu.memory_space<vmem>>, vector<16xf32>,
        tpu.vector_store %arg20[%swap3A_691, %swap3A_692], %scan3A_668#7 {strides = array<i32>} : memref<128x384xf32, #tpu.memory_space<vmem>>, vector<16xf32>,
        %mul3A_694 = arith.constant 112 : i32
        %mul3A_695 = arith.muli %and3A_539, %mul3A_694 : i32
        %add3A_696 = arith.constant 48 : i32
        %add3A_697 = arith.addi %mul3A_695, %add3A_696 : i32
        %get3A_698 = arith.index_cast %add3A_697 : i32 to index
        %get3A_699 = arith.constant 0 : index
        %get3A_700 = tpu.vector_load %arg19[%get3A_698, %get3A_699] {strides = array<i32>} : memref<224x128xf32, #tpu.memory_space<vmem>>, vector<16xf32>,
        %get3A_701 = arith.index_cast %add3A_697 : i32 to index
        %get3A_702 = arith.constant 16 : index
        %get3A_703 = tpu.vector_load %arg19[%get3A_701, %get3A_702] {strides = array<i32>} : memref<224x128xf32, #tpu.memory_space<vmem>>, vector<16xf32>,
        %get3A_704 = arith.index_cast %add3A_697 : i32 to index
        %get3A_705 = arith.constant 32 : index
        %get3A_706 = tpu.vector_load %arg19[%get3A_704, %get3A_705] {strides = array<i32>} : memref<224x128xf32, #tpu.memory_space<vmem>>, vector<16xf32>,
        %get3A_707 = arith.index_cast %add3A_697 : i32 to index
        %get3A_708 = arith.constant 48 : index
        %get3A_709 = tpu.vector_load %arg19[%get3A_707, %get3A_708] {strides = array<i32>} : memref<224x128xf32, #tpu.memory_space<vmem>>, vector<16xf32>,
        %get3A_710 = arith.index_cast %add3A_697 : i32 to index
        %get3A_711 = arith.constant 64 : index
        %get3A_712 = tpu.vector_load %arg19[%get3A_710, %get3A_711] {strides = array<i32>} : memref<224x128xf32, #tpu.memory_space<vmem>>, vector<16xf32>,
        %get3A_713 = arith.index_cast %add3A_697 : i32 to index
        %get3A_714 = arith.constant 80 : index
        %get3A_715 = tpu.vector_load %arg19[%get3A_713, %get3A_714] {strides = array<i32>} : memref<224x128xf32, #tpu.memory_space<vmem>>, vector<16xf32>,
        %get3A_716 = arith.index_cast %add3A_697 : i32 to index
        %get3A_717 = arith.constant 96 : index
        %get3A_718 = tpu.vector_load %arg19[%get3A_716, %get3A_717] {strides = array<i32>} : memref<224x128xf32, #tpu.memory_space<vmem>>, vector<16xf32>,
        %get3A_719 = arith.index_cast %add3A_697 : i32 to index
        %get3A_720 = arith.constant 112 : index
        %get3A_721 = tpu.vector_load %arg19[%get3A_719, %get3A_720] {strides = array<i32>} : memref<224x128xf32, #tpu.memory_space<vmem>>, vector<16xf32>,
        %scan3A_722 = arith.constant 1 : i32
        %scan3A_723 = arith.constant 63 : i32
        %scan3A_724 = arith.addi %scan3A_722, %scan3A_723 : i32
        %scan3A_725 = arith.constant 1 : i32
        %scan3A_726:8 = scf.for %scan3A_752 = %scan3A_722 to %scan3A_724 step %scan3A_725 iter_args(%scan3A_753 = %get3A_700, %scan3A_754 = %get3A_703, %scan3A_755 = %get3A_706, %scan3A_756 = %get3A_709, %scan3A_757 = %get3A_712, %scan3A_758 = %get3A_715, %scan3A_759 = %get3A_718, %scan3A_760 = %get3A_721) -> (vector<16xf32>, vector<16xf32>, vector<16xf32>, vector<16xf32>, vector<16xf32>, vector<16xf32>, vector<16xf32>, vector<16xf32>)  : i32 {
          %add3A_761 = arith.addi %add3A_697, %scan3A_752 : i32
          %get3A_762 = arith.index_cast %add3A_761 : i32 to index
          %get3A_763 = arith.constant 0 : index
          %get3A_764 = tpu.vector_load %arg19[%get3A_762, %get3A_763] {strides = array<i32>} : memref<224x128xf32, #tpu.memory_space<vmem>>, vector<16xf32>,
          %max3A = arith.maximumf %scan3A_753, %get3A_764 : vector<16xf32>
          %add3A_765 = arith.addi %add3A_697, %scan3A_752 : i32
          %get3A_766 = arith.index_cast %add3A_765 : i32 to index
          %get3A_767 = arith.constant 16 : index
          %get3A_768 = tpu.vector_load %arg19[%get3A_766, %get3A_767] {strides = array<i32>} : memref<224x128xf32, #tpu.memory_space<vmem>>, vector<16xf32>,
          %max3A_769 = arith.maximumf %scan3A_754, %get3A_768 : vector<16xf32>
          %add3A_770 = arith.addi %add3A_697, %scan3A_752 : i32
          %get3A_771 = arith.index_cast %add3A_770 : i32 to index
          %get3A_772 = arith.constant 32 : index
          %get3A_773 = tpu.vector_load %arg19[%get3A_771, %get3A_772] {strides = array<i32>} : memref<224x128xf32, #tpu.memory_space<vmem>>, vector<16xf32>,
          %max3A_774 = arith.maximumf %scan3A_755, %get3A_773 : vector<16xf32>
          %add3A_775 = arith.addi %add3A_697, %scan3A_752 : i32
          %get3A_776 = arith.index_cast %add3A_775 : i32 to index
          %get3A_777 = arith.constant 48 : index
          %get3A_778 = tpu.vector_load %arg19[%get3A_776, %get3A_777] {strides = array<i32>} : memref<224x128xf32, #tpu.memory_space<vmem>>, vector<16xf32>,
          %max3A_779 = arith.maximumf %scan3A_756, %get3A_778 : vector<16xf32>
          %add3A_780 = arith.addi %add3A_697, %scan3A_752 : i32
          %get3A_781 = arith.index_cast %add3A_780 : i32 to index
          %get3A_782 = arith.constant 64 : index
          %get3A_783 = tpu.vector_load %arg19[%get3A_781, %get3A_782] {strides = array<i32>} : memref<224x128xf32, #tpu.memory_space<vmem>>, vector<16xf32>,
          %max3A_784 = arith.maximumf %scan3A_757, %get3A_783 : vector<16xf32>
          %add3A_785 = arith.addi %add3A_697, %scan3A_752 : i32
          %get3A_786 = arith.index_cast %add3A_785 : i32 to index
          %get3A_787 = arith.constant 80 : index
          %get3A_788 = tpu.vector_load %arg19[%get3A_786, %get3A_787] {strides = array<i32>} : memref<224x128xf32, #tpu.memory_space<vmem>>, vector<16xf32>,
          %max3A_789 = arith.maximumf %scan3A_758, %get3A_788 : vector<16xf32>
          %add3A_790 = arith.addi %add3A_697, %scan3A_752 : i32
          %get3A_791 = arith.index_cast %add3A_790 : i32 to index
          %get3A_792 = arith.constant 96 : index
          %get3A_793 = tpu.vector_load %arg19[%get3A_791, %get3A_792] {strides = array<i32>} : memref<224x128xf32, #tpu.memory_space<vmem>>, vector<16xf32>,
          %max3A_794 = arith.maximumf %scan3A_759, %get3A_793 : vector<16xf32>
          %add3A_795 = arith.addi %add3A_697, %scan3A_752 : i32
          %get3A_796 = arith.index_cast %add3A_795 : i32 to index
          %get3A_797 = arith.constant 112 : index
          %get3A_798 = tpu.vector_load %arg19[%get3A_796, %get3A_797] {strides = array<i32>} : memref<224x128xf32, #tpu.memory_space<vmem>>, vector<16xf32>,
          %max3A_799 = arith.maximumf %scan3A_760, %get3A_798 : vector<16xf32>
          scf.yield %max3A, %max3A_769, %max3A_774, %max3A_779, %max3A_784, %max3A_789, %max3A_794, %max3A_799 : vector<16xf32>, vector<16xf32>, vector<16xf32>, vector<16xf32>, vector<16xf32>, vector<16xf32>, vector<16xf32>, vector<16xf32>
        }
        %scan3A_727 = arith.constant 63 : i32
        %swap3A_728 = arith.index_cast %sub3A_537 : i32 to index
        %swap3A_729 = arith.constant 256 : index
        %swap3A_730 = tpu.vector_load %arg20[%swap3A_728, %swap3A_729] {strides = array<i32>} : memref<128x384xf32, #tpu.memory_space<vmem>>, vector<16xf32>,
        tpu.vector_store %arg20[%swap3A_728, %swap3A_729], %scan3A_726#0 {strides = array<i32>} : memref<128x384xf32, #tpu.memory_space<vmem>>, vector<16xf32>,
        %swap3A_731 = arith.index_cast %sub3A_537 : i32 to index
        %swap3A_732 = arith.constant 272 : index
        %swap3A_733 = tpu.vector_load %arg20[%swap3A_731, %swap3A_732] {strides = array<i32>} : memref<128x384xf32, #tpu.memory_space<vmem>>, vector<16xf32>,
        tpu.vector_store %arg20[%swap3A_731, %swap3A_732], %scan3A_726#1 {strides = array<i32>} : memref<128x384xf32, #tpu.memory_space<vmem>>, vector<16xf32>,
        %swap3A_734 = arith.index_cast %sub3A_537 : i32 to index
        %swap3A_735 = arith.constant 288 : index
        %swap3A_736 = tpu.vector_load %arg20[%swap3A_734, %swap3A_735] {strides = array<i32>} : memref<128x384xf32, #tpu.memory_space<vmem>>, vector<16xf32>,
        tpu.vector_store %arg20[%swap3A_734, %swap3A_735], %scan3A_726#2 {strides = array<i32>} : memref<128x384xf32, #tpu.memory_space<vmem>>, vector<16xf32>,
        %swap3A_737 = arith.index_cast %sub3A_537 : i32 to index
        %swap3A_738 = arith.constant 304 : index
        %swap3A_739 = tpu.vector_load %arg20[%swap3A_737, %swap3A_738] {strides = array<i32>} : memref<128x384xf32, #tpu.memory_space<vmem>>, vector<16xf32>,
        tpu.vector_store %arg20[%swap3A_737, %swap3A_738], %scan3A_726#3 {strides = array<i32>} : memref<128x384xf32, #tpu.memory_space<vmem>>, vector<16xf32>,
        %swap3A_740 = arith.index_cast %sub3A_537 : i32 to index
        %swap3A_741 = arith.constant 320 : index
        %swap3A_742 = tpu.vector_load %arg20[%swap3A_740, %swap3A_741] {strides = array<i32>} : memref<128x384xf32, #tpu.memory_space<vmem>>, vector<16xf32>,
        tpu.vector_store %arg20[%swap3A_740, %swap3A_741], %scan3A_726#4 {strides = array<i32>} : memref<128x384xf32, #tpu.memory_space<vmem>>, vector<16xf32>,
        %swap3A_743 = arith.index_cast %sub3A_537 : i32 to index
        %swap3A_744 = arith.constant 336 : index
        %swap3A_745 = tpu.vector_load %arg20[%swap3A_743, %swap3A_744] {strides = array<i32>} : memref<128x384xf32, #tpu.memory_space<vmem>>, vector<16xf32>,
        tpu.vector_store %arg20[%swap3A_743, %swap3A_744], %scan3A_726#5 {strides = array<i32>} : memref<128x384xf32, #tpu.memory_space<vmem>>, vector<16xf32>,
        %swap3A_746 = arith.index_cast %sub3A_537 : i32 to index
        %swap3A_747 = arith.constant 352 : index
        %swap3A_748 = tpu.vector_load %arg20[%swap3A_746, %swap3A_747] {strides = array<i32>} : memref<128x384xf32, #tpu.memory_space<vmem>>, vector<16xf32>,
        tpu.vector_store %arg20[%swap3A_746, %swap3A_747], %scan3A_726#6 {strides = array<i32>} : memref<128x384xf32, #tpu.memory_space<vmem>>, vector<16xf32>,
        %swap3A_749 = arith.index_cast %sub3A_537 : i32 to index
        %swap3A_750 = arith.constant 368 : index
        %swap3A_751 = tpu.vector_load %arg20[%swap3A_749, %swap3A_750] {strides = array<i32>} : memref<128x384xf32, #tpu.memory_space<vmem>>, vector<16xf32>,
        tpu.vector_store %arg20[%swap3A_749, %swap3A_750], %scan3A_726#7 {strides = array<i32>} : memref<128x384xf32, #tpu.memory_space<vmem>>, vector<16xf32>,
      } else {
      }
      %scan3A_535 = arith.constant 0 : i32
      scf.yield %scan3A_535 : i32
    }
    %scan3A_227 = arith.constant 128 : i32
    %dma_wait3A = arith.constant 112 : i32
    %dma_wait3A_228 = arith.constant 0 : i32
    %dma_wait3A_229 = tpu.memref_slice %arg19[%dma_wait3A, %dma_wait3A_228] : memref<224x128xf32, #tpu.memory_space<vmem>> -> memref<16x128xf32, #tpu.memory_space<vmem>>
    %dma_wait3A_230 = arith.constant 128 : i32
    %dma_wait3A_231 = tpu.memref_slice %arg18[%dma_wait3A_230] : memref<256xi32, #tpu.memory_space<vmem>> -> memref<16xi32, #tpu.memory_space<vmem>>
    %dma_wait3A_232 = arith.constant 0 : i32
    %dma_wait3A_233 = arith.constant 0 : i32
    %dma_wait3A_234 = tpu.memref_slice %arg6[%dma_wait3A_232, %dma_wait3A_233] : memref<16384x128xf32, #tpu.memory_space<hbm>> -> memref<16384x128xf32, #tpu.memory_space<hbm>>
    tpu.wait_indirect_dma semaphore(%arg21 : memref<!tpu.dma_semaphore, #tpu.memory_space<semaphore_mem>>) src(%dma_wait3A_234 : memref<16384x128xf32, #tpu.memory_space<hbm>>) dst(%dma_wait3A_229 : memref<16x128xf32, #tpu.memory_space<vmem>>)
    %dma_wait3A_235 = arith.constant 128 : i32
    %dma_wait3A_236 = arith.constant 0 : i32
    %dma_wait3A_237 = tpu.memref_slice %arg19[%dma_wait3A_235, %dma_wait3A_236] : memref<224x128xf32, #tpu.memory_space<vmem>> -> memref<32x128xf32, #tpu.memory_space<vmem>>
    %dma_wait3A_238 = arith.constant 144 : i32
    %dma_wait3A_239 = tpu.memref_slice %arg18[%dma_wait3A_238] : memref<256xi32, #tpu.memory_space<vmem>> -> memref<32xi32, #tpu.memory_space<vmem>>
    %dma_wait3A_240 = arith.constant 0 : i32
    %dma_wait3A_241 = arith.constant 0 : i32
    %dma_wait3A_242 = tpu.memref_slice %arg7[%dma_wait3A_240, %dma_wait3A_241] : memref<16384x128xf32, #tpu.memory_space<hbm>> -> memref<16384x128xf32, #tpu.memory_space<hbm>>
    tpu.wait_indirect_dma semaphore(%arg21 : memref<!tpu.dma_semaphore, #tpu.memory_space<semaphore_mem>>) src(%dma_wait3A_242 : memref<16384x128xf32, #tpu.memory_space<hbm>>) dst(%dma_wait3A_237 : memref<32x128xf32, #tpu.memory_space<vmem>>)
    %dma_wait3A_243 = arith.constant 160 : i32
    %dma_wait3A_244 = arith.constant 0 : i32
    %dma_wait3A_245 = tpu.memref_slice %arg19[%dma_wait3A_243, %dma_wait3A_244] : memref<224x128xf32, #tpu.memory_space<vmem>> -> memref<64x128xf32, #tpu.memory_space<vmem>>
    %dma_wait3A_246 = arith.constant 176 : i32
    %dma_wait3A_247 = tpu.memref_slice %arg18[%dma_wait3A_246] : memref<256xi32, #tpu.memory_space<vmem>> -> memref<64xi32, #tpu.memory_space<vmem>>
    %dma_wait3A_248 = arith.constant 0 : i32
    %dma_wait3A_249 = arith.constant 0 : i32
    %dma_wait3A_250 = tpu.memref_slice %arg8[%dma_wait3A_248, %dma_wait3A_249] : memref<16384x128xf32, #tpu.memory_space<hbm>> -> memref<16384x128xf32, #tpu.memory_space<hbm>>
    tpu.wait_indirect_dma semaphore(%arg21 : memref<!tpu.dma_semaphore, #tpu.memory_space<semaphore_mem>>) src(%dma_wait3A_250 : memref<16384x128xf32, #tpu.memory_space<hbm>>) dst(%dma_wait3A_245 : memref<64x128xf32, #tpu.memory_space<vmem>>)
    %get3A_251 = arith.constant 112 : i32
    %get3A_252 = arith.index_cast %get3A_251 : i32 to index
    %get3A_253 = arith.constant 0 : index
    %get3A_254 = tpu.vector_load %arg19[%get3A_252, %get3A_253] {strides = array<i32>} : memref<224x128xf32, #tpu.memory_space<vmem>>, vector<16xf32>,
    %get3A_255 = arith.constant 112 : i32
    %get3A_256 = arith.index_cast %get3A_255 : i32 to index
    %get3A_257 = arith.constant 16 : index
    %get3A_258 = tpu.vector_load %arg19[%get3A_256, %get3A_257] {strides = array<i32>} : memref<224x128xf32, #tpu.memory_space<vmem>>, vector<16xf32>,
    %get3A_259 = arith.constant 112 : i32
    %get3A_260 = arith.index_cast %get3A_259 : i32 to index
    %get3A_261 = arith.constant 32 : index
    %get3A_262 = tpu.vector_load %arg19[%get3A_260, %get3A_261] {strides = array<i32>} : memref<224x128xf32, #tpu.memory_space<vmem>>, vector<16xf32>,
    %get3A_263 = arith.constant 112 : i32
    %get3A_264 = arith.index_cast %get3A_263 : i32 to index
    %get3A_265 = arith.constant 48 : index
    %get3A_266 = tpu.vector_load %arg19[%get3A_264, %get3A_265] {strides = array<i32>} : memref<224x128xf32, #tpu.memory_space<vmem>>, vector<16xf32>,
    %get3A_267 = arith.constant 112 : i32
    %get3A_268 = arith.index_cast %get3A_267 : i32 to index
    %get3A_269 = arith.constant 64 : index
    %get3A_270 = tpu.vector_load %arg19[%get3A_268, %get3A_269] {strides = array<i32>} : memref<224x128xf32, #tpu.memory_space<vmem>>, vector<16xf32>,
    %get3A_271 = arith.constant 112 : i32
    %get3A_272 = arith.index_cast %get3A_271 : i32 to index
    %get3A_273 = arith.constant 80 : index
    %get3A_274 = tpu.vector_load %arg19[%get3A_272, %get3A_273] {strides = array<i32>} : memref<224x128xf32, #tpu.memory_space<vmem>>, vector<16xf32>,
    %get3A_275 = arith.constant 112 : i32
    %get3A_276 = arith.index_cast %get3A_275 : i32 to index
    %get3A_277 = arith.constant 96 : index
    %get3A_278 = tpu.vector_load %arg19[%get3A_276, %get3A_277] {strides = array<i32>} : memref<224x128xf32, #tpu.memory_space<vmem>>, vector<16xf32>,
    %get3A_279 = arith.constant 112 : i32
    %get3A_280 = arith.index_cast %get3A_279 : i32 to index
    %get3A_281 = arith.constant 112 : index
    %get3A_282 = tpu.vector_load %arg19[%get3A_280, %get3A_281] {strides = array<i32>} : memref<224x128xf32, #tpu.memory_space<vmem>>, vector<16xf32>,
    %scan3A_283 = arith.constant 1 : i32
    %scan3A_284 = arith.constant 15 : i32
    %scan3A_285 = arith.addi %scan3A_283, %scan3A_284 : i32
    %scan3A_286 = arith.constant 1 : i32
    %scan3A_287:8 = scf.for %scan3A_466 = %scan3A_283 to %scan3A_285 step %scan3A_286 iter_args(%scan3A_467 = %get3A_254, %scan3A_468 = %get3A_258, %scan3A_469 = %get3A_262, %scan3A_470 = %get3A_266, %scan3A_471 = %get3A_270, %scan3A_472 = %get3A_274, %scan3A_473 = %get3A_278, %scan3A_474 = %get3A_282) -> (vector<16xf32>, vector<16xf32>, vector<16xf32>, vector<16xf32>, vector<16xf32>, vector<16xf32>, vector<16xf32>, vector<16xf32>)  : i32 {
      %add3A_475 = arith.constant 112 : i32
      %add3A_476 = arith.addi %add3A_475, %scan3A_466 : i32
      %get3A_477 = arith.index_cast %add3A_476 : i32 to index
      %get3A_478 = arith.constant 0 : index
      %get3A_479 = tpu.vector_load %arg19[%get3A_477, %get3A_478] {strides = array<i32>} : memref<224x128xf32, #tpu.memory_space<vmem>>, vector<16xf32>,
      %max3A = arith.maximumf %scan3A_467, %get3A_479 : vector<16xf32>
      %add3A_480 = arith.constant 112 : i32
      %add3A_481 = arith.addi %add3A_480, %scan3A_466 : i32
      %get3A_482 = arith.index_cast %add3A_481 : i32 to index
      %get3A_483 = arith.constant 16 : index
      %get3A_484 = tpu.vector_load %arg19[%get3A_482, %get3A_483] {strides = array<i32>} : memref<224x128xf32, #tpu.memory_space<vmem>>, vector<16xf32>,
      %max3A_485 = arith.maximumf %scan3A_468, %get3A_484 : vector<16xf32>
      %add3A_486 = arith.constant 112 : i32
      %add3A_487 = arith.addi %add3A_486, %scan3A_466 : i32
      %get3A_488 = arith.index_cast %add3A_487 : i32 to index
      %get3A_489 = arith.constant 32 : index
      %get3A_490 = tpu.vector_load %arg19[%get3A_488, %get3A_489] {strides = array<i32>} : memref<224x128xf32, #tpu.memory_space<vmem>>, vector<16xf32>,
      %max3A_491 = arith.maximumf %scan3A_469, %get3A_490 : vector<16xf32>
      %add3A_492 = arith.constant 112 : i32
      %add3A_493 = arith.addi %add3A_492, %scan3A_466 : i32
      %get3A_494 = arith.index_cast %add3A_493 : i32 to index
      %get3A_495 = arith.constant 48 : index
      %get3A_496 = tpu.vector_load %arg19[%get3A_494, %get3A_495] {strides = array<i32>} : memref<224x128xf32, #tpu.memory_space<vmem>>, vector<16xf32>,
      %max3A_497 = arith.maximumf %scan3A_470, %get3A_496 : vector<16xf32>
      %add3A_498 = arith.constant 112 : i32
      %add3A_499 = arith.addi %add3A_498, %scan3A_466 : i32
      %get3A_500 = arith.index_cast %add3A_499 : i32 to index
      %get3A_501 = arith.constant 64 : index
      %get3A_502 = tpu.vector_load %arg19[%get3A_500, %get3A_501] {strides = array<i32>} : memref<224x128xf32, #tpu.memory_space<vmem>>, vector<16xf32>,
      %max3A_503 = arith.maximumf %scan3A_471, %get3A_502 : vector<16xf32>
      %add3A_504 = arith.constant 112 : i32
      %add3A_505 = arith.addi %add3A_504, %scan3A_466 : i32
      %get3A_506 = arith.index_cast %add3A_505 : i32 to index
      %get3A_507 = arith.constant 80 : index
      %get3A_508 = tpu.vector_load %arg19[%get3A_506, %get3A_507] {strides = array<i32>} : memref<224x128xf32, #tpu.memory_space<vmem>>, vector<16xf32>,
      %max3A_509 = arith.maximumf %scan3A_472, %get3A_508 : vector<16xf32>
      %add3A_510 = arith.constant 112 : i32
      %add3A_511 = arith.addi %add3A_510, %scan3A_466 : i32
      %get3A_512 = arith.index_cast %add3A_511 : i32 to index
      %get3A_513 = arith.constant 96 : index
      %get3A_514 = tpu.vector_load %arg19[%get3A_512, %get3A_513] {strides = array<i32>} : memref<224x128xf32, #tpu.memory_space<vmem>>, vector<16xf32>,
      %max3A_515 = arith.maximumf %scan3A_473, %get3A_514 : vector<16xf32>
      %add3A_516 = arith.constant 112 : i32
      %add3A_517 = arith.addi %add3A_516, %scan3A_466 : i32
      %get3A_518 = arith.index_cast %add3A_517 : i32 to index
      %get3A_519 = arith.constant 112 : index
      %get3A_520 = tpu.vector_load %arg19[%get3A_518, %get3A_519] {strides = array<i32>} : memref<224x128xf32, #tpu.memory_space<vmem>>, vector<16xf32>,
      %max3A_521 = arith.maximumf %scan3A_474, %get3A_520 : vector<16xf32>
      scf.yield %max3A, %max3A_485, %max3A_491, %max3A_497, %max3A_503, %max3A_509, %max3A_515, %max3A_521 : vector<16xf32>, vector<16xf32>, vector<16xf32>, vector<16xf32>, vector<16xf32>, vector<16xf32>, vector<16xf32>, vector<16xf32>
    }
    %scan3A_288 = arith.constant 15 : i32
    %swap3A_289 = arith.constant 127 : i32
    %swap3A_290 = arith.index_cast %swap3A_289 : i32 to index
    %swap3A_291 = arith.constant 0 : index
    %swap3A_292 = tpu.vector_load %arg20[%swap3A_290, %swap3A_291] {strides = array<i32>} : memref<128x384xf32, #tpu.memory_space<vmem>>, vector<16xf32>,
    tpu.vector_store %arg20[%swap3A_290, %swap3A_291], %scan3A_287#0 {strides = array<i32>} : memref<128x384xf32, #tpu.memory_space<vmem>>, vector<16xf32>,
    %swap3A_293 = arith.constant 127 : i32
    %swap3A_294 = arith.index_cast %swap3A_293 : i32 to index
    %swap3A_295 = arith.constant 16 : index
    %swap3A_296 = tpu.vector_load %arg20[%swap3A_294, %swap3A_295] {strides = array<i32>} : memref<128x384xf32, #tpu.memory_space<vmem>>, vector<16xf32>,
    tpu.vector_store %arg20[%swap3A_294, %swap3A_295], %scan3A_287#1 {strides = array<i32>} : memref<128x384xf32, #tpu.memory_space<vmem>>, vector<16xf32>,
    %swap3A_297 = arith.constant 127 : i32
    %swap3A_298 = arith.index_cast %swap3A_297 : i32 to index
    %swap3A_299 = arith.constant 32 : index
    %swap3A_300 = tpu.vector_load %arg20[%swap3A_298, %swap3A_299] {strides = array<i32>} : memref<128x384xf32, #tpu.memory_space<vmem>>, vector<16xf32>,
    tpu.vector_store %arg20[%swap3A_298, %swap3A_299], %scan3A_287#2 {strides = array<i32>} : memref<128x384xf32, #tpu.memory_space<vmem>>, vector<16xf32>,
    %swap3A_301 = arith.constant 127 : i32
    %swap3A_302 = arith.index_cast %swap3A_301 : i32 to index
    %swap3A_303 = arith.constant 48 : index
    %swap3A_304 = tpu.vector_load %arg20[%swap3A_302, %swap3A_303] {strides = array<i32>} : memref<128x384xf32, #tpu.memory_space<vmem>>, vector<16xf32>,
    tpu.vector_store %arg20[%swap3A_302, %swap3A_303], %scan3A_287#3 {strides = array<i32>} : memref<128x384xf32, #tpu.memory_space<vmem>>, vector<16xf32>,
    %swap3A_305 = arith.constant 127 : i32
    %swap3A_306 = arith.index_cast %swap3A_305 : i32 to index
    %swap3A_307 = arith.constant 64 : index
    %swap3A_308 = tpu.vector_load %arg20[%swap3A_306, %swap3A_307] {strides = array<i32>} : memref<128x384xf32, #tpu.memory_space<vmem>>, vector<16xf32>,
    tpu.vector_store %arg20[%swap3A_306, %swap3A_307], %scan3A_287#4 {strides = array<i32>} : memref<128x384xf32, #tpu.memory_space<vmem>>, vector<16xf32>,
    %swap3A_309 = arith.constant 127 : i32
    %swap3A_310 = arith.index_cast %swap3A_309 : i32 to index
    %swap3A_311 = arith.constant 80 : index
    %swap3A_312 = tpu.vector_load %arg20[%swap3A_310, %swap3A_311] {strides = array<i32>} : memref<128x384xf32, #tpu.memory_space<vmem>>, vector<16xf32>,
    tpu.vector_store %arg20[%swap3A_310, %swap3A_311], %scan3A_287#5 {strides = array<i32>} : memref<128x384xf32, #tpu.memory_space<vmem>>, vector<16xf32>,
    %swap3A_313 = arith.constant 127 : i32
    %swap3A_314 = arith.index_cast %swap3A_313 : i32 to index
    %swap3A_315 = arith.constant 96 : index
    %swap3A_316 = tpu.vector_load %arg20[%swap3A_314, %swap3A_315] {strides = array<i32>} : memref<128x384xf32, #tpu.memory_space<vmem>>, vector<16xf32>,
    tpu.vector_store %arg20[%swap3A_314, %swap3A_315], %scan3A_287#6 {strides = array<i32>} : memref<128x384xf32, #tpu.memory_space<vmem>>, vector<16xf32>,
    %swap3A_317 = arith.constant 127 : i32
    %swap3A_318 = arith.index_cast %swap3A_317 : i32 to index
    %swap3A_319 = arith.constant 112 : index
    %swap3A_320 = tpu.vector_load %arg20[%swap3A_318, %swap3A_319] {strides = array<i32>} : memref<128x384xf32, #tpu.memory_space<vmem>>, vector<16xf32>,
    tpu.vector_store %arg20[%swap3A_318, %swap3A_319], %scan3A_287#7 {strides = array<i32>} : memref<128x384xf32, #tpu.memory_space<vmem>>, vector<16xf32>,
    %get3A_321 = arith.constant 128 : i32
    %get3A_322 = arith.index_cast %get3A_321 : i32 to index
    %get3A_323 = arith.constant 0 : index
    %get3A_324 = tpu.vector_load %arg19[%get3A_322, %get3A_323] {strides = array<i32>} : memref<224x128xf32, #tpu.memory_space<vmem>>, vector<16xf32>,
    %get3A_325 = arith.constant 128 : i32
    %get3A_326 = arith.index_cast %get3A_325 : i32 to index
    %get3A_327 = arith.constant 16 : index
    %get3A_328 = tpu.vector_load %arg19[%get3A_326, %get3A_327] {strides = array<i32>} : memref<224x128xf32, #tpu.memory_space<vmem>>, vector<16xf32>,
    %get3A_329 = arith.constant 128 : i32
    %get3A_330 = arith.index_cast %get3A_329 : i32 to index
    %get3A_331 = arith.constant 32 : index
    %get3A_332 = tpu.vector_load %arg19[%get3A_330, %get3A_331] {strides = array<i32>} : memref<224x128xf32, #tpu.memory_space<vmem>>, vector<16xf32>,
    %get3A_333 = arith.constant 128 : i32
    %get3A_334 = arith.index_cast %get3A_333 : i32 to index
    %get3A_335 = arith.constant 48 : index
    %get3A_336 = tpu.vector_load %arg19[%get3A_334, %get3A_335] {strides = array<i32>} : memref<224x128xf32, #tpu.memory_space<vmem>>, vector<16xf32>,
    %get3A_337 = arith.constant 128 : i32
    %get3A_338 = arith.index_cast %get3A_337 : i32 to index
    %get3A_339 = arith.constant 64 : index
    %get3A_340 = tpu.vector_load %arg19[%get3A_338, %get3A_339] {strides = array<i32>} : memref<224x128xf32, #tpu.memory_space<vmem>>, vector<16xf32>,
    %get3A_341 = arith.constant 128 : i32
    %get3A_342 = arith.index_cast %get3A_341 : i32 to index
    %get3A_343 = arith.constant 80 : index
    %get3A_344 = tpu.vector_load %arg19[%get3A_342, %get3A_343] {strides = array<i32>} : memref<224x128xf32, #tpu.memory_space<vmem>>, vector<16xf32>,
    %get3A_345 = arith.constant 128 : i32
    %get3A_346 = arith.index_cast %get3A_345 : i32 to index
    %get3A_347 = arith.constant 96 : index
    %get3A_348 = tpu.vector_load %arg19[%get3A_346, %get3A_347] {strides = array<i32>} : memref<224x128xf32, #tpu.memory_space<vmem>>, vector<16xf32>,
    %get3A_349 = arith.constant 128 : i32
    %get3A_350 = arith.index_cast %get3A_349 : i32 to index
    %get3A_351 = arith.constant 112 : index
    %get3A_352 = tpu.vector_load %arg19[%get3A_350, %get3A_351] {strides = array<i32>} : memref<224x128xf32, #tpu.memory_space<vmem>>, vector<16xf32>,
    %scan3A_353 = arith.constant 1 : i32
    %scan3A_354 = arith.constant 31 : i32
    %scan3A_355 = arith.addi %scan3A_353, %scan3A_354 : i32
    %scan3A_356 = arith.constant 1 : i32
    %scan3A_357:8 = scf.for %scan3A_466 = %scan3A_353 to %scan3A_355 step %scan3A_356 iter_args(%scan3A_467 = %get3A_324, %scan3A_468 = %get3A_328, %scan3A_469 = %get3A_332, %scan3A_470 = %get3A_336, %scan3A_471 = %get3A_340, %scan3A_472 = %get3A_344, %scan3A_473 = %get3A_348, %scan3A_474 = %get3A_352) -> (vector<16xf32>, vector<16xf32>, vector<16xf32>, vector<16xf32>, vector<16xf32>, vector<16xf32>, vector<16xf32>, vector<16xf32>)  : i32 {
      %add3A_475 = arith.constant 128 : i32
      %add3A_476 = arith.addi %add3A_475, %scan3A_466 : i32
      %get3A_477 = arith.index_cast %add3A_476 : i32 to index
      %get3A_478 = arith.constant 0 : index
      %get3A_479 = tpu.vector_load %arg19[%get3A_477, %get3A_478] {strides = array<i32>} : memref<224x128xf32, #tpu.memory_space<vmem>>, vector<16xf32>,
      %max3A = arith.maximumf %scan3A_467, %get3A_479 : vector<16xf32>
      %add3A_480 = arith.constant 128 : i32
      %add3A_481 = arith.addi %add3A_480, %scan3A_466 : i32
      %get3A_482 = arith.index_cast %add3A_481 : i32 to index
      %get3A_483 = arith.constant 16 : index
      %get3A_484 = tpu.vector_load %arg19[%get3A_482, %get3A_483] {strides = array<i32>} : memref<224x128xf32, #tpu.memory_space<vmem>>, vector<16xf32>,
      %max3A_485 = arith.maximumf %scan3A_468, %get3A_484 : vector<16xf32>
      %add3A_486 = arith.constant 128 : i32
      %add3A_487 = arith.addi %add3A_486, %scan3A_466 : i32
      %get3A_488 = arith.index_cast %add3A_487 : i32 to index
      %get3A_489 = arith.constant 32 : index
      %get3A_490 = tpu.vector_load %arg19[%get3A_488, %get3A_489] {strides = array<i32>} : memref<224x128xf32, #tpu.memory_space<vmem>>, vector<16xf32>,
      %max3A_491 = arith.maximumf %scan3A_469, %get3A_490 : vector<16xf32>
      %add3A_492 = arith.constant 128 : i32
      %add3A_493 = arith.addi %add3A_492, %scan3A_466 : i32
      %get3A_494 = arith.index_cast %add3A_493 : i32 to index
      %get3A_495 = arith.constant 48 : index
      %get3A_496 = tpu.vector_load %arg19[%get3A_494, %get3A_495] {strides = array<i32>} : memref<224x128xf32, #tpu.memory_space<vmem>>, vector<16xf32>,
      %max3A_497 = arith.maximumf %scan3A_470, %get3A_496 : vector<16xf32>
      %add3A_498 = arith.constant 128 : i32
      %add3A_499 = arith.addi %add3A_498, %scan3A_466 : i32
      %get3A_500 = arith.index_cast %add3A_499 : i32 to index
      %get3A_501 = arith.constant 64 : index
      %get3A_502 = tpu.vector_load %arg19[%get3A_500, %get3A_501] {strides = array<i32>} : memref<224x128xf32, #tpu.memory_space<vmem>>, vector<16xf32>,
      %max3A_503 = arith.maximumf %scan3A_471, %get3A_502 : vector<16xf32>
      %add3A_504 = arith.constant 128 : i32
      %add3A_505 = arith.addi %add3A_504, %scan3A_466 : i32
      %get3A_506 = arith.index_cast %add3A_505 : i32 to index
      %get3A_507 = arith.constant 80 : index
      %get3A_508 = tpu.vector_load %arg19[%get3A_506, %get3A_507] {strides = array<i32>} : memref<224x128xf32, #tpu.memory_space<vmem>>, vector<16xf32>,
      %max3A_509 = arith.maximumf %scan3A_472, %get3A_508 : vector<16xf32>
      %add3A_510 = arith.constant 128 : i32
      %add3A_511 = arith.addi %add3A_510, %scan3A_466 : i32
      %get3A_512 = arith.index_cast %add3A_511 : i32 to index
      %get3A_513 = arith.constant 96 : index
      %get3A_514 = tpu.vector_load %arg19[%get3A_512, %get3A_513] {strides = array<i32>} : memref<224x128xf32, #tpu.memory_space<vmem>>, vector<16xf32>,
      %max3A_515 = arith.maximumf %scan3A_473, %get3A_514 : vector<16xf32>
      %add3A_516 = arith.constant 128 : i32
      %add3A_517 = arith.addi %add3A_516, %scan3A_466 : i32
      %get3A_518 = arith.index_cast %add3A_517 : i32 to index
      %get3A_519 = arith.constant 112 : index
      %get3A_520 = tpu.vector_load %arg19[%get3A_518, %get3A_519] {strides = array<i32>} : memref<224x128xf32, #tpu.memory_space<vmem>>, vector<16xf32>,
      %max3A_521 = arith.maximumf %scan3A_474, %get3A_520 : vector<16xf32>
      scf.yield %max3A, %max3A_485, %max3A_491, %max3A_497, %max3A_503, %max3A_509, %max3A_515, %max3A_521 : vector<16xf32>, vector<16xf32>, vector<16xf32>, vector<16xf32>, vector<16xf32>, vector<16xf32>, vector<16xf32>, vector<16xf32>
    }
    %scan3A_358 = arith.constant 31 : i32
    %swap3A_359 = arith.constant 127 : i32
    %swap3A_360 = arith.index_cast %swap3A_359 : i32 to index
    %swap3A_361 = arith.constant 128 : index
    %swap3A_362 = tpu.vector_load %arg20[%swap3A_360, %swap3A_361] {strides = array<i32>} : memref<128x384xf32, #tpu.memory_space<vmem>>, vector<16xf32>,
    tpu.vector_store %arg20[%swap3A_360, %swap3A_361], %scan3A_357#0 {strides = array<i32>} : memref<128x384xf32, #tpu.memory_space<vmem>>, vector<16xf32>,
    %swap3A_363 = arith.constant 127 : i32
    %swap3A_364 = arith.index_cast %swap3A_363 : i32 to index
    %swap3A_365 = arith.constant 144 : index
    %swap3A_366 = tpu.vector_load %arg20[%swap3A_364, %swap3A_365] {strides = array<i32>} : memref<128x384xf32, #tpu.memory_space<vmem>>, vector<16xf32>,
    tpu.vector_store %arg20[%swap3A_364, %swap3A_365], %scan3A_357#1 {strides = array<i32>} : memref<128x384xf32, #tpu.memory_space<vmem>>, vector<16xf32>,
    %swap3A_367 = arith.constant 127 : i32
    %swap3A_368 = arith.index_cast %swap3A_367 : i32 to index
    %swap3A_369 = arith.constant 160 : index
    %swap3A_370 = tpu.vector_load %arg20[%swap3A_368, %swap3A_369] {strides = array<i32>} : memref<128x384xf32, #tpu.memory_space<vmem>>, vector<16xf32>,
    tpu.vector_store %arg20[%swap3A_368, %swap3A_369], %scan3A_357#2 {strides = array<i32>} : memref<128x384xf32, #tpu.memory_space<vmem>>, vector<16xf32>,
    %swap3A_371 = arith.constant 127 : i32
    %swap3A_372 = arith.index_cast %swap3A_371 : i32 to index
    %swap3A_373 = arith.constant 176 : index
    %swap3A_374 = tpu.vector_load %arg20[%swap3A_372, %swap3A_373] {strides = array<i32>} : memref<128x384xf32, #tpu.memory_space<vmem>>, vector<16xf32>,
    tpu.vector_store %arg20[%swap3A_372, %swap3A_373], %scan3A_357#3 {strides = array<i32>} : memref<128x384xf32, #tpu.memory_space<vmem>>, vector<16xf32>,
    %swap3A_375 = arith.constant 127 : i32
    %swap3A_376 = arith.index_cast %swap3A_375 : i32 to index
    %swap3A_377 = arith.constant 192 : index
    %swap3A_378 = tpu.vector_load %arg20[%swap3A_376, %swap3A_377] {strides = array<i32>} : memref<128x384xf32, #tpu.memory_space<vmem>>, vector<16xf32>,
    tpu.vector_store %arg20[%swap3A_376, %swap3A_377], %scan3A_357#4 {strides = array<i32>} : memref<128x384xf32, #tpu.memory_space<vmem>>, vector<16xf32>,
    %swap3A_379 = arith.constant 127 : i32
    %swap3A_380 = arith.index_cast %swap3A_379 : i32 to index
    %swap3A_381 = arith.constant 208 : index
    %swap3A_382 = tpu.vector_load %arg20[%swap3A_380, %swap3A_381] {strides = array<i32>} : memref<128x384xf32, #tpu.memory_space<vmem>>, vector<16xf32>,
    tpu.vector_store %arg20[%swap3A_380, %swap3A_381], %scan3A_357#5 {strides = array<i32>} : memref<128x384xf32, #tpu.memory_space<vmem>>, vector<16xf32>,
    %swap3A_383 = arith.constant 127 : i32
    %swap3A_384 = arith.index_cast %swap3A_383 : i32 to index
    %swap3A_385 = arith.constant 224 : index
    %swap3A_386 = tpu.vector_load %arg20[%swap3A_384, %swap3A_385] {strides = array<i32>} : memref<128x384xf32, #tpu.memory_space<vmem>>, vector<16xf32>,
    tpu.vector_store %arg20[%swap3A_384, %swap3A_385], %scan3A_357#6 {strides = array<i32>} : memref<128x384xf32, #tpu.memory_space<vmem>>, vector<16xf32>,
    %swap3A_387 = arith.constant 127 : i32
    %swap3A_388 = arith.index_cast %swap3A_387 : i32 to index
    %swap3A_389 = arith.constant 240 : index
    %swap3A_390 = tpu.vector_load %arg20[%swap3A_388, %swap3A_389] {strides = array<i32>} : memref<128x384xf32, #tpu.memory_space<vmem>>, vector<16xf32>,
    tpu.vector_store %arg20[%swap3A_388, %swap3A_389], %scan3A_357#7 {strides = array<i32>} : memref<128x384xf32, #tpu.memory_space<vmem>>, vector<16xf32>,
    %get3A_391 = arith.constant 160 : i32
    %get3A_392 = arith.index_cast %get3A_391 : i32 to index
    %get3A_393 = arith.constant 0 : index
    %get3A_394 = tpu.vector_load %arg19[%get3A_392, %get3A_393] {strides = array<i32>} : memref<224x128xf32, #tpu.memory_space<vmem>>, vector<16xf32>,
    %get3A_395 = arith.constant 160 : i32
    %get3A_396 = arith.index_cast %get3A_395 : i32 to index
    %get3A_397 = arith.constant 16 : index
    %get3A_398 = tpu.vector_load %arg19[%get3A_396, %get3A_397] {strides = array<i32>} : memref<224x128xf32, #tpu.memory_space<vmem>>, vector<16xf32>,
    %get3A_399 = arith.constant 160 : i32
    %get3A_400 = arith.index_cast %get3A_399 : i32 to index
    %get3A_401 = arith.constant 32 : index
    %get3A_402 = tpu.vector_load %arg19[%get3A_400, %get3A_401] {strides = array<i32>} : memref<224x128xf32, #tpu.memory_space<vmem>>, vector<16xf32>,
    %get3A_403 = arith.constant 160 : i32
    %get3A_404 = arith.index_cast %get3A_403 : i32 to index
    %get3A_405 = arith.constant 48 : index
    %get3A_406 = tpu.vector_load %arg19[%get3A_404, %get3A_405] {strides = array<i32>} : memref<224x128xf32, #tpu.memory_space<vmem>>, vector<16xf32>,
    %get3A_407 = arith.constant 160 : i32
    %get3A_408 = arith.index_cast %get3A_407 : i32 to index
    %get3A_409 = arith.constant 64 : index
    %get3A_410 = tpu.vector_load %arg19[%get3A_408, %get3A_409] {strides = array<i32>} : memref<224x128xf32, #tpu.memory_space<vmem>>, vector<16xf32>,
    %get3A_411 = arith.constant 160 : i32
    %get3A_412 = arith.index_cast %get3A_411 : i32 to index
    %get3A_413 = arith.constant 80 : index
    %get3A_414 = tpu.vector_load %arg19[%get3A_412, %get3A_413] {strides = array<i32>} : memref<224x128xf32, #tpu.memory_space<vmem>>, vector<16xf32>,
    %get3A_415 = arith.constant 160 : i32
    %get3A_416 = arith.index_cast %get3A_415 : i32 to index
    %get3A_417 = arith.constant 96 : index
    %get3A_418 = tpu.vector_load %arg19[%get3A_416, %get3A_417] {strides = array<i32>} : memref<224x128xf32, #tpu.memory_space<vmem>>, vector<16xf32>,
    %get3A_419 = arith.constant 160 : i32
    %get3A_420 = arith.index_cast %get3A_419 : i32 to index
    %get3A_421 = arith.constant 112 : index
    %get3A_422 = tpu.vector_load %arg19[%get3A_420, %get3A_421] {strides = array<i32>} : memref<224x128xf32, #tpu.memory_space<vmem>>, vector<16xf32>,
    %scan3A_423 = arith.constant 1 : i32
    %scan3A_424 = arith.constant 63 : i32
    %scan3A_425 = arith.addi %scan3A_423, %scan3A_424 : i32
    %scan3A_426 = arith.constant 1 : i32
    %scan3A_427:8 = scf.for %scan3A_466 = %scan3A_423 to %scan3A_425 step %scan3A_426 iter_args(%scan3A_467 = %get3A_394, %scan3A_468 = %get3A_398, %scan3A_469 = %get3A_402, %scan3A_470 = %get3A_406, %scan3A_471 = %get3A_410, %scan3A_472 = %get3A_414, %scan3A_473 = %get3A_418, %scan3A_474 = %get3A_422) -> (vector<16xf32>, vector<16xf32>, vector<16xf32>, vector<16xf32>, vector<16xf32>, vector<16xf32>, vector<16xf32>, vector<16xf32>)  : i32 {
      %add3A_475 = arith.constant 160 : i32
      %add3A_476 = arith.addi %add3A_475, %scan3A_466 : i32
      %get3A_477 = arith.index_cast %add3A_476 : i32 to index
      %get3A_478 = arith.constant 0 : index
      %get3A_479 = tpu.vector_load %arg19[%get3A_477, %get3A_478] {strides = array<i32>} : memref<224x128xf32, #tpu.memory_space<vmem>>, vector<16xf32>,
      %max3A = arith.maximumf %scan3A_467, %get3A_479 : vector<16xf32>
      %add3A_480 = arith.constant 160 : i32
      %add3A_481 = arith.addi %add3A_480, %scan3A_466 : i32
      %get3A_482 = arith.index_cast %add3A_481 : i32 to index
      %get3A_483 = arith.constant 16 : index
      %get3A_484 = tpu.vector_load %arg19[%get3A_482, %get3A_483] {strides = array<i32>} : memref<224x128xf32, #tpu.memory_space<vmem>>, vector<16xf32>,
      %max3A_485 = arith.maximumf %scan3A_468, %get3A_484 : vector<16xf32>
      %add3A_486 = arith.constant 160 : i32
      %add3A_487 = arith.addi %add3A_486, %scan3A_466 : i32
      %get3A_488 = arith.index_cast %add3A_487 : i32 to index
      %get3A_489 = arith.constant 32 : index
      %get3A_490 = tpu.vector_load %arg19[%get3A_488, %get3A_489] {strides = array<i32>} : memref<224x128xf32, #tpu.memory_space<vmem>>, vector<16xf32>,
      %max3A_491 = arith.maximumf %scan3A_469, %get3A_490 : vector<16xf32>
      %add3A_492 = arith.constant 160 : i32
      %add3A_493 = arith.addi %add3A_492, %scan3A_466 : i32
      %get3A_494 = arith.index_cast %add3A_493 : i32 to index
      %get3A_495 = arith.constant 48 : index
      %get3A_496 = tpu.vector_load %arg19[%get3A_494, %get3A_495] {strides = array<i32>} : memref<224x128xf32, #tpu.memory_space<vmem>>, vector<16xf32>,
      %max3A_497 = arith.maximumf %scan3A_470, %get3A_496 : vector<16xf32>
      %add3A_498 = arith.constant 160 : i32
      %add3A_499 = arith.addi %add3A_498, %scan3A_466 : i32
      %get3A_500 = arith.index_cast %add3A_499 : i32 to index
      %get3A_501 = arith.constant 64 : index
      %get3A_502 = tpu.vector_load %arg19[%get3A_500, %get3A_501] {strides = array<i32>} : memref<224x128xf32, #tpu.memory_space<vmem>>, vector<16xf32>,
      %max3A_503 = arith.maximumf %scan3A_471, %get3A_502 : vector<16xf32>
      %add3A_504 = arith.constant 160 : i32
      %add3A_505 = arith.addi %add3A_504, %scan3A_466 : i32
      %get3A_506 = arith.index_cast %add3A_505 : i32 to index
      %get3A_507 = arith.constant 80 : index
      %get3A_508 = tpu.vector_load %arg19[%get3A_506, %get3A_507] {strides = array<i32>} : memref<224x128xf32, #tpu.memory_space<vmem>>, vector<16xf32>,
      %max3A_509 = arith.maximumf %scan3A_472, %get3A_508 : vector<16xf32>
      %add3A_510 = arith.constant 160 : i32
      %add3A_511 = arith.addi %add3A_510, %scan3A_466 : i32
      %get3A_512 = arith.index_cast %add3A_511 : i32 to index
      %get3A_513 = arith.constant 96 : index
      %get3A_514 = tpu.vector_load %arg19[%get3A_512, %get3A_513] {strides = array<i32>} : memref<224x128xf32, #tpu.memory_space<vmem>>, vector<16xf32>,
      %max3A_515 = arith.maximumf %scan3A_473, %get3A_514 : vector<16xf32>
      %add3A_516 = arith.constant 160 : i32
      %add3A_517 = arith.addi %add3A_516, %scan3A_466 : i32
      %get3A_518 = arith.index_cast %add3A_517 : i32 to index
      %get3A_519 = arith.constant 112 : index
      %get3A_520 = tpu.vector_load %arg19[%get3A_518, %get3A_519] {strides = array<i32>} : memref<224x128xf32, #tpu.memory_space<vmem>>, vector<16xf32>,
      %max3A_521 = arith.maximumf %scan3A_474, %get3A_520 : vector<16xf32>
      scf.yield %max3A, %max3A_485, %max3A_491, %max3A_497, %max3A_503, %max3A_509, %max3A_515, %max3A_521 : vector<16xf32>, vector<16xf32>, vector<16xf32>, vector<16xf32>, vector<16xf32>, vector<16xf32>, vector<16xf32>, vector<16xf32>
    }
    %scan3A_428 = arith.constant 63 : i32
    %swap3A_429 = arith.constant 127 : i32
    %swap3A_430 = arith.index_cast %swap3A_429 : i32 to index
    %swap3A_431 = arith.constant 256 : index
    %swap3A_432 = tpu.vector_load %arg20[%swap3A_430, %swap3A_431] {strides = array<i32>} : memref<128x384xf32, #tpu.memory_space<vmem>>, vector<16xf32>,
    tpu.vector_store %arg20[%swap3A_430, %swap3A_431], %scan3A_427#0 {strides = array<i32>} : memref<128x384xf32, #tpu.memory_space<vmem>>, vector<16xf32>,
    %swap3A_433 = arith.constant 127 : i32
    %swap3A_434 = arith.index_cast %swap3A_433 : i32 to index
    %swap3A_435 = arith.constant 272 : index
    %swap3A_436 = tpu.vector_load %arg20[%swap3A_434, %swap3A_435] {strides = array<i32>} : memref<128x384xf32, #tpu.memory_space<vmem>>, vector<16xf32>,
    tpu.vector_store %arg20[%swap3A_434, %swap3A_435], %scan3A_427#1 {strides = array<i32>} : memref<128x384xf32, #tpu.memory_space<vmem>>, vector<16xf32>,
    %swap3A_437 = arith.constant 127 : i32
    %swap3A_438 = arith.index_cast %swap3A_437 : i32 to index
    %swap3A_439 = arith.constant 288 : index
    %swap3A_440 = tpu.vector_load %arg20[%swap3A_438, %swap3A_439] {strides = array<i32>} : memref<128x384xf32, #tpu.memory_space<vmem>>, vector<16xf32>,
    tpu.vector_store %arg20[%swap3A_438, %swap3A_439], %scan3A_427#2 {strides = array<i32>} : memref<128x384xf32, #tpu.memory_space<vmem>>, vector<16xf32>,
    %swap3A_441 = arith.constant 127 : i32
    %swap3A_442 = arith.index_cast %swap3A_441 : i32 to index
    %swap3A_443 = arith.constant 304 : index
    %swap3A_444 = tpu.vector_load %arg20[%swap3A_442, %swap3A_443] {strides = array<i32>} : memref<128x384xf32, #tpu.memory_space<vmem>>, vector<16xf32>,
    tpu.vector_store %arg20[%swap3A_442, %swap3A_443], %scan3A_427#3 {strides = array<i32>} : memref<128x384xf32, #tpu.memory_space<vmem>>, vector<16xf32>,
    %swap3A_445 = arith.constant 127 : i32
    %swap3A_446 = arith.index_cast %swap3A_445 : i32 to index
    %swap3A_447 = arith.constant 320 : index
    %swap3A_448 = tpu.vector_load %arg20[%swap3A_446, %swap3A_447] {strides = array<i32>} : memref<128x384xf32, #tpu.memory_space<vmem>>, vector<16xf32>,
    tpu.vector_store %arg20[%swap3A_446, %swap3A_447], %scan3A_427#4 {strides = array<i32>} : memref<128x384xf32, #tpu.memory_space<vmem>>, vector<16xf32>,
    %swap3A_449 = arith.constant 127 : i32
    %swap3A_450 = arith.index_cast %swap3A_449 : i32 to index
    %swap3A_451 = arith.constant 336 : index
    %swap3A_452 = tpu.vector_load %arg20[%swap3A_450, %swap3A_451] {strides = array<i32>} : memref<128x384xf32, #tpu.memory_space<vmem>>, vector<16xf32>,
    tpu.vector_store %arg20[%swap3A_450, %swap3A_451], %scan3A_427#5 {strides = array<i32>} : memref<128x384xf32, #tpu.memory_space<vmem>>, vector<16xf32>,
    %swap3A_453 = arith.constant 127 : i32
    %swap3A_454 = arith.index_cast %swap3A_453 : i32 to index
    %swap3A_455 = arith.constant 352 : index
    %swap3A_456 = tpu.vector_load %arg20[%swap3A_454, %swap3A_455] {strides = array<i32>} : memref<128x384xf32, #tpu.memory_space<vmem>>, vector<16xf32>,
    tpu.vector_store %arg20[%swap3A_454, %swap3A_455], %scan3A_427#6 {strides = array<i32>} : memref<128x384xf32, #tpu.memory_space<vmem>>, vector<16xf32>,
    %swap3A_457 = arith.constant 127 : i32
    %swap3A_458 = arith.index_cast %swap3A_457 : i32 to index
    %swap3A_459 = arith.constant 368 : index
    %swap3A_460 = tpu.vector_load %arg20[%swap3A_458, %swap3A_459] {strides = array<i32>} : memref<128x384xf32, #tpu.memory_space<vmem>>, vector<16xf32>,
    tpu.vector_store %arg20[%swap3A_458, %swap3A_459], %scan3A_427#7 {strides = array<i32>} : memref<128x384xf32, #tpu.memory_space<vmem>>, vector<16xf32>,
    %mul3A_461 = arith.constant 8 : i32
    %mul3A_462 = arith.muli %select_n3A, %mul3A_461 : i32
    %add3A_463 = arith.addi %mul3A_462, %select_n3A_30 : i32
    %mul3A_464 = arith.constant 128 : i32
    %mul3A_465 = arith.muli %add3A_463, %mul3A_464 : i32
    "tpu.region"() ({
      %run_scoped3A = tpu.sem_alloc : memref<!tpu.dma_semaphore, #tpu.memory_space<semaphore_mem>>
      %dma_start3A = arith.constant 0 : i32
      %dma_start3A_466 = tpu.memref_slice %arg10[%mul3A_465, %dma_start3A] : memref<4096x384xf32, #tpu.memory_space<hbm>> -> memref<128x384xf32, #tpu.memory_space<hbm>>
      %dma_start3A_467 = arith.constant 0 : i32
      %dma_start3A_468 = tpu.memref_slice %arg10[%mul3A_465, %dma_start3A_467] : memref<4096x384xf32, #tpu.memory_space<hbm>> -> memref<128x384xf32, #tpu.memory_space<hbm>>
      tpu.enqueue_dma source(%arg20 : memref<128x384xf32, #tpu.memory_space<vmem>>) target(%dma_start3A_468 : memref<128x384xf32, #tpu.memory_space<hbm>>) target_semaphore(%run_scoped3A : memref<!tpu.dma_semaphore, #tpu.memory_space<semaphore_mem>>)
      %dma_wait3A_469 = arith.constant 0 : i32
      %dma_wait3A_470 = tpu.memref_slice %arg10[%mul3A_465, %dma_wait3A_469] : memref<4096x384xf32, #tpu.memory_space<hbm>> -> memref<128x384xf32, #tpu.memory_space<hbm>>
      %dma_wait3A_471 = arith.constant 0 : i32
      %dma_wait3A_472 = tpu.memref_slice %arg10[%mul3A_465, %dma_wait3A_471] : memref<4096x384xf32, #tpu.memory_space<hbm>> -> memref<128x384xf32, #tpu.memory_space<hbm>>
      tpu.wait_dma2 semaphore(%run_scoped3A : memref<!tpu.dma_semaphore, #tpu.memory_space<semaphore_mem>>) src(%arg20 : memref<128x384xf32, #tpu.memory_space<vmem>>) dst(%dma_wait3A_472 : memref<128x384xf32, #tpu.memory_space<hbm>>)
      tpu.yield
    }) : () -> ()
    return
  }
}

module attributes {stable_mosaic.version = 14 : i64} {
  func.func @_mlp_body(%arg0: i32, %arg1: memref<512x64xf32, #tpu.memory_space<vmem>>, %arg2: memref<64x64xf32, #tpu.memory_space<vmem>>, %arg3: memref<64xf32, #tpu.memory_space<vmem>>, %arg4: memref<128x64xf32, #tpu.memory_space<vmem>>, %arg5: memref<128xf32, #tpu.memory_space<vmem>>, %arg6: memref<96x64xf32, #tpu.memory_space<vmem>>, %arg7: memref<96xf32, #tpu.memory_space<vmem>>, %arg8: memref<128x96xf32, #tpu.memory_space<vmem>>, %arg9: memref<128xf32, #tpu.memory_space<vmem>>, %arg10: memref<128x64xf32, #tpu.memory_space<vmem>>, %arg11: memref<128xf32, #tpu.memory_space<vmem>>, %arg12: memref<128x128xf32, #tpu.memory_space<vmem>>, %arg13: memref<128xf32, #tpu.memory_space<vmem>>, %arg14: memref<512x128xf32, #tpu.memory_space<vmem>>, %arg15: memref<512x128xf32, #tpu.memory_space<vmem>>, %arg16: memref<512x128xf32, #tpu.memory_space<vmem>>) attributes {dimension_semantics = [#tpu.dimension_semantics<arbitrary>], iteration_bounds = array<i64: 32>, scalar_prefetch = 0 : i64, scratch_operands = 0 : i64, tpu.core_type = #tpu.core_type<tc>, window_params = [{transform_indices = @transform_0, window_bounds = array<i64: 512, 64>}, {pipeline_mode = #tpu.pipeline_mode<synchronous>, transform_indices = @transform_1, window_bounds = array<i64: 64, 64>}, {pipeline_mode = #tpu.pipeline_mode<synchronous>, transform_indices = @transform_2, window_bounds = array<i64: 64>}, {pipeline_mode = #tpu.pipeline_mode<synchronous>, transform_indices = @transform_3, window_bounds = array<i64: 128, 64>}, {pipeline_mode = #tpu.pipeline_mode<synchronous>, transform_indices = @transform_4, window_bounds = array<i64: 128>}, {pipeline_mode = #tpu.pipeline_mode<synchronous>, transform_indices = @transform_5, window_bounds = array<i64: 96, 64>}, {pipeline_mode = #tpu.pipeline_mode<synchronous>, transform_indices = @transform_6, window_bounds = array<i64: 96>}, {pipeline_mode = #tpu.pipeline_mode<synchronous>, transform_indices = @transform_7, window_bounds = array<i64: 128, 96>}, {pipeline_mode = #tpu.pipeline_mode<synchronous>, transform_indices = @transform_8, window_bounds = array<i64: 128>}, {pipeline_mode = #tpu.pipeline_mode<synchronous>, transform_indices = @transform_9, window_bounds = array<i64: 128, 64>}, {pipeline_mode = #tpu.pipeline_mode<synchronous>, transform_indices = @transform_10, window_bounds = array<i64: 128>}, {pipeline_mode = #tpu.pipeline_mode<synchronous>, transform_indices = @transform_11, window_bounds = array<i64: 128, 128>}, {pipeline_mode = #tpu.pipeline_mode<synchronous>, transform_indices = @transform_12, window_bounds = array<i64: 128>}, {transform_indices = @transform_13, window_bounds = array<i64: 512, 128>}, {transform_indices = @transform_14, window_bounds = array<i64: 512, 128>}, {transform_indices = @transform_15, window_bounds = array<i64: 512, 128>}]} {
    %get3A = arith.constant 0 : index
    %get3A_0 = arith.constant 0 : index
    %get3A_1 = vector.load %arg1[%get3A, %get3A_0] : memref<512x64xf32, #tpu.memory_space<vmem>>, vector<512x64xf32>
    %get3A_2 = arith.constant 0 : index
    %get3A_3 = arith.constant 0 : index
    %get3A_4 = vector.load %arg2[%get3A_2, %get3A_3] : memref<64x64xf32, #tpu.memory_space<vmem>>, vector<64x64xf32>
    %dot_general3A = arith.constant dense<0.000000e+00> : vector<512x64xf32>
    %dot_general3A_5 = tpu.matmul %get3A_1, %get3A_4, %dot_general3A {dimension_numbers = #tpu.dot_dimension_numbers<[1], [1], [0], [0], [0, 0, 1, 0], [], []>, precision = #tpu.contract_precision<fp32>, transpose_lhs_hint = false} : vector<512x64xf32>, vector<64x64xf32>, vector<512x64xf32> -> vector<512x64xf32>
    %get3A_6 = arith.constant 0 : index
    %get3A_7 = vector.load %arg3[%get3A_6] : memref<64xf32, #tpu.memory_space<vmem>>, vector<64xf32>
    %broadcast_in_dim3A = vector.shape_cast %get3A_7 : vector<64xf32> to vector<1x64xf32>
    %add3A = vector.broadcast %broadcast_in_dim3A : vector<1x64xf32> to vector<512x64xf32>
    %add3A_8 = arith.addf %dot_general3A_5, %add3A : vector<512x64xf32>
    %mul3A = arith.constant 0.999994993 : f32
    %mul3A_9 = vector.broadcast %mul3A : f32 to vector<512x64xf32>
    %mul3A_10 = arith.mulf %add3A_8, %mul3A_9 : vector<512x64xf32>
    %max3A = arith.constant 0.000000e+00 : f32
    %max3A_11 = vector.broadcast %max3A : f32 to vector<512x64xf32>
    %max3A_12 = arith.maximumf %mul3A_10, %max3A_11 : vector<512x64xf32>
    %get3A_13 = arith.constant 0 : index
    %get3A_14 = arith.constant 0 : index
    %get3A_15 = vector.load %arg4[%get3A_13, %get3A_14] : memref<128x64xf32, #tpu.memory_space<vmem>>, vector<128x64xf32>
    %dot_general3A_16 = arith.constant dense<0.000000e+00> : vector<512x128xf32>
    %dot_general3A_17 = tpu.matmul %max3A_12, %get3A_15, %dot_general3A_16 {dimension_numbers = #tpu.dot_dimension_numbers<[1], [1], [0], [0], [0, 0, 1, 0], [], []>, precision = #tpu.contract_precision<fp32>, transpose_lhs_hint = false} : vector<512x64xf32>, vector<128x64xf32>, vector<512x128xf32> -> vector<512x128xf32>
    %get3A_18 = arith.constant 0 : index
    %get3A_19 = vector.load %arg5[%get3A_18] : memref<128xf32, #tpu.memory_space<vmem>>, vector<128xf32>
    %broadcast_in_dim3A_20 = vector.shape_cast %get3A_19 : vector<128xf32> to vector<1x128xf32>
    %add3A_21 = vector.broadcast %broadcast_in_dim3A_20 : vector<1x128xf32> to vector<512x128xf32>
    %add3A_22 = arith.addf %dot_general3A_17, %add3A_21 : vector<512x128xf32>
    %mul3A_23 = arith.constant 0.999994993 : f32
    %mul3A_24 = vector.broadcast %mul3A_23 : f32 to vector<512x128xf32>
    %mul3A_25 = arith.mulf %add3A_22, %mul3A_24 : vector<512x128xf32>
    %max3A_26 = arith.constant 0.000000e+00 : f32
    %max3A_27 = vector.broadcast %max3A_26 : f32 to vector<512x128xf32>
    %max3A_28 = arith.maximumf %mul3A_25, %max3A_27 : vector<512x128xf32>
    %swap3A = arith.constant 0 : index
    %swap3A_29 = arith.constant 0 : index
    %swap3A_30 = vector.load %arg14[%swap3A, %swap3A_29] : memref<512x128xf32, #tpu.memory_space<vmem>>, vector<512x128xf32>
    tpu.vector_store %arg14[%swap3A, %swap3A_29], %max3A_28 {strides = array<i32>} : memref<512x128xf32, #tpu.memory_space<vmem>>, vector<512x128xf32>,
    %get3A_31 = arith.constant 0 : index
    %get3A_32 = arith.constant 0 : index
    %get3A_33 = vector.load %arg6[%get3A_31, %get3A_32] : memref<96x64xf32, #tpu.memory_space<vmem>>, vector<96x64xf32>
    %dot_general3A_34 = arith.constant dense<0.000000e+00> : vector<512x96xf32>
    %dot_general3A_35 = tpu.matmul %get3A_1, %get3A_33, %dot_general3A_34 {dimension_numbers = #tpu.dot_dimension_numbers<[1], [1], [0], [0], [0, 0, 1, 0], [], []>, precision = #tpu.contract_precision<fp32>, transpose_lhs_hint = false} : vector<512x64xf32>, vector<96x64xf32>, vector<512x96xf32> -> vector<512x96xf32>
    %get3A_36 = arith.constant 0 : index
    %get3A_37 = vector.load %arg7[%get3A_36] : memref<96xf32, #tpu.memory_space<vmem>>, vector<96xf32>
    %broadcast_in_dim3A_38 = vector.shape_cast %get3A_37 : vector<96xf32> to vector<1x96xf32>
    %add3A_39 = vector.broadcast %broadcast_in_dim3A_38 : vector<1x96xf32> to vector<512x96xf32>
    %add3A_40 = arith.addf %dot_general3A_35, %add3A_39 : vector<512x96xf32>
    %mul3A_41 = arith.constant 0.999994993 : f32
    %mul3A_42 = vector.broadcast %mul3A_41 : f32 to vector<512x96xf32>
    %mul3A_43 = arith.mulf %add3A_40, %mul3A_42 : vector<512x96xf32>
    %max3A_44 = arith.constant 0.000000e+00 : f32
    %max3A_45 = vector.broadcast %max3A_44 : f32 to vector<512x96xf32>
    %max3A_46 = arith.maximumf %mul3A_43, %max3A_45 : vector<512x96xf32>
    %get3A_47 = arith.constant 0 : index
    %get3A_48 = arith.constant 0 : index
    %get3A_49 = vector.load %arg8[%get3A_47, %get3A_48] : memref<128x96xf32, #tpu.memory_space<vmem>>, vector<128x96xf32>
    %dot_general3A_50 = arith.constant dense<0.000000e+00> : vector<512x128xf32>
    %dot_general3A_51 = tpu.matmul %max3A_46, %get3A_49, %dot_general3A_50 {dimension_numbers = #tpu.dot_dimension_numbers<[1], [1], [0], [0], [0, 0, 1, 0], [], []>, precision = #tpu.contract_precision<fp32>, transpose_lhs_hint = false} : vector<512x96xf32>, vector<128x96xf32>, vector<512x128xf32> -> vector<512x128xf32>
    %get3A_52 = arith.constant 0 : index
    %get3A_53 = vector.load %arg9[%get3A_52] : memref<128xf32, #tpu.memory_space<vmem>>, vector<128xf32>
    %broadcast_in_dim3A_54 = vector.shape_cast %get3A_53 : vector<128xf32> to vector<1x128xf32>
    %add3A_55 = vector.broadcast %broadcast_in_dim3A_54 : vector<1x128xf32> to vector<512x128xf32>
    %add3A_56 = arith.addf %dot_general3A_51, %add3A_55 : vector<512x128xf32>
    %mul3A_57 = arith.constant 0.999994993 : f32
    %mul3A_58 = vector.broadcast %mul3A_57 : f32 to vector<512x128xf32>
    %mul3A_59 = arith.mulf %add3A_56, %mul3A_58 : vector<512x128xf32>
    %max3A_60 = arith.constant 0.000000e+00 : f32
    %max3A_61 = vector.broadcast %max3A_60 : f32 to vector<512x128xf32>
    %max3A_62 = arith.maximumf %mul3A_59, %max3A_61 : vector<512x128xf32>
    %swap3A_63 = arith.constant 0 : index
    %swap3A_64 = arith.constant 0 : index
    %swap3A_65 = vector.load %arg15[%swap3A_63, %swap3A_64] : memref<512x128xf32, #tpu.memory_space<vmem>>, vector<512x128xf32>
    tpu.vector_store %arg15[%swap3A_63, %swap3A_64], %max3A_62 {strides = array<i32>} : memref<512x128xf32, #tpu.memory_space<vmem>>, vector<512x128xf32>,
    %get3A_66 = arith.constant 0 : index
    %get3A_67 = arith.constant 0 : index
    %get3A_68 = vector.load %arg10[%get3A_66, %get3A_67] : memref<128x64xf32, #tpu.memory_space<vmem>>, vector<128x64xf32>
    %dot_general3A_69 = arith.constant dense<0.000000e+00> : vector<512x128xf32>
    %dot_general3A_70 = tpu.matmul %get3A_1, %get3A_68, %dot_general3A_69 {dimension_numbers = #tpu.dot_dimension_numbers<[1], [1], [0], [0], [0, 0, 1, 0], [], []>, precision = #tpu.contract_precision<fp32>, transpose_lhs_hint = false} : vector<512x64xf32>, vector<128x64xf32>, vector<512x128xf32> -> vector<512x128xf32>
    %get3A_71 = arith.constant 0 : index
    %get3A_72 = vector.load %arg11[%get3A_71] : memref<128xf32, #tpu.memory_space<vmem>>, vector<128xf32>
    %broadcast_in_dim3A_73 = vector.shape_cast %get3A_72 : vector<128xf32> to vector<1x128xf32>
    %add3A_74 = vector.broadcast %broadcast_in_dim3A_73 : vector<1x128xf32> to vector<512x128xf32>
    %add3A_75 = arith.addf %dot_general3A_70, %add3A_74 : vector<512x128xf32>
    %mul3A_76 = arith.constant 0.999994993 : f32
    %mul3A_77 = vector.broadcast %mul3A_76 : f32 to vector<512x128xf32>
    %mul3A_78 = arith.mulf %add3A_75, %mul3A_77 : vector<512x128xf32>
    %max3A_79 = arith.constant 0.000000e+00 : f32
    %max3A_80 = vector.broadcast %max3A_79 : f32 to vector<512x128xf32>
    %max3A_81 = arith.maximumf %mul3A_78, %max3A_80 : vector<512x128xf32>
    %get3A_82 = arith.constant 0 : index
    %get3A_83 = arith.constant 0 : index
    %get3A_84 = vector.load %arg12[%get3A_82, %get3A_83] : memref<128x128xf32, #tpu.memory_space<vmem>>, vector<128x128xf32>
    %dot_general3A_85 = arith.constant dense<0.000000e+00> : vector<512x128xf32>
    %dot_general3A_86 = tpu.matmul %max3A_81, %get3A_84, %dot_general3A_85 {dimension_numbers = #tpu.dot_dimension_numbers<[1], [1], [0], [0], [0, 0, 1, 0], [], []>, precision = #tpu.contract_precision<fp32>, transpose_lhs_hint = false} : vector<512x128xf32>, vector<128x128xf32>, vector<512x128xf32> -> vector<512x128xf32>
    %get3A_87 = arith.constant 0 : index
    %get3A_88 = vector.load %arg13[%get3A_87] : memref<128xf32, #tpu.memory_space<vmem>>, vector<128xf32>
    %broadcast_in_dim3A_89 = vector.shape_cast %get3A_88 : vector<128xf32> to vector<1x128xf32>
    %add3A_90 = vector.broadcast %broadcast_in_dim3A_89 : vector<1x128xf32> to vector<512x128xf32>
    %add3A_91 = arith.addf %dot_general3A_86, %add3A_90 : vector<512x128xf32>
    %mul3A_92 = arith.constant 0.999994993 : f32
    %mul3A_93 = vector.broadcast %mul3A_92 : f32 to vector<512x128xf32>
    %mul3A_94 = arith.mulf %add3A_91, %mul3A_93 : vector<512x128xf32>
    %max3A_95 = arith.constant 0.000000e+00 : f32
    %max3A_96 = vector.broadcast %max3A_95 : f32 to vector<512x128xf32>
    %max3A_97 = arith.maximumf %mul3A_94, %max3A_96 : vector<512x128xf32>
    %swap3A_98 = arith.constant 0 : index
    %swap3A_99 = arith.constant 0 : index
    %swap3A_100 = vector.load %arg16[%swap3A_98, %swap3A_99] : memref<512x128xf32, #tpu.memory_space<vmem>>, vector<512x128xf32>
    tpu.vector_store %arg16[%swap3A_98, %swap3A_99], %max3A_97 {strides = array<i32>} : memref<512x128xf32, #tpu.memory_space<vmem>>, vector<512x128xf32>,
    return
  }
  func.func @transform_0(%arg0: i32) -> (i32, i32) {
    %c0_i32 = arith.constant 0 : i32
    %c0_i32_0 = arith.constant 0 : i32
    return %arg0, %c0_i32 : i32, i32
  }
  func.func @transform_1(%arg0: i32) -> (i32, i32) {
    %c0_i32 = arith.constant 0 : i32
    %c0_i32_0 = arith.constant 0 : i32
    %c0_i32_1 = arith.constant 0 : i32
    return %c0_i32, %c0_i32_0 : i32, i32
  }
  func.func @transform_2(%arg0: i32) -> i32 {
    %c0_i32 = arith.constant 0 : i32
    %c0_i32_0 = arith.constant 0 : i32
    return %c0_i32 : i32
  }
  func.func @transform_3(%arg0: i32) -> (i32, i32) {
    %c0_i32 = arith.constant 0 : i32
    %c0_i32_0 = arith.constant 0 : i32
    %c0_i32_1 = arith.constant 0 : i32
    return %c0_i32, %c0_i32_0 : i32, i32
  }
  func.func @transform_4(%arg0: i32) -> i32 {
    %c0_i32 = arith.constant 0 : i32
    %c0_i32_0 = arith.constant 0 : i32
    return %c0_i32 : i32
  }
  func.func @transform_5(%arg0: i32) -> (i32, i32) {
    %c0_i32 = arith.constant 0 : i32
    %c0_i32_0 = arith.constant 0 : i32
    %c0_i32_1 = arith.constant 0 : i32
    return %c0_i32, %c0_i32_0 : i32, i32
  }
  func.func @transform_6(%arg0: i32) -> i32 {
    %c0_i32 = arith.constant 0 : i32
    %c0_i32_0 = arith.constant 0 : i32
    return %c0_i32 : i32
  }
  func.func @transform_7(%arg0: i32) -> (i32, i32) {
    %c0_i32 = arith.constant 0 : i32
    %c0_i32_0 = arith.constant 0 : i32
    %c0_i32_1 = arith.constant 0 : i32
    return %c0_i32, %c0_i32_0 : i32, i32
  }
  func.func @transform_8(%arg0: i32) -> i32 {
    %c0_i32 = arith.constant 0 : i32
    %c0_i32_0 = arith.constant 0 : i32
    return %c0_i32 : i32
  }
  func.func @transform_9(%arg0: i32) -> (i32, i32) {
    %c0_i32 = arith.constant 0 : i32
    %c0_i32_0 = arith.constant 0 : i32
    %c0_i32_1 = arith.constant 0 : i32
    return %c0_i32, %c0_i32_0 : i32, i32
  }
  func.func @transform_10(%arg0: i32) -> i32 {
    %c0_i32 = arith.constant 0 : i32
    %c0_i32_0 = arith.constant 0 : i32
    return %c0_i32 : i32
  }
  func.func @transform_11(%arg0: i32) -> (i32, i32) {
    %c0_i32 = arith.constant 0 : i32
    %c0_i32_0 = arith.constant 0 : i32
    %c0_i32_1 = arith.constant 0 : i32
    return %c0_i32, %c0_i32_0 : i32, i32
  }
  func.func @transform_12(%arg0: i32) -> i32 {
    %c0_i32 = arith.constant 0 : i32
    %c0_i32_0 = arith.constant 0 : i32
    return %c0_i32 : i32
  }
  func.func @transform_13(%arg0: i32) -> (i32, i32) {
    %c0_i32 = arith.constant 0 : i32
    %c0_i32_0 = arith.constant 0 : i32
    return %arg0, %c0_i32 : i32, i32
  }
  func.func @transform_14(%arg0: i32) -> (i32, i32) {
    %c0_i32 = arith.constant 0 : i32
    %c0_i32_0 = arith.constant 0 : i32
    return %arg0, %c0_i32 : i32, i32
  }
  func.func @transform_15(%arg0: i32) -> (i32, i32) {
    %c0_i32 = arith.constant 0 : i32
    %c0_i32_0 = arith.constant 0 : i32
    return %arg0, %c0_i32 : i32, i32
  }
}

module attributes {stable_mosaic.version = 14 : i64} {
  func.func @_fps_body(%arg0: memref<3x4x8x512xf32, #tpu.memory_space<vmem>>, %arg1: memref<4x8x128xi32, #tpu.memory_space<vmem>>, %arg2: memref<4x8x512xf32, #tpu.memory_space<vmem>>, %arg3: memref<4x8x128xi32, #tpu.memory_space<vmem>>) attributes {dimension_semantics = [], scalar_prefetch = 0 : i64, scratch_operands = 0 : i64, tpu.core_type = #tpu.core_type<tc>} {
    %iota3A = tpu.iota {dimensions = array<i32: 1>} : vector<4x8x512xi32>
    %mul3A = arith.constant 512 : i32
    %mul3A_0 = vector.broadcast %mul3A : i32 to vector<4x8x512xi32>
    %mul3A_1 = arith.muli %iota3A, %mul3A_0 : vector<4x8x512xi32>
    %iota3A_2 = tpu.iota {dimensions = array<i32: 2>} : vector<4x8x512xi32>
    %add3A = arith.addi %mul3A_1, %iota3A_2 : vector<4x8x512xi32>
    %iota3A_3 = tpu.iota {dimensions = array<i32: 1>} : vector<4x8x128xi32>
    %iota3A_4 = tpu.iota {dimensions = array<i32: 2>} : vector<4x8x128xi32>
    %get3A = arith.constant 0 : index
    %get3A_5 = arith.constant 0 : index
    %get3A_6 = arith.constant 0 : index
    %get3A_7 = arith.constant 0 : index
    %get3A_8 = vector.load %arg0[%get3A, %get3A_5, %get3A_6, %get3A_7] : memref<3x4x8x512xf32, #tpu.memory_space<vmem>>, vector<1x4x8x512xf32>
    %get3A_9 = vector.shape_cast %get3A_8 : vector<1x4x8x512xf32> to vector<4x8x512xf32>
    %get3A_10 = arith.constant 1 : index
    %get3A_11 = arith.constant 0 : index
    %get3A_12 = arith.constant 0 : index
    %get3A_13 = arith.constant 0 : index
    %get3A_14 = vector.load %arg0[%get3A_10, %get3A_11, %get3A_12, %get3A_13] : memref<3x4x8x512xf32, #tpu.memory_space<vmem>>, vector<1x4x8x512xf32>
    %get3A_15 = vector.shape_cast %get3A_14 : vector<1x4x8x512xf32> to vector<4x8x512xf32>
    %get3A_16 = arith.constant 2 : index
    %get3A_17 = arith.constant 0 : index
    %get3A_18 = arith.constant 0 : index
    %get3A_19 = arith.constant 0 : index
    %get3A_20 = vector.load %arg0[%get3A_16, %get3A_17, %get3A_18, %get3A_19] : memref<3x4x8x512xf32, #tpu.memory_space<vmem>>, vector<1x4x8x512xf32>
    %get3A_21 = vector.shape_cast %get3A_20 : vector<1x4x8x512xf32> to vector<4x8x512xf32>
    %get3A_22 = arith.constant 0 : index
    %get3A_23 = arith.constant 0 : index
    %get3A_24 = arith.constant 0 : index
    %get3A_25 = vector.load %arg2[%get3A_22, %get3A_23, %get3A_24] : memref<4x8x512xf32, #tpu.memory_space<vmem>>, vector<4x8x512xf32>
    %add3A_26 = arith.constant 1.000000e+10 : f32
    %add3A_27 = vector.broadcast %add3A_26 : f32 to vector<4x8x512xf32>
    %add3A_28 = arith.addf %get3A_25, %add3A_27 : vector<4x8x512xf32>
    %get3A_29 = arith.constant 0 : index
    %get3A_30 = arith.constant 0 : index
    %get3A_31 = arith.constant 0 : index
    %get3A_32 = vector.load %arg1[%get3A_29, %get3A_30, %get3A_31] : memref<4x8x128xi32, #tpu.memory_space<vmem>>, vector<4x1x1xi32>
    %get3A_33 = arith.constant 0 : index
    %get3A_34 = arith.constant 0 : index
    %get3A_35 = arith.constant 0 : index
    %get3A_36 = vector.load %arg1[%get3A_33, %get3A_34, %get3A_35] : memref<4x8x128xi32, #tpu.memory_space<vmem>>, vector<4x8x128xi32>
    %scan3A = arith.constant -3.000000e+38 : f32
    %scan3A_37 = arith.constant 1073741824 : i32
    %scan3A_38 = arith.constant 0 : i32
    %scan3A_39 = arith.constant 1024 : i32
    %scan3A_40 = arith.addi %scan3A_38, %scan3A_39 : i32
    %scan3A_41 = arith.constant 1 : i32
    %scan3A_42:3 = scf.for %scan3A_47 = %scan3A_38 to %scan3A_40 step %scan3A_41 iter_args(%scan3A_48 = %add3A_28, %scan3A_49 = %get3A_32, %scan3A_50 = %get3A_36) -> (vector<4x8x512xf32>, vector<4x1x1xi32>, vector<4x8x128xi32>)  : i32 {
      %shift_right_arithmetic3A = arith.constant 7 : i32
      %shift_right_arithmetic3A_51 = arith.shrsi %scan3A_47, %shift_right_arithmetic3A : i32
      %and3A = arith.constant 127 : i32
      %and3A_52 = arith.andi %scan3A_47, %and3A : i32
      %eq3A = vector.broadcast %shift_right_arithmetic3A_51 : i32 to vector<4x8x128xi32>
      %eq3A_53 = arith.cmpi eq, %iota3A_3, %eq3A : vector<4x8x128xi32>
      %eq3A_54 = vector.broadcast %and3A_52 : i32 to vector<4x8x128xi32>
      %eq3A_55 = arith.cmpi eq, %iota3A_4, %eq3A_54 : vector<4x8x128xi32>
      %and3A_56 = arith.andi %eq3A_53, %eq3A_55 : vector<4x8x128xi1>
      %broadcast_in_dim3A = vector.shape_cast %scan3A_49 : vector<4x1x1xi32> to vector<4x1x1xi32>
      %broadcast_in_dim3A_57 = vector.broadcast %broadcast_in_dim3A : vector<4x1x1xi32> to vector<4x8x128xi32>
      %select_n3A = arith.select %and3A_56, %broadcast_in_dim3A_57, %scan3A_50 : vector<4x8x128xi1>, vector<4x8x128xi32>
      %eq3A_58 = vector.broadcast %scan3A_49 : vector<4x1x1xi32> to vector<4x8x512xi32>
      %eq3A_59 = arith.cmpi eq, %add3A, %eq3A_58 : vector<4x8x512xi32>
      %broadcast_in_dim3A_60 = vector.broadcast %scan3A : f32 to vector<4x8x512xf32>
      %select_n3A_61 = arith.select %eq3A_59, %get3A_9, %broadcast_in_dim3A_60 : vector<4x8x512xi1>, vector<4x8x512xf32>
      %reduce_max3A = arith.constant dense<0xFF800000> : vector<4xf32>
      %reduce_max3A_62 = vector.multi_reduction <maximumf>, %select_n3A_61, %reduce_max3A [1, 2] : vector<4x8x512xf32> to vector<4xf32>
      %broadcast_in_dim3A_63 = vector.shape_cast %reduce_max3A_62 : vector<4xf32> to vector<4x1x1xf32>
      %broadcast_in_dim3A_64 = vector.broadcast %scan3A : f32 to vector<4x8x512xf32>
      %select_n3A_65 = arith.select %eq3A_59, %get3A_15, %broadcast_in_dim3A_64 : vector<4x8x512xi1>, vector<4x8x512xf32>
      %reduce_max3A_66 = arith.constant dense<0xFF800000> : vector<4xf32>
      %reduce_max3A_67 = vector.multi_reduction <maximumf>, %select_n3A_65, %reduce_max3A_66 [1, 2] : vector<4x8x512xf32> to vector<4xf32>
      %broadcast_in_dim3A_68 = vector.shape_cast %reduce_max3A_67 : vector<4xf32> to vector<4x1x1xf32>
      %broadcast_in_dim3A_69 = vector.broadcast %scan3A : f32 to vector<4x8x512xf32>
      %select_n3A_70 = arith.select %eq3A_59, %get3A_21, %broadcast_in_dim3A_69 : vector<4x8x512xi1>, vector<4x8x512xf32>
      %reduce_max3A_71 = arith.constant dense<0xFF800000> : vector<4xf32>
      %reduce_max3A_72 = vector.multi_reduction <maximumf>, %select_n3A_70, %reduce_max3A_71 [1, 2] : vector<4x8x512xf32> to vector<4xf32>
      %broadcast_in_dim3A_73 = vector.shape_cast %reduce_max3A_72 : vector<4xf32> to vector<4x1x1xf32>
      %sub3A = vector.broadcast %broadcast_in_dim3A_63 : vector<4x1x1xf32> to vector<4x8x512xf32>
      %sub3A_74 = arith.subf %get3A_9, %sub3A : vector<4x8x512xf32>
      %sub3A_75 = vector.broadcast %broadcast_in_dim3A_68 : vector<4x1x1xf32> to vector<4x8x512xf32>
      %sub3A_76 = arith.subf %get3A_15, %sub3A_75 : vector<4x8x512xf32>
      %sub3A_77 = vector.broadcast %broadcast_in_dim3A_73 : vector<4x1x1xf32> to vector<4x8x512xf32>
      %sub3A_78 = arith.subf %get3A_21, %sub3A_77 : vector<4x8x512xf32>
      %mul3A_79 = arith.mulf %sub3A_74, %sub3A_74 : vector<4x8x512xf32>
      %mul3A_80 = arith.mulf %sub3A_76, %sub3A_76 : vector<4x8x512xf32>
      %add3A_81 = arith.addf %mul3A_79, %mul3A_80 : vector<4x8x512xf32>
      %mul3A_82 = arith.mulf %sub3A_78, %sub3A_78 : vector<4x8x512xf32>
      %add3A_83 = arith.addf %add3A_81, %mul3A_82 : vector<4x8x512xf32>
      %min3A = arith.minimumf %scan3A_48, %add3A_83 : vector<4x8x512xf32>
      %reduce_max3A_84 = arith.constant dense<0xFF800000> : vector<4xf32>
      %reduce_max3A_85 = vector.multi_reduction <maximumf>, %min3A, %reduce_max3A_84 [1, 2] : vector<4x8x512xf32> to vector<4xf32>
      %broadcast_in_dim3A_86 = vector.shape_cast %reduce_max3A_85 : vector<4xf32> to vector<4x1x1xf32>
      %eq3A_87 = vector.broadcast %broadcast_in_dim3A_86 : vector<4x1x1xf32> to vector<4x8x512xf32>
      %eq3A_88 = arith.cmpf oeq, %min3A, %eq3A_87 : vector<4x8x512xf32>
      %broadcast_in_dim3A_89 = vector.broadcast %scan3A_37 : i32 to vector<4x8x512xi32>
      %select_n3A_90 = arith.select %eq3A_88, %add3A, %broadcast_in_dim3A_89 : vector<4x8x512xi1>, vector<4x8x512xi32>
      %reduce_min3A = arith.constant dense<2147483647> : vector<4xi32>
      %reduce_min3A_91 = vector.multi_reduction <minsi>, %select_n3A_90, %reduce_min3A [1, 2] : vector<4x8x512xi32> to vector<4xi32>
      %broadcast_in_dim3A_92 = vector.shape_cast %reduce_min3A_91 : vector<4xi32> to vector<4x1x1xi32>
      scf.yield %min3A, %broadcast_in_dim3A_92, %select_n3A : vector<4x8x512xf32>, vector<4x1x1xi32>, vector<4x8x128xi32>
    }
    %scan3A_43 = arith.constant 1024 : i32
    %swap3A = arith.constant 0 : index
    %swap3A_44 = arith.constant 0 : index
    %swap3A_45 = arith.constant 0 : index
    %swap3A_46 = vector.load %arg3[%swap3A, %swap3A_44, %swap3A_45] : memref<4x8x128xi32, #tpu.memory_space<vmem>>, vector<4x8x128xi32>
    tpu.vector_store %arg3[%swap3A, %swap3A_44, %swap3A_45], %scan3A_42#2 {strides = array<i32>} : memref<4x8x128xi32, #tpu.memory_space<vmem>>, vector<4x8x128xi32>,
    return
  }
}

</mosaic_0001>

<sc_bundles>
// kernel: kernel.5.cloned.1.call-start
scs
__scs_entry_jumppad:
0x0: {  	(pc) =	sbr.rel $0x88, $3  }
0x1: {  	(tag) =	ssettag $0x0;
	lr =	simm.s32 $0x1  }
0x2: {  	[smem:$0x3F93] =	sst lr;
	_ =	strace $0xD0000000  }
0x3: {  	_ = 	snop  }
0x4: {  	_ = 	snop  }
0x5: {  	_ = 	snop  }
0x6: {  	_ = 	snop  }
0x7: {  	_ = 	snop  }
__scs_overlays_trampoline_lowered:
0x8: {  	[smem:$0x3FA2] =	sst s0  }
0x9: {  	[smem:$0x3FA3] =	sst s1  }
0xa: {  	[smem:$0x3FA4] =	sst s2  }
0xb: {  	[smem:$0x3FA5] =	sst s3  }
0xc: {  	[smem:$0x3FA6] =	sst s4  }
0xd: {  	[smem:$0x3FA7] =	sst s5  }
0xe: {  	[smem:$0x3FA8] =	sst s6  }
0xf: {  	[smem:$0x3FA9] =	sst s7  }
0x10: {  	[smem:$0x3FAA] =	sst s8  }
0x11: {  	[smem:$0x3FAB] =	sst s9;
	s0 =	simm.s32 @!p0 $0x0  }
0x12: {  	s1 =	sld [smem:$0x3F91];
	s0 =	simm.s32 @p0 $0x1  }
0x13: {  	[smem:$0x3FAC] =	sst s0;
	s0 =	simm.s32 @!p1 $0x0  }
0x14: {  	s2 =	sld [smem:$0x3F90];
	s0 =	simm.s32 @p1 $0x1  }
0x15: {  	[smem:$0x3FAD] =	sst s0;
	s0 =	simm.s32 @!p2 $0x0  }
0x16: {  	s3 =	sld [smem:$0x3FDB];
	s0 =	simm.s32 @p2 $0x1  }
0x17: {  	s4 =	simm.s32 $0x1BF5;
	[smem:$0x3FAF] =	sst s0  }
0x18: {  	s0 =	sld [smem:$0x3F92];
	_ =	swait.ge [sflag:s4], $0x0  }
0x19: {  	s7 =	sld [smem:$0x3F93]  }
0x1a: {  	s8 =	sadd.s32 $0xFFFFE003, lr  }
0x1b: {  	s9 =	sadd.s32 $0xFFFFFEF7, lr;
	s5 =	simm.s32 $0xFFFFFFFF;
	p2 =	slt.u32 s8, $0xFFFFF086  }
0x1c: {  	p1 =	slt.u32 s9, $0xF7A;
	s5 =	simm.s32 @!p2 $0x0  }
0x1d: {  	s5 =	simm.s32 @p1 $0x1;
	p0 =	seq.s32 s7, s2  }
0x1e: {  	s7 =	smul.u32 @!p0 $0xF7A, s2;
	p2 =	seq.s32 @!p0 s5, $0x0  }
0x1f: {  	s9 =	smul.u32 $0xF7A, s1;
	s8 =	simm.s32 @!p0 $0x1BF5;
	p2 =	por !p2, p0  }
0x20: {  	[sflag:s8] =	ssyncset.s32 @!p0 $0xFFFFF086;
	s6 =	sadd.s32 @!p0 s3, s7;
	s7 =	simm.s32 @!p0 $0x108  }
0x21: {  	s3 =	sadd.s32 s3, s9;
	s6 =	sadd.s32 @!p0 $0x88, s6;
	s7 =	simm.s32 @p2 $0x1082  }
0x22: {  	[simem:s7], [sflag:s8] =	dma.local @!p0 [hbm:s6], $0xF7A  }
0x23: {  	s9 =	sor.u32 $0xD0000000, s2;
	s6 =	simm.s32 $0x108;
	_ =	swait.ge @!p0 [sflag:s8], $0x0  }
0x24: {  	s3 =	sadd.s32 $0x88, s3;
	s6 =	simm.s32 @!p1 $0x1082;
	[sflag:s4] =	ssyncset.s32 $0xFFFFF086  }
0x25: {  	[simem:s6], [sflag:s4] =	dma.local [hbm:s3], $0xF7A  }
0x26: {  	[smem:$0x3F93] =	sst s1;
	(tag) =	ssettag s2;
	_ =	strace s9  }
0x27: {  	s1 =	sld [smem:$0x3FA3]  }
0x28: {  	s2 =	sld [smem:$0x3FA4]  }
0x29: {  	s4 =	sld [smem:$0x3FA6]  }
0x2a: {  	p0 =	seq.s32 s5, $0x0;
	s5 =	sld [smem:$0x3FA7]  }
0x2b: {  	s6 =	sld [smem:$0x3FA8]  }
0x2c: {  	s7 =	sld [smem:$0x3FA9]  }
0x2d: {  	s3 =	simm.s32 $0x108;
	s8 =	sld [smem:$0x3FAA]  }
0x2e: {  	s3 =	simm.s32 @!p0 $0x1082;
	s9 =	sld [smem:$0x3FAB]  }
0x2f: {  	lr =	sadd.s32 s0, s3;
	s0 =	sld [smem:$0x3FA2]  }
0x30: {  	s3 =	sld [smem:$0x3FA5]  }
0x31: {  	[smem:$0x3FAE] =	sst s10  }
0x32: {  	s10 =	sld [smem:$0x3FAC];
	_ =	sdelay $0x3  }
0x33: {  	p0 =	seq.s32 s10, $0x1;
	s10 =	sld [smem:$0x3FAE];
	_ =	sdelay $0x3  }
0x34: {  	[smem:$0x3FAE] =	sst s10  }
0x35: {  	s10 =	sld [smem:$0x3FAD];
	_ =	sdelay $0x3  }
0x36: {  	p1 =	seq.s32 s10, $0x1;
	s10 =	sld [smem:$0x3FAE];
	_ =	sdelay $0x3  }
0x37: {  	[smem:$0x3FAE] =	sst s10  }
0x38: {  	s10 =	sld [smem:$0x3FAF]  }
0x39: {  	_ = 	snop;
	(pc) =	sbr.ind lr, $3  }
0x3a: {  	_ = 	snop  }
0x3b: {  	_ = 	snop  }
0x3c: {  	p2 =	seq.s32 s10, $0x1;
	s10 =	sld [smem:$0x3FAE]  }
0x3d: {  	_ =	shalt  }
0x3e: {  	_ =	shalt  }
0x3f: {  	_ =	shalt  }
0x40: {  	_ =	shalt  }
0x41: {  	_ =	shalt  }
0x42: {  	_ =	shalt  }
0x43: {  	_ =	shalt  }
0x44: {  	_ =	shalt  }
0x45: {  	_ =	shalt  }
0x46: {  	_ =	shalt  }
0x47: {  	_ =	shalt  }
0x48: {  	_ =	shalt  }
0x49: {  	_ =	shalt  }
0x4a: {  	_ =	shalt  }
0x4b: {  	_ =	shalt  }
0x4c: {  	_ =	shalt  }
0x4d: {  	_ =	shalt  }
0x4e: {  	_ =	shalt  }
0x4f: {  	_ =	shalt  }
0x50: {  	_ =	shalt  }
0x51: {  	_ =	shalt  }
0x52: {  	_ =	shalt  }
0x53: {  	_ =	shalt  }
0x54: {  	_ =	shalt  }
0x55: {  	_ =	shalt  }
0x56: {  	_ =	shalt  }
0x57: {  	_ =	shalt  }
0x58: {  	_ =	shalt  }
0x59: {  	_ =	shalt  }
0x5a: {  	_ =	shalt  }
0x5b: {  	_ =	shalt  }
0x5c: {  	_ =	shalt  }
0x5d: {  	_ =	shalt  }
0x5e: {  	_ =	shalt  }
0x5f: {  	_ =	shalt  }
0x60: {  	_ =	shalt  }
0x61: {  	_ =	shalt  }
0x62: {  	_ =	shalt  }
0x63: {  	_ =	shalt  }
0x64: {  	_ =	shalt  }
0x65: {  	_ =	shalt  }
0x66: {  	_ =	shalt  }
0x67: {  	_ =	shalt  }
0x68: {  	_ =	shalt  }
0x69: {  	_ =	shalt  }
0x6a: {  	_ =	shalt  }
0x6b: {  	_ =	shalt  }
0x6c: {  	_ =	shalt  }
0x6d: {  	_ =	shalt  }
0x6e: {  	_ =	shalt  }
0x6f: {  	_ =	shalt  }
0x70: {  	_ =	shalt  }
0x71: {  	_ =	shalt  }
0x72: {  	_ =	shalt  }
0x73: {  	_ =	shalt  }
0x74: {  	_ =	shalt  }
0x75: {  	_ =	shalt  }
0x76: {  	_ =	shalt  }
0x77: {  	_ =	shalt  }
0x78: {  	_ =	shalt  }
0x79: {  	_ =	shalt  }
0x7a: {  	_ =	shalt  }
0x7b: {  	_ =	shalt  }
0x7c: {  	_ =	shalt  }
0x7d: {  	_ =	shalt  }
0x7e: {  	_ =	shalt  }
0x7f: {  	_ =	shalt  }
0x80: {  	_ =	shalt  }
0x81: {  	_ =	shalt  }
0x82: {  	_ =	shalt  }
0x83: {  	_ =	shalt  }
0x84: {  	_ =	shalt  }
0x85: {  	_ =	shalt  }
0x86: {  	_ =	shalt  }
0x87: {  	_ =	shalt  }
.Lfunc_end0:
.L_simem_size_0:
called_computation_lowered:
.L_overlay_start_0:
0x88: {  	s2 =	sld [smem:$0x3FD9]  }
0x89: {  	s3 =	sld [smem:$0x3FFE];
	_ =	sdelay $0x1  }
0x8a: {  	s1 =	srdreg.scid  }
0x8b: {  	s0 =	sand.u32 $0x1, s1  }
0x8c: {  	s14 =	sshll.u32 s0, $0xA;
	s2 =	sadd.s32 s3, s2  }
0x8d: {  	s2 =	sadd.s32 s2, s14  }
0x8e: {  	[smem:$0x3FBA] =	sst s2  }
0x8f: {  	_ = 	snop  }
0x90: {  	s2 =	sld [smem:$0x3FD0];
	_ =	sdelay $0x2  }
0x91: {  	s15 =	simm.s32 $0xA;
	s4 =	simm.s32 $0x10  }
0x92: {  	[smem:s4], [sflag:s15] =	dma.local [hbm:s2], $0x1  }
0x93: {  	_ =	swait.eq [sflag:s15], $0x1  }
0x94: {  	[sflag:s15] =	ssyncset.done $0x0  }
0x95: {  	s16 =	sld [smem:$0x10];
	[sflag:s15] =	ssyncadd.s32 $0xFFFFFFFF  }
0x96: {  	s17 =	sld [smem:$0x11];
	(tm) =	ssettm $0x1  }
0x97: {  	s18 =	sld [smem:$0x3FFB];
	_ =	sdelay $0x3  }
0x98: {  	_ =	strace s18  }
0x99: {  	s4 =	sld [smem:$0x3FFC];
	_ =	sdelay $0x3  }
0x9a: {  	_ =	strace s4  }
0x9b: {  	s4 =	sld [smem:$0x3FFD];
	_ =	sdelay $0x3  }
0x9c: {  	_ =	strace s4  }
0x9d: {  	_ =	strace $0x8FFFFFFF  }
0x9e: {  	s19 =	sld [smem:$0x3FDB];
	_ =	sdelay $0x1  }
0x9f: {  	s5 =	simm.s32 $_scs_section_size  }
0xa0: {  	s6 =	simm.s32 $_size__tile_overlayer_lowered;
	s7 =	simm.s32 $_tile_overlayer_lowered  }
0xa1: {  	s22 =	simm.s32 $0x1BFF;
	s21 =	sshll.u32 s7, $0x1;
	s4 =	sadd.s32 s5, s19  }
0xa2: {  	s8 =	simm.s32 $0x0;
	s20 =	sshll.u32 s6, $0x1;
	s6 =	sadd.s32 s21, s4  }
0xa3: {  	[timem:s8], [sflag:s22] =	dma.local [hbm:s6], s20  }
0xa4: {  	_ =	swait.ge [sflag:s22], s20  }
0xa5: {  	s5 =	ssub.s32 $0x0, s20;
	[sflag:s22] =	ssyncset.done $0x0  }
0xa6: {  	[sflag:s22] =	ssyncadd.s32 s5;
	_ =	sdelay $0x1  }
0xa7: {  	s23 =	simm.s32 $0x1B8B  }
0xa8: {  	_ =	swait.ge [sflag:s23], $0x1  }
0xa9: {  	[sflag:s23] =	ssyncset.done $0x0  }
0xaa: {  	s25 =	simm.s32 $0x1B8E;
	s24 =	sld [smem:$0x3FFE];
	[sflag:s23] =	ssyncadd.s32 $0xFFFFFFFF  }
0xab: {  	s26 =	simm.s32 $execute0_lowered;
	[smem:$0x3FD2] =	sst s25  }
0xac: {  	s6 =	sshll.u32 s26, $0x1;
	_ =	strace $0x80000046;
	[dreg:$0x1] =	wrdreg $0xFFFFFFFF  }
0xad: {  	s28 =	simm.s32 $_size_execute0_lowered;
	s4 =	sadd.s32 s4, s6;
	[dreg:$0x0] =	wrdreg $0x0  }
0xae: {  	s6 =	sshll.u32 s28, $0x1;
	[dreg:$0x2] =	wrdreg s4  }
0xaf: {  	[dreg:$0x3] =	wrdreg s6  }
0xb0: {  	[dreg:$0x4] =	wrdreg $0xC0  }
0xb1: {  	_ =	task [dreg:s8], $0x5FFFF  }
0xb2: {  	[dreg:$0x1] =	wrdreg $0xFFFFFFFF  }
0xb3: {  	[dreg:$0x0] =	wrdreg $0x60  }
0xb4: {  	[dreg:$0x2] =	wrdreg s24  }
0xb5: {  	[dreg:$0x3] =	wrdreg s16  }
0xb6: {  	[dreg:$0x4] =	wrdreg s17  }
0xb7: {  	[dreg:$0x5] =	wrdreg $0x9  }
0xb8: {  	_ =	task.clear_ibuf [dreg:s8], $0x6FFFF;
	_ =	strace $0x90000046  }
0xb9: {  	s29 =	simm.s32 $0x9;
	_ =	strace $0x80000048  }
0xba: {  	_ =	swait.ge [sflag:s29], $0x1  }
0xbb: {  	[sflag:s29] =	ssyncadd.s32 $0xFFFFFFFF  }
0xbc: {  	_ =	strace $0x90000048  }
0xbd: {  	_ =	sfence  }
0xbe: {  	s30 =	sld [smem:$0x0];
	_ =	sdelay $0x2  }
0xbf: {  	s31 =	sshll.u32 s1, $0xD;
	s1 =	sshrl.u32 s1, $0x2  }
0xc0: {  	s3 =	sand.u32 $0x4000, s31;
	s1 =	sadd.s32 s1, s30  }
0xc1: {  	s0 =	sor.u32 s3, s0;
	s1 =	sshll.u32 s1, $0x11  }
0xc2: {  	s0 =	sor.u32 s1, s0  }
0xc3: {  	s0 =	sadd.s32 $0x8F2B, s0  }
0xc4: {  	[sflag:s0] =	ssyncadd.remote.s32 $0x1  }
0xc5: {  	_ =	sfence.sel $0xFFFF  }
0xc6: {  	[dreg:$0x0] =	wrdreg $0xFFFFFFFF;
	(pc) =	sbr.abs _section_cstart, $3  }
0xc7: {  	[dreg:$0x1] =	wrdreg $0xFFFFFFFF  }
0xc8: {  	_ =	task.clear_ibuf [dreg:s8], $0x2FFFF;
	_ =	strace $0x9FFFFFFF  }
0xc9: {  	(tm) =	ssettm $0x7FFFFFFF  }
tec
execute0_lowered:
.L_overlay_start_1:
0x0: {  	(tag) =	ssettag $0x1  }
0x1: {  	s0 =	rddreg [dreg:$0x0];
	s2 =	stileid.u32  }
0x2: {  	s1 =	rddreg [dreg:$0x1];
	s3 =	srdreg.scid  }
0x3: {  	s7 =	rddreg [dreg:$0x2];
	s16 =	simm.s32 $0x2;
	s17 =	simm.s32 $0x1000  }
0x4: {  	s18 =	simm.s32 $0x2000;
	s28 =	simm.s32 $0x1;
	s30 =	simm.s32 $0x0  }
0x5: {  	s6 =	sshrl.u32 s2, $0x2;
	s2 =	sshll.u32 s2, $0x1;
	s5 =	sand.u32 $0x1, s3  }
0x6: {  	s3 =	sadd.s32 $0x2C00, s0;
	s2 =	sand.u32 $0x6, s2;
	s4 =	sshll.u32 s6, $0x3  }
0x7: {  	s20 =	sshll.u32 s6, $0x9;
	s11 =	ssub.s32 $0x2, s5;
	s13 =	sshll.u32 s6, $0xC  }
0x8: {  	s19 =	sor.u32 s4, s2;
	s2 =	simm.s32 $0x0;
	s9 =	sadd.s32 s20, s0  }
0x9: {  	s4 =	sadd.s32 $0x84600, s0;
	s22 =	sshrl.u32 s11, $0x1;
	s20 =	simm.s32 $0x3080  }
0xa: {  	s8 =	sor.u32 s5, s19;
	[smem:$0x7FF] =	sst s2;
	s5 =	sadd.s32 $0x44600, s0  }
0xb: {  	s23 =	sadd.s32 $0x42C00, s9;
	s24 =	sadd.s32 $0x43400, s9;
	s9 =	sadd.s32 $0x43C00, s9  }
0xc: {  	_ =	strace $0x80000047;
	s12 =	smul.u32 $0x180, s8;
	[dreg:$0x4] =	wrdreg s23  }
0xd: {  	s21 =	sshll.u32 s8, $0x4;
	[dreg:$0x5] =	wrdreg s24;
	s8 =	smul.u32 $0x1800, s8  }
0xe: {  	[dreg:$0x6] =	wrdreg s9;
	s23 =	simm.s32 $0x3200;
	s10 =	sadd.s32 s21, s0  }
0xf: {  	s24 =	simm.s32 $0x10;
	s0 =	ssub.s32 s11, s22;
	s26 =	sadd.s32 $0x44400, s10  }
0x10: {  	s25 =	sshrl.u32 s12, $0x3;
	s31 =	sadd.s32 s7, s8;
	[dreg:$0x7] =	wrdreg s26  }
0x11: {  	s0 =	smax.u32 s0, $0x1;
	s11 =	sadd.s32 s1, s25;
	[dreg:$0xa] =	wrdreg s31  }
0x12: {  	s21 =	simm.s32 $0x3100;
	[dreg:$0xb] =	wrdreg s0;
	s1 =	sadd.s32 $0x10, s11  }
0x13: {  	s22 =	simm.s32 $0x3180;
	s29 =	sadd.s32 $0x20, s11;
	[dreg:$0x8] =	wrdreg s1  }
0x14: {  	v0 =	vlaneseq.u32;
	v1 =	vimm.s32 $0x0;
	s25 =	simm.s32 $0x20;
	s26 =	simm.s32 $0x40;
	[dreg:$0x9] =	wrdreg s29  }
.LBB2_1:
0x15: {  	s0 =	rddreg [dreg:$0x4]  }
0x16: {  	[tilespmem:s2], [sflag:$0x2] =	stream.linear.gather [hbm4b:s0+s2], $0x1000, $0x38;
	[tilespmem:$0x16300] =	vst v63  }
0x17: {  	_ =	swait.ge [sflag:s16], $0x1000  }
0x18: {  	[sflag:s16] =	ssyncset.done $0x0  }
0x19: {  	s12 =	rddreg [dreg:$0x5];
	[sflag:s16] =	ssyncadd.s32 $0xFFFFF000  }
0x1a: {  	[tilespmem:s17], [sflag:$0x2] =	stream.linear.gather [hbm4b:s12+s2], $0x1000, $0x38;
	[tilespmem:$0x16300] =	vst v63  }
0x1b: {  	_ =	swait.ge [sflag:s16], $0x1000  }
0x1c: {  	[sflag:s16] =	ssyncset.done $0x0  }
0x1d: {  	s14 =	rddreg [dreg:$0x6];
	[sflag:s16] =	ssyncadd.s32 $0xFFFFF000  }
0x1e: {  	[tilespmem:s18], [sflag:$0x2] =	stream.linear.gather [hbm4b:s14+s2], $0x1000, $0x38;
	[tilespmem:$0x16300] =	vst v63  }
0x1f: {  	_ =	swait.ge [sflag:s16], $0x1000  }
0x20: {  	[sflag:s16] =	ssyncset.done $0x0  }
0x21: {  	s1 =	simm.s32 $0x3000;
	s15 =	rddreg [dreg:$0x7];
	[sflag:s16] =	ssyncadd.s32 $0xFFFFF000  }
0x22: {  	[tilespmem:s1], [sflag:$0x2] =	stream.linear.gather [hbm4b:s15+s2], $0x80, $0x38;
	[tilespmem:$0x16300] =	vst v63  }
0x23: {  	_ =	swait.ge [sflag:s16], $0x80  }
0x24: {  	[sflag:s16] =	ssyncset.done $0x0  }
0x25: {  	[sflag:s16] =	ssyncadd.s32 $0xFFFFFF80  }
0x26: {  	v2 =	vld [tilespmem:$0x3000];
	_ =	sdelay $0x7  }
0x27: {  	v3 =	vld.idx.msk [tilespmem:v2+s2+$0x0], $0xffff;
	_ =	sdelay $0x4  }
0x28: {  	[tilespmem:$0x3080] =	vst v3  }
0x29: {  	v3 =	vld.idx.msk [tilespmem:v2+s17+$0x0], $0xffff;
	_ =	sdelay $0x3  }
0x2a: {  	v4 =	vld [tilespmem:$0x3010]  }
0x2b: {  	[tilespmem:$0x3100] =	vst v3  }
0x2c: {  	v2 =	vld.idx.msk [tilespmem:v2+s18+$0x0], $0xffff;
	_ =	sdelay $0x4  }
0x2d: {  	[tilespmem:$0x3180] =	vst v2  }
0x2e: {  	v2 =	vld.idx.msk [tilespmem:v4+s2+$0x0], $0xffff;
	_ =	sdelay $0x4  }
0x2f: {  	[tilespmem:$0x3090] =	vst v2  }
0x30: {  	v2 =	vld.idx.msk [tilespmem:v4+s17+$0x0], $0xffff;
	_ =	sdelay $0x3  }
0x31: {  	v3 =	vld [tilespmem:$0x3020]  }
0x32: {  	[tilespmem:$0x3110] =	vst v2  }
0x33: {  	v2 =	vld.idx.msk [tilespmem:v4+s18+$0x0], $0xffff;
	_ =	sdelay $0x4  }
0x34: {  	[tilespmem:$0x3190] =	vst v2  }
0x35: {  	v2 =	vld.idx.msk [tilespmem:v3+s2+$0x0], $0xffff;
	_ =	sdelay $0x4  }
0x36: {  	[tilespmem:$0x30A0] =	vst v2  }
0x37: {  	v2 =	vld.idx.msk [tilespmem:v3+s17+$0x0], $0xffff;
	_ =	sdelay $0x3  }
0x38: {  	v61 =	vld [tilespmem:$0x3030]  }
0x39: {  	[tilespmem:$0x3120] =	vst v2  }
0x3a: {  	v2 =	vld.idx.msk [tilespmem:v3+s18+$0x0], $0xffff;
	_ =	sdelay $0x4  }
0x3b: {  	[tilespmem:$0x31A0] =	vst v2  }
0x3c: {  	v2 =	vld.idx.msk [tilespmem:v61+s2+$0x0], $0xffff;
	_ =	sdelay $0x4  }
0x3d: {  	[tilespmem:$0x30B0] =	vst v2  }
0x3e: {  	v2 =	vld.idx.msk [tilespmem:v61+s17+$0x0], $0xffff;
	_ =	sdelay $0x3  }
0x3f: {  	v3 =	vld [tilespmem:$0x3040]  }
0x40: {  	[tilespmem:$0x3130] =	vst v2  }
0x41: {  	v2 =	vld.idx.msk [tilespmem:v61+s18+$0x0], $0xffff;
	_ =	sdelay $0x4  }
0x42: {  	[tilespmem:$0x31B0] =	vst v2  }
0x43: {  	v2 =	vld.idx.msk [tilespmem:v3+s2+$0x0], $0xffff;
	_ =	sdelay $0x4  }
0x44: {  	[tilespmem:$0x30C0] =	vst v2  }
0x45: {  	v2 =	vld.idx.msk [tilespmem:v3+s17+$0x0], $0xffff;
	_ =	sdelay $0x3  }
0x46: {  	v62 =	vld [tilespmem:$0x3050]  }
0x47: {  	[tilespmem:$0x3140] =	vst v2  }
0x48: {  	v2 =	vld.idx.msk [tilespmem:v3+s18+$0x0], $0xffff;
	_ =	sdelay $0x4  }
0x49: {  	[tilespmem:$0x31C0] =	vst v2  }
0x4a: {  	v2 =	vld.idx.msk [tilespmem:v62+s2+$0x0], $0xffff;
	_ =	sdelay $0x4  }
0x4b: {  	[tilespmem:$0x30D0] =	vst v2  }
0x4c: {  	v2 =	vld.idx.msk [tilespmem:v62+s17+$0x0], $0xffff;
	_ =	sdelay $0x3  }
0x4d: {  	v3 =	vld [tilespmem:$0x3060]  }
0x4e: {  	[tilespmem:$0x3150] =	vst v2  }
0x4f: {  	v2 =	vld.idx.msk [tilespmem:v62+s18+$0x0], $0xffff;
	_ =	sdelay $0x4  }
0x50: {  	[tilespmem:$0x31D0] =	vst v2  }
0x51: {  	v2 =	vld.idx.msk [tilespmem:v3+s2+$0x0], $0xffff;
	_ =	sdelay $0x4  }
0x52: {  	[tilespmem:$0x30E0] =	vst v2  }
0x53: {  	v2 =	vld.idx.msk [tilespmem:v3+s17+$0x0], $0xffff;
	_ =	sdelay $0x3  }
0x54: {  	v63 =	vld [tilespmem:$0x3070]  }
0x55: {  	[tilespmem:$0x3160] =	vst v2  }
0x56: {  	v2 =	vld.idx.msk [tilespmem:v3+s18+$0x0], $0xffff;
	_ =	sdelay $0x4  }
0x57: {  	[tilespmem:$0x31E0] =	vst v2  }
0x58: {  	v2 =	vld.idx.msk [tilespmem:v63+s2+$0x0], $0xffff;
	_ =	sdelay $0x4  }
0x59: {  	[tilespmem:$0x30F0] =	vst v2  }
0x5a: {  	v2 =	vld.idx.msk [tilespmem:v63+s17+$0x0], $0xffff;
	_ =	sdelay $0x4  }
0x5b: {  	[tilespmem:$0x3170] =	vst v2  }
0x5c: {  	v2 =	vld.idx.msk [tilespmem:v63+s18+$0x0], $0xffff;
	_ =	sdelay $0x4  }
0x5d: {  	[tilespmem:$0x31F0] =	vst v2  }
0x5e: {  	[hbm4b:s11+s2] =	stream.linear.scatter [tilespmem:s20], [sflag:$0x2], $0x80, $0x38;
	[tilespmem:$0x16300] =	vst v63  }
0x5f: {  	_ =	swait.ge [sflag:s16], $0x80  }
0x60: {  	[sflag:s16] =	ssyncset.done $0x0  }
0x61: {  	s19 =	rddreg [dreg:$0x8];
	[sflag:s16] =	ssyncadd.s32 $0xFFFFFF80  }
0x62: {  	[hbm4b:s19+s2] =	stream.linear.scatter [tilespmem:s21], [sflag:$0x2], $0x80, $0x38;
	[tilespmem:$0x16300] =	vst v63  }
0x63: {  	_ =	swait.ge [sflag:s16], $0x80  }
0x64: {  	[sflag:s16] =	ssyncset.done $0x0  }
.Ltmp0:
0x65: {  	s29 =	rddreg [dreg:$0x9];
	[sflag:s16] =	ssyncadd.s32 $0xFFFFFF80;
	(pc) =	sbr.rel .LBB2_2-.Ltmp0, $4  }
0x66: {  	[hbm4b:s29+s2] =	stream.linear.scatter [tilespmem:s22], [sflag:$0x2], $0x80, $0x38;
	[tilespmem:$0x16300] =	vst v63  }
0x67: {  	_ =	swait.ge [sflag:s16], $0x80  }
0x68: {  	[sflag:s16] =	ssyncset.done $0x0  }
0x69: {  	s31 =	simm.s32 $0x0;
	[sflag:s16] =	ssyncadd.s32 $0xFFFFFF80  }
.LBB2_28:
0x6a: {  	s31 =	sadd.s32 $0x1, s31  }
0x6b: {  	p0 =	sne.s32 s31, $0x80  }
.Ltmp1:
0x6c: {  	_ = 	snop;
	(pc) =	sbr.rel @!p0 .LBB2_29-.Ltmp1, $1  }
0x6d: {  	_ =	sdelay $0x3  }
.LBB2_2:
0x6e: {  	v4 =	vmov s31;
	_ =	sdelay $0x2  }
0x6f: {  	s0 =	sand.u32 $0x1, s31  }
0x70: {  	s19 =	sshll.u32 s0, $0x7  }
0x71: {  	s7 =	simm.s32 $0x0;
	s1 =	sor.u32 $0x3230, s19;
	v2 =	vld.idx.msk [tilespmem:v4+s20+$0x0], $0xffff  }
0x72: {  	s29 =	simm.s32 $0x1000;
	s9 =	simm.s32 $0x2000;
	s10 =	simm.s32 $0x0;
	v5 =	vmov s1;
	v3 =	vld.idx.msk [tilespmem:v4+s21+$0x0], $0xffff  }
0x73: {  	s6 =	smov.u32 s13;
	s12 =	simm.s32 $0x0;
	s8 =	sor.u32 $0x30, s19;
	v4 =	vld.idx.msk [tilespmem:v4+s22+$0x0], $0xffff  }
.LBB2_3:
0x74: {  	v6 =	vld [tilespmem:s10+$0x0]  }
0x75: {  	v7 =	vld [tilespmem:s29+$0x0];
	_ =	sdelay $0x1  }
0x76: {  	v8 =	vld [tilespmem:s9+$0x0];
	_ =	sdelay $0x2  }
0x77: {  	v6 =	vsub.f32 v6, v2;
	v7 =	vsub.f32 v7, v3;
	_ =	sdelay $0x1  }
0x78: {  	v8 =	vsub.f32 v8, v4;
	v6 =	vmul.f32 v6, v6;
	v7 =	vmul.f32 v7, v7;
	_ =	sdelay $0x1  }
0x79: {  	v6 =	vadd.f32 v7, v6;
	v7 =	vmul.f32 v8, v8;
	_ =	sdelay $0x1  }
0x7a: {  	v6 =	vadd.f32 v7, v6;
	_ =	sdelay $0x1  }
0x7b: {  	vm0 =	vle.f32 v6, $6.399999860e-01  }
0x7c: {  	v6 =	vsel vm0, $0x1, v1  }
0x7d: {  	(xrf0) =	vadd.scan.msk.s32 $0xffff, v6;
	_ =	sdelay $0x5  }
0x7e: {  	s14 =	ssub.s32 $0x40, s7;
	v6, _, _ =	vpop (xrf0)  }
0x7f: {  	vm1 =	vle.s32 v6, s14  }
0x80: {  	vm0 =	vmand vm0, vm1  }
0x81: {  	v6 =	vmpcnt.ones.xlane vm0;
	_ =	sdelay $0x1  }
0x82: {  	v6 =	vxor.u32 $0x80000000, v6  }
0x83: {  	(xrf0) =	vmax.scan.msk.u32 $0xffff, v6;
	_ =	sdelay $0x5  }
0x84: {  	v6, _, _ =	vpop (xrf0)  }
0x85: {  	(v2sf) =	vpush v6, $0xF;
	_ =	sdelay $0xe  }
0x86: {  	s15 =	spop (v2sf)  }
0x87: {  	v6 =	vor.u32 s6, v0;
	s15 =	sadd.s32 s15, s7  }
0x88: {  	p0 =	sgt.u32 s12, $0xFE;
	[tilespmem:v5+s7+$0x0 ss:$0x1] =	vst.idx.msk vm0, v6;
	s7 =	sadd.s32 $0x80000000, s15  }
0x89: {  	p1 =	slt.s32 @!p0 s7, $0x40  }
0x8a: {  	p0 =	por p0, !p1  }
.Ltmp2:
0x8b: {  	_ = 	snop;
	(pc) =	sbr.rel @!p0 .LBB2_3-.Ltmp2, $3  }
0x8c: {  	_ =	sdelay $0x1  }
0x8d: {  	s12 =	sadd.s32 $0x1, s12;
	s10 =	sadd.s32 $0x10, s10  }
0x8e: {  	s29 =	sadd.s32 $0x10, s29;
	s9 =	sadd.s32 $0x10, s9;
	s6 =	sadd.s32 $0x10, s6  }
0x8f: {  	p0 =	sgt.s32 s7, $0x3F  }
.Ltmp3:
0x90: {  	_ = 	snop;
	(pc) =	sbr.rel @p0 .LBB2_8-.Ltmp3, $1  }
0x91: {  	_ =	sdelay $0x3  }
0x92: {  	v6 =	vmov s8  }
0x93: {  	v6 =	vshrl.u32 v6, $0x7  }
0x94: {  	s6 =	ssub.s32 $0x40, s7;
	v6 =	vshll.u32 v6, $0x7  }
0x95: {  	p0 =	slt.s32 s6, $0x10;
	v6 =	vor.u32 $0x30, v6  }
0x96: {  	v7 =	vmov s6;
	s6 =	simm.s32 @!p0 $0x10;
	v6 =	vbroadcast v6, $0x0  }
0x97: {  	s6 =	sadd.s32 s7, s6  }
0x98: {  	p0 =	slt.s32 s6, $0x40  }
.Ltmp4:
0x99: {  	_ = 	snop;
	(pc) =	sbr.rel @!p0 .LBB2_7-.Ltmp4, $3  }
0x9a: {  	_ = 	snop  }
0x9b: {  	vm0 =	vgt.s32 v7, v0  }
0x9c: {  	v6 =	vld.idx.msk [tilespmem:v6+s23+$0x0], $0xffff;
	_ =	sdelay $0x1  }
.LBB2_6:
0x9d: {  	s8 =	ssub.s32 $0x40, s6  }
0x9e: {  	p0 =	slt.s32 s8, $0x10  }
0x9f: {  	v7 =	vmov s8;
	s8 =	simm.s32 @!p0 $0x10  }
0xa0: {  	[tilespmem:v5+s7+$0x0 ss:$0x1] =	vst.idx.msk vm0, v6;
	s7 =	smov.u32 s6;
	s6 =	sadd.s32 s6, s8  }
0xa1: {  	p0 =	slt.s32 s6, $0x40  }
.Ltmp5:
0xa2: {  	(pc) =	sbr.rel @p0 .LBB2_6-.Ltmp5, $2  }
0xa3: {  	_ = 	snop  }
0xa4: {  	vm0 =	vgt.s32 v7, v0;
	_ =	sdelay $0x2  }
.LBB2_7:
0xa5: {  	_ =	sdelay $0x4  }
0xa6: {  	[tilespmem:v5+s7+$0x0 ss:$0x1] =	vst.idx.msk vm0, v6  }
.LBB2_8:
0xa7: {  	s8 =	sor.u32 $0x10, s19;
	s29 =	sor.u32 $0x3210, s19  }
0xa8: {  	s7 =	simm.s32 $0x0;
	s9 =	simm.s32 $0x1000;
	s10 =	simm.s32 $0x2000;
	v5 =	vmov s29  }
0xa9: {  	s12 =	simm.s32 $0x0;
	s6 =	smov.u32 s13;
	s14 =	simm.s32 $0x0  }
.LBB2_9:
0xaa: {  	v6 =	vld [tilespmem:s12+$0x0]  }
0xab: {  	v7 =	vld [tilespmem:s9+$0x0];
	_ =	sdelay $0x1  }
0xac: {  	v8 =	vld [tilespmem:s10+$0x0];
	_ =	sdelay $0x2  }
0xad: {  	v6 =	vsub.f32 v6, v2;
	v7 =	vsub.f32 v7, v3;
	_ =	sdelay $0x1  }
0xae: {  	v8 =	vsub.f32 v8, v4;
	v6 =	vmul.f32 v6, v6;
	v7 =	vmul.f32 v7, v7;
	_ =	sdelay $0x1  }
0xaf: {  	v6 =	vadd.f32 v7, v6;
	v7 =	vmul.f32 v8, v8;
	_ =	sdelay $0x1  }
0xb0: {  	v6 =	vadd.f32 v7, v6;
	_ =	sdelay $0x1  }
0xb1: {  	vm0 =	vle.f32 v6, $1.599999960e-01  }
0xb2: {  	v6 =	vsel vm0, $0x1, v1  }
0xb3: {  	(xrf0) =	vadd.scan.msk.s32 $0xffff, v6;
	_ =	sdelay $0x5  }
0xb4: {  	s15 =	ssub.s32 $0x20, s7;
	v6, _, _ =	vpop (xrf0)  }
0xb5: {  	vm1 =	vle.s32 v6, s15  }
0xb6: {  	vm0 =	vmand vm0, vm1  }
0xb7: {  	v6 =	vmpcnt.ones.xlane vm0;
	_ =	sdelay $0x1  }
0xb8: {  	v6 =	vxor.u32 $0x80000000, v6  }
0xb9: {  	(xrf0) =	vmax.scan.msk.u32 $0xffff, v6;
	_ =	sdelay $0x5  }
0xba: {  	v6, _, _ =	vpop (xrf0)  }
0xbb: {  	(v2sf) =	vpush v6, $0xF;
	_ =	sdelay $0xe  }
0xbc: {  	s15 =	spop (v2sf)  }
0xbd: {  	v6 =	vor.u32 s6, v0;
	s15 =	sadd.s32 s15, s7  }
0xbe: {  	p0 =	sgt.u32 s14, $0xFE;
	[tilespmem:v5+s7+$0x0 ss:$0x1] =	vst.idx.msk vm0, v6;
	s7 =	sadd.s32 $0x80000000, s15  }
0xbf: {  	p1 =	slt.s32 @!p0 s7, $0x20  }
0xc0: {  	p0 =	por p0, !p1  }
.Ltmp6:
0xc1: {  	_ = 	snop;
	(pc) =	sbr.rel @!p0 .LBB2_9-.Ltmp6, $3  }
0xc2: {  	_ =	sdelay $0x1  }
0xc3: {  	s14 =	sadd.s32 $0x1, s14;
	s12 =	sadd.s32 $0x10, s12  }
0xc4: {  	s9 =	sadd.s32 $0x10, s9;
	s10 =	sadd.s32 $0x10, s10;
	s6 =	sadd.s32 $0x10, s6  }
0xc5: {  	p0 =	slt.s32 s7, $0x20  }
.Ltmp7:
0xc6: {  	_ = 	snop;
	(pc) =	sbr.rel @!p0 .LBB2_14-.Ltmp7, $1  }
0xc7: {  	_ =	sdelay $0x3  }
0xc8: {  	v6 =	vmov s8  }
0xc9: {  	v6 =	vshrl.u32 v6, $0x7  }
0xca: {  	s6 =	ssub.s32 $0x20, s7;
	v6 =	vshll.u32 v6, $0x7  }
0xcb: {  	p0 =	slt.s32 s6, $0x10;
	v6 =	vor.u32 $0x10, v6  }
0xcc: {  	v7 =	vmov s6;
	s6 =	simm.s32 @!p0 $0x10;
	v6 =	vbroadcast v6, $0x0  }
0xcd: {  	s6 =	sadd.s32 s7, s6  }
0xce: {  	p0 =	slt.s32 s6, $0x20  }
.Ltmp8:
0xcf: {  	_ = 	snop;
	(pc) =	sbr.rel @!p0 .LBB2_13-.Ltmp8, $3  }
0xd0: {  	_ = 	snop  }
0xd1: {  	vm0 =	vgt.s32 v7, v0  }
0xd2: {  	v6 =	vld.idx.msk [tilespmem:v6+s23+$0x0], $0xffff;
	_ =	sdelay $0x1  }
.LBB2_12:
0xd3: {  	s8 =	ssub.s32 $0x20, s6  }
0xd4: {  	p0 =	slt.s32 s8, $0x10  }
0xd5: {  	v7 =	vmov s8;
	s8 =	simm.s32 @!p0 $0x10  }
0xd6: {  	[tilespmem:v5+s7+$0x0 ss:$0x1] =	vst.idx.msk vm0, v6;
	s7 =	smov.u32 s6;
	s6 =	sadd.s32 s6, s8  }
0xd7: {  	p0 =	slt.s32 s6, $0x20  }
.Ltmp9:
0xd8: {  	(pc) =	sbr.rel @p0 .LBB2_12-.Ltmp9, $2  }
0xd9: {  	_ = 	snop  }
0xda: {  	vm0 =	vgt.s32 v7, v0;
	_ =	sdelay $0x2  }
.LBB2_13:
0xdb: {  	_ =	sdelay $0x4  }
0xdc: {  	[tilespmem:v5+s7+$0x0 ss:$0x1] =	vst.idx.msk vm0, v6  }
.LBB2_14:
0xdd: {  	s7 =	sor.u32 $0x3200, s19  }
0xde: {  	s8 =	simm.s32 $0x0;
	s9 =	simm.s32 $0x1000;
	s10 =	simm.s32 $0x2000;
	v5 =	vmov s7  }
0xdf: {  	s12 =	simm.s32 $0x0;
	s6 =	smov.u32 s13;
	s14 =	simm.s32 $0x0  }
.LBB2_15:
0xe0: {  	v6 =	vld [tilespmem:s12+$0x0]  }
0xe1: {  	v7 =	vld [tilespmem:s9+$0x0];
	_ =	sdelay $0x1  }
0xe2: {  	v8 =	vld [tilespmem:s10+$0x0];
	_ =	sdelay $0x2  }
0xe3: {  	v6 =	vsub.f32 v6, v2;
	v7 =	vsub.f32 v7, v3;
	_ =	sdelay $0x1  }
0xe4: {  	v8 =	vsub.f32 v8, v4;
	v6 =	vmul.f32 v6, v6;
	v7 =	vmul.f32 v7, v7;
	_ =	sdelay $0x1  }
0xe5: {  	v6 =	vadd.f32 v7, v6;
	v7 =	vmul.f32 v8, v8;
	_ =	sdelay $0x1  }
0xe6: {  	v6 =	vadd.f32 v7, v6;
	_ =	sdelay $0x1  }
0xe7: {  	vm0 =	vle.f32 v6, $3.999999910e-02  }
0xe8: {  	v6 =	vsel vm0, $0x1, v1  }
0xe9: {  	(xrf0) =	vadd.scan.msk.s32 $0xffff, v6;
	_ =	sdelay $0x5  }
0xea: {  	s15 =	ssub.s32 $0x10, s8;
	v6, _, _ =	vpop (xrf0)  }
0xeb: {  	vm1 =	vle.s32 v6, s15  }
0xec: {  	vm0 =	vmand vm0, vm1  }
0xed: {  	v6 =	vmpcnt.ones.xlane vm0;
	_ =	sdelay $0x1  }
0xee: {  	v6 =	vxor.u32 $0x80000000, v6  }
0xef: {  	(xrf0) =	vmax.scan.msk.u32 $0xffff, v6;
	_ =	sdelay $0x5  }
0xf0: {  	v6, _, _ =	vpop (xrf0)  }
0xf1: {  	(v2sf) =	vpush v6, $0xF;
	_ =	sdelay $0xe  }
0xf2: {  	s15 =	spop (v2sf)  }
0xf3: {  	v6 =	vor.u32 s6, v0;
	s15 =	sadd.s32 s15, s8  }
0xf4: {  	p0 =	sgt.u32 s14, $0xFE;
	[tilespmem:v5+s8+$0x0 ss:$0x1] =	vst.idx.msk vm0, v6;
	s8 =	sadd.s32 $0x80000000, s15  }
0xf5: {  	p1 =	slt.s32 @!p0 s8, $0x10  }
0xf6: {  	p0 =	por p0, !p1  }
.Ltmp10:
0xf7: {  	_ = 	snop;
	(pc) =	sbr.rel @!p0 .LBB2_15-.Ltmp10, $3  }
0xf8: {  	_ =	sdelay $0x1  }
0xf9: {  	s14 =	sadd.s32 $0x1, s14;
	s12 =	sadd.s32 $0x10, s12  }
0xfa: {  	s9 =	sadd.s32 $0x10, s9;
	s10 =	sadd.s32 $0x10, s10;
	s6 =	sadd.s32 $0x10, s6  }
0xfb: {  	p0 =	sgt.s32 s8, $0xF  }
.Ltmp11:
0xfc: {  	_ = 	snop;
	(pc) =	sbr.rel @p0 .LBB2_20-.Ltmp11, $1  }
0xfd: {  	_ =	sdelay $0x3  }
0xfe: {  	v2 =	vmov s19  }
0xff: {  	s6 =	ssub.s32 $0x10, s8;
	v2 =	vshrl.u32 v2, $0x7  }
0x100: {  	p0 =	slt.s32 s6, $0x10;
	v2 =	vshll.u32 v2, $0x7  }
0x101: {  	v3 =	vmov s6;
	s6 =	simm.s32 @!p0 $0x10;
	v2 =	vbroadcast v2, $0x0  }
0x102: {  	s6 =	sadd.s32 s8, s6  }
0x103: {  	p0 =	slt.s32 s6, $0x10  }
.Ltmp12:
0x104: {  	_ = 	snop;
	(pc) =	sbr.rel @!p0 .LBB2_19-.Ltmp12, $3  }
0x105: {  	_ = 	snop  }
0x106: {  	vm0 =	vgt.s32 v3, v0  }
0x107: {  	v2 =	vld.idx.msk [tilespmem:v2+s23+$0x0], $0xffff;
	_ =	sdelay $0x1  }
.LBB2_18:
0x108: {  	s9 =	ssub.s32 $0x10, s6  }
0x109: {  	p0 =	slt.s32 s9, $0x10  }
0x10a: {  	v3 =	vmov s9;
	s9 =	simm.s32 @!p0 $0x10  }
0x10b: {  	[tilespmem:v5+s8+$0x0 ss:$0x1] =	vst.idx.msk vm0, v2;
	s8 =	smov.u32 s6;
	s6 =	sadd.s32 s6, s9  }
0x10c: {  	p0 =	slt.s32 s6, $0x10  }
.Ltmp13:
0x10d: {  	(pc) =	sbr.rel @p0 .LBB2_18-.Ltmp13, $2  }
0x10e: {  	_ = 	snop  }
0x10f: {  	vm0 =	vgt.s32 v3, v0;
	_ =	sdelay $0x2  }
.LBB2_19:
0x110: {  	_ =	sdelay $0x4  }
0x111: {  	[tilespmem:v5+s8+$0x0 ss:$0x1] =	vst.idx.msk vm0, v2  }
.LBB2_20:
0x112: {  	s0 =	smul.u32 $0xE000, s0;
	_ =	sdelay $0x1  }
0x113: {  	s0 =	sshrl.u32 s0, $0x2  }
0x114: {  	p0 =	seq.s32 s31, $0x0;
	s6 =	sadd.s32 $0x3300, s0  }
0x115: {  	[tilespmem:s6], [sflag:$0x1] =	stream.indirect.gather [hbm4b:s3+s24], $0x80, s7, s24, $0xb8;
	[tilespmem:$0x16300] =	vst v63  }
.Ltmp14:
0x116: {  	_ = 	snop;
	(pc) =	sbr.rel @p0 .LBB2_28-.Ltmp14, $4  }
0x117: {  	s19 =	sadd.s32 $0x3B00, s0  }
0x118: {  	[tilespmem:s19], [sflag:$0x1] =	stream.indirect.gather [hbm4b:s4+s25], $0x80, s29, s25, $0xb8;
	[tilespmem:$0x16300] =	vst v63  }
0x119: {  	s0 =	sadd.s32 $0x4B00, s0  }
0x11a: {  	[tilespmem:s0], [sflag:$0x1] =	stream.indirect.gather [hbm4b:s5+s26], $0x80, s1, s26, $0xb8;
	[tilespmem:$0x16300] =	vst v63  }
0x11b: {  	_ =	swait.ge [sflag:s28], $0x800  }
0x11c: {  	[sflag:s28] =	ssyncset.done $0x0  }
0x11d: {  	[sflag:s28] =	ssyncadd.s32 $0xFFFFF800  }
0x11e: {  	_ =	swait.ge [sflag:s28], $0x1000  }
0x11f: {  	s1 =	sadd.s32 $0xFFFFFFFF, s31;
	[sflag:s28] =	ssyncset.done $0x0  }
0x120: {  	s0 =	sand.u32 $0x1, s1;
	[sflag:s28] =	ssyncadd.s32 $0xFFFFF000  }
0x121: {  	p0 =	seq.s32 s0, $0x1;
	s0 =	simm.s32 $0x70;
	_ =	swait.ge [sflag:s28], $0x2000  }
0x122: {  	s0 =	simm.s32 @!p0 $0x0;
	[sflag:s28] =	ssyncset.done $0x0  }
0x123: {  	s0 =	sshll.u32 s0, $0x7;
	[sflag:s28] =	ssyncadd.s32 $0xFFFFE000  }
0x124: {  	v12 =	vld [tilespmem:s0+$0x3300]  }
0x125: {  	v8 =	vld [tilespmem:s0+$0x3310]  }
0x126: {  	s6 =	sadd.s32 $0x33F0, s0;
	v7 =	vld [tilespmem:s0+$0x3320]  }
0x127: {  	v9 =	vmov s6;
	v5 =	vld [tilespmem:s0+$0x3330]  }
0x128: {  	v4 =	vld [tilespmem:s0+$0x3340]  }
0x129: {  	v3 =	vld [tilespmem:s0+$0x3350]  }
0x12a: {  	v2 =	vld [tilespmem:s0+$0x3360]  }
0x12b: {  	s7 =	simm.s32 $0x0;
	v6 =	vld [tilespmem:s0+$0x3370]  }
0x12c: {  	v16 =	vld.idx.msk [tilespmem:v9+s7+$0x0 ss:$0x1], $0xffff  }
0x12d: {  	v17 =	vld.idx.msk [tilespmem:v9+s7+$0xFFFFFF90 ss:$0x1], $0xffff  }
0x12e: {  	v15 =	vld.idx.msk [tilespmem:v9+s7+$0xFFFFFFA0 ss:$0x1], $0xffff  }
0x12f: {  	v14 =	vld.idx.msk [tilespmem:v9+s7+$0xFFFFFFB0 ss:$0x1], $0xffff  }
0x130: {  	v13 =	vld.idx.msk [tilespmem:v9+s7+$0xFFFFFFC0 ss:$0x1], $0xffff  }
0x131: {  	v11 =	vld.idx.msk [tilespmem:v9+s7+$0xFFFFFFD0 ss:$0x1], $0xffff  }
0x132: {  	v10 =	vld.idx.msk [tilespmem:v9+s7+$0xFFFFFFE0 ss:$0x1], $0xffff  }
0x133: {  	s8 =	simm.s32 $0x80;
	s6 =	simm.s32 $0x400;
	v6 =	vmax.f32 v6, v16;
	v16 =	vmax.f32 v12, v17;
	v12 =	vld.idx.msk [tilespmem:v9+s7+$0xFFFFFFF0 ss:$0x1], $0xffff  }
.LBB2_22:
0x134: {  	p0 =	sne.s32 s6, $0x1C00;
	v17 =	vld.idx.msk [tilespmem:v9+s8+$0x0 ss:$0x1], $0xffff;
	v8 =	vmax.f32 v8, v15  }
0x135: {  	v7 =	vmax.f32 v7, v14;
	v18 =	vld.idx.msk [tilespmem:v9+s8+$0xFFFFFF90 ss:$0x1], $0xffff  }
0x136: {  	v5 =	vmax.f32 v5, v13;
	v15 =	vld.idx.msk [tilespmem:v9+s8+$0xFFFFFFA0 ss:$0x1], $0xffff  }
.Ltmp15:
0x137: {  	v4 =	vmax.f32 v4, v11;
	v14 =	vld.idx.msk [tilespmem:v9+s8+$0xFFFFFFB0 ss:$0x1], $0xffff;
	(pc) =	sbr.rel @p0 .LBB2_22-.Ltmp15, $4  }
0x138: {  	v3 =	vmax.f32 v3, v10;
	v13 =	vld.idx.msk [tilespmem:v9+s8+$0xFFFFFFC0 ss:$0x1], $0xffff  }
0x139: {  	v2 =	vmax.f32 v2, v12;
	v11 =	vld.idx.msk [tilespmem:v9+s8+$0xFFFFFFD0 ss:$0x1], $0xffff  }
0x13a: {  	v6 =	vmax.f32 v6, v17;
	v10 =	vld.idx.msk [tilespmem:v9+s8+$0xFFFFFFE0 ss:$0x1], $0xffff  }
0x13b: {  	v16 =	vmax.f32 v16, v18;
	v12 =	vld.idx.msk [tilespmem:v9+s8+$0xFFFFFFF0 ss:$0x1], $0xffff;
	s8 =	sshra.s32 s6, $0x2;
	s6 =	sadd.s32 $0x200, s6  }
0x13c: {  	_ =	sdelay $0x3  }
0x13d: {  	v17 =	vld.idx.msk [tilespmem:v9+s8+$0x0 ss:$0x1], $0xffff  }
0x13e: {  	v18 =	vld.idx.msk [tilespmem:v9+s8+$0xFFFFFF90 ss:$0x1], $0xffff  }
0x13f: {  	v19 =	vld.idx.msk [tilespmem:v9+s8+$0xFFFFFFA0 ss:$0x1], $0xffff;
	s6 =	sshrl.u32 s1, $0x3  }
0x140: {  	v20 =	vld.idx.msk [tilespmem:v9+s8+$0xFFFFFFB0 ss:$0x1], $0xffff;
	s6 =	smul.u32 $0x3000, s6  }
0x141: {  	v21 =	vld.idx.msk [tilespmem:v9+s8+$0xFFFFFFC0 ss:$0x1], $0xffff;
	s19 =	sshll.u32 s1, $0x7  }
0x142: {  	v22 =	vld.idx.msk [tilespmem:v9+s8+$0xFFFFFFD0 ss:$0x1], $0xffff;
	s1 =	sand.u32 $0x380, s19;
	s7 =	sshra.s32 s6, $0x2  }
0x143: {  	v23 =	vld.idx.msk [tilespmem:v9+s8+$0xFFFFFFE0 ss:$0x1], $0xffff;
	v8 =	vmax.f32 v8, v15;
	s6 =	sor.u32 s1, s7;
	v15 =	vmax.f32 v16, v18  }
0x144: {  	v9 =	vld.idx.msk [tilespmem:v9+s8+$0xFFFFFFF0 ss:$0x1], $0xffff;
	v7 =	vmax.f32 v7, v14;
	v8 =	vmax.f32 v8, v19;
	[tilespmem:s6+$0xA300] =	vst v15  }
0x145: {  	v5 =	vmax.f32 v5, v13;
	v7 =	vmax.f32 v7, v20;
	[tilespmem:s6+$0xA310] =	vst v8  }
0x146: {  	v4 =	vmax.f32 v4, v11;
	v5 =	vmax.f32 v5, v21;
	[tilespmem:s6+$0xA320] =	vst v7  }
0x147: {  	v3 =	vmax.f32 v3, v10;
	v4 =	vmax.f32 v4, v22;
	[tilespmem:s6+$0xA330] =	vst v5  }
0x148: {  	v2 =	vmax.f32 v2, v12;
	v3 =	vmax.f32 v3, v23;
	[tilespmem:s6+$0xA340] =	vst v4  }
0x149: {  	v2 =	vmax.f32 v2, v9;
	[tilespmem:s6+$0xA350] =	vst v3  }
0x14a: {  	v3 =	vmax.f32 v6, v17;
	[tilespmem:s6+$0xA360] =	vst v2  }
0x14b: {  	[tilespmem:s6+$0xA370] =	vst v3  }
0x14c: {  	v12 =	vld [tilespmem:s0+$0x3B00]  }
0x14d: {  	v8 =	vld [tilespmem:s0+$0x3B10]  }
0x14e: {  	s29 =	sadd.s32 $0x3BF0, s0;
	v7 =	vld [tilespmem:s0+$0x3B20]  }
0x14f: {  	v9 =	vmov s29;
	v5 =	vld [tilespmem:s0+$0x3B30]  }
0x150: {  	v4 =	vld [tilespmem:s0+$0x3B40]  }
0x151: {  	v3 =	vld [tilespmem:s0+$0x3B50]  }
0x152: {  	v2 =	vld [tilespmem:s0+$0x3B60]  }
0x153: {  	s9 =	simm.s32 $0x0;
	v6 =	vld [tilespmem:s0+$0x3B70]  }
0x154: {  	v16 =	vld.idx.msk [tilespmem:v9+s9+$0x0 ss:$0x1], $0xffff  }
0x155: {  	v17 =	vld.idx.msk [tilespmem:v9+s9+$0xFFFFFF90 ss:$0x1], $0xffff  }
0x156: {  	v15 =	vld.idx.msk [tilespmem:v9+s9+$0xFFFFFFA0 ss:$0x1], $0xffff  }
0x157: {  	v14 =	vld.idx.msk [tilespmem:v9+s9+$0xFFFFFFB0 ss:$0x1], $0xffff  }
0x158: {  	v13 =	vld.idx.msk [tilespmem:v9+s9+$0xFFFFFFC0 ss:$0x1], $0xffff  }
0x159: {  	v11 =	vld.idx.msk [tilespmem:v9+s9+$0xFFFFFFD0 ss:$0x1], $0xffff  }
0x15a: {  	v10 =	vld.idx.msk [tilespmem:v9+s9+$0xFFFFFFE0 ss:$0x1], $0xffff  }
0x15b: {  	s8 =	simm.s32 $0x80;
	s6 =	simm.s32 $0x400;
	v6 =	vmax.f32 v6, v16;
	v16 =	vmax.f32 v12, v17;
	v12 =	vld.idx.msk [tilespmem:v9+s9+$0xFFFFFFF0 ss:$0x1], $0xffff  }
.LBB2_24:
0x15c: {  	p0 =	sne.s32 s6, $0x3C00;
	v17 =	vld.idx.msk [tilespmem:v9+s8+$0x0 ss:$0x1], $0xffff;
	v8 =	vmax.f32 v8, v15  }
0x15d: {  	v7 =	vmax.f32 v7, v14;
	v18 =	vld.idx.msk [tilespmem:v9+s8+$0xFFFFFF90 ss:$0x1], $0xffff  }
0x15e: {  	v5 =	vmax.f32 v5, v13;
	v15 =	vld.idx.msk [tilespmem:v9+s8+$0xFFFFFFA0 ss:$0x1], $0xffff  }
.Ltmp16:
0x15f: {  	v4 =	vmax.f32 v4, v11;
	v14 =	vld.idx.msk [tilespmem:v9+s8+$0xFFFFFFB0 ss:$0x1], $0xffff;
	(pc) =	sbr.rel @p0 .LBB2_24-.Ltmp16, $4  }
0x160: {  	v3 =	vmax.f32 v3, v10;
	v13 =	vld.idx.msk [tilespmem:v9+s8+$0xFFFFFFC0 ss:$0x1], $0xffff  }
0x161: {  	v2 =	vmax.f32 v2, v12;
	v11 =	vld.idx.msk [tilespmem:v9+s8+$0xFFFFFFD0 ss:$0x1], $0xffff  }
0x162: {  	v6 =	vmax.f32 v6, v17;
	v10 =	vld.idx.msk [tilespmem:v9+s8+$0xFFFFFFE0 ss:$0x1], $0xffff  }
0x163: {  	v16 =	vmax.f32 v16, v18;
	v12 =	vld.idx.msk [tilespmem:v9+s8+$0xFFFFFFF0 ss:$0x1], $0xffff;
	s8 =	sshra.s32 s6, $0x2;
	s6 =	sadd.s32 $0x200, s6  }
0x164: {  	_ =	sdelay $0x3  }
0x165: {  	v17 =	vld.idx.msk [tilespmem:v9+s8+$0x0 ss:$0x1], $0xffff  }
0x166: {  	v18 =	vld.idx.msk [tilespmem:v9+s8+$0xFFFFFF90 ss:$0x1], $0xffff  }
0x167: {  	v19 =	vld.idx.msk [tilespmem:v9+s8+$0xFFFFFFA0 ss:$0x1], $0xffff  }
0x168: {  	v20 =	vld.idx.msk [tilespmem:v9+s8+$0xFFFFFFB0 ss:$0x1], $0xffff  }
0x169: {  	v21 =	vld.idx.msk [tilespmem:v9+s8+$0xFFFFFFC0 ss:$0x1], $0xffff  }
0x16a: {  	v22 =	vld.idx.msk [tilespmem:v9+s8+$0xFFFFFFD0 ss:$0x1], $0xffff  }
0x16b: {  	v23 =	vld.idx.msk [tilespmem:v9+s8+$0xFFFFFFE0 ss:$0x1], $0xffff;
	v8 =	vmax.f32 v8, v15;
	s1 =	sadd.s32 s1, s7;
	v15 =	vmax.f32 v16, v18  }
0x16c: {  	v9 =	vld.idx.msk [tilespmem:v9+s8+$0xFFFFFFF0 ss:$0x1], $0xffff;
	v7 =	vmax.f32 v7, v14;
	v8 =	vmax.f32 v8, v19;
	[tilespmem:s1+$0xA700] =	vst v15  }
0x16d: {  	v5 =	vmax.f32 v5, v13;
	v7 =	vmax.f32 v7, v20;
	[tilespmem:s1+$0xA710] =	vst v8  }
0x16e: {  	v4 =	vmax.f32 v4, v11;
	v5 =	vmax.f32 v5, v21;
	[tilespmem:s1+$0xA720] =	vst v7  }
0x16f: {  	v3 =	vmax.f32 v3, v10;
	v4 =	vmax.f32 v4, v22;
	[tilespmem:s1+$0xA730] =	vst v5  }
0x170: {  	v2 =	vmax.f32 v2, v12;
	v3 =	vmax.f32 v3, v23;
	[tilespmem:s1+$0xA740] =	vst v4  }
0x171: {  	v2 =	vmax.f32 v2, v9;
	[tilespmem:s1+$0xA750] =	vst v3  }
0x172: {  	v3 =	vmax.f32 v6, v17;
	[tilespmem:s1+$0xA760] =	vst v2  }
0x173: {  	[tilespmem:s1+$0xA770] =	vst v3  }
0x174: {  	v12 =	vld [tilespmem:s0+$0x4B00]  }
0x175: {  	v8 =	vld [tilespmem:s0+$0x4B10]  }
0x176: {  	s6 =	sadd.s32 $0x4BF0, s0;
	v7 =	vld [tilespmem:s0+$0x4B20]  }
0x177: {  	v9 =	vmov s6;
	v5 =	vld [tilespmem:s0+$0x4B30]  }
0x178: {  	v4 =	vld [tilespmem:s0+$0x4B40]  }
0x179: {  	v3 =	vld [tilespmem:s0+$0x4B50]  }
0x17a: {  	v2 =	vld [tilespmem:s0+$0x4B60]  }
0x17b: {  	s29 =	simm.s32 $0x0;
	v6 =	vld [tilespmem:s0+$0x4B70]  }
0x17c: {  	v16 =	vld.idx.msk [tilespmem:v9+s29+$0x0 ss:$0x1], $0xffff  }
0x17d: {  	v17 =	vld.idx.msk [tilespmem:v9+s29+$0xFFFFFF90 ss:$0x1], $0xffff  }
0x17e: {  	v15 =	vld.idx.msk [tilespmem:v9+s29+$0xFFFFFFA0 ss:$0x1], $0xffff  }
0x17f: {  	v14 =	vld.idx.msk [tilespmem:v9+s29+$0xFFFFFFB0 ss:$0x1], $0xffff  }
0x180: {  	v13 =	vld.idx.msk [tilespmem:v9+s29+$0xFFFFFFC0 ss:$0x1], $0xffff  }
0x181: {  	v11 =	vld.idx.msk [tilespmem:v9+s29+$0xFFFFFFD0 ss:$0x1], $0xffff  }
0x182: {  	v10 =	vld.idx.msk [tilespmem:v9+s29+$0xFFFFFFE0 ss:$0x1], $0xffff  }
0x183: {  	s6 =	simm.s32 $0x400;
	s0 =	simm.s32 $0x80;
	v6 =	vmax.f32 v6, v16;
	v16 =	vmax.f32 v12, v17;
	v12 =	vld.idx.msk [tilespmem:v9+s29+$0xFFFFFFF0 ss:$0x1], $0xffff  }
.LBB2_26:
0x184: {  	p0 =	sne.s32 s6, $0x7C00;
	v17 =	vld.idx.msk [tilespmem:v9+s0+$0x0 ss:$0x1], $0xffff;
	v8 =	vmax.f32 v8, v15  }
0x185: {  	v7 =	vmax.f32 v7, v14;
	v18 =	vld.idx.msk [tilespmem:v9+s0+$0xFFFFFF90 ss:$0x1], $0xffff  }
0x186: {  	v5 =	vmax.f32 v5, v13;
	v15 =	vld.idx.msk [tilespmem:v9+s0+$0xFFFFFFA0 ss:$0x1], $0xffff  }
.Ltmp17:
0x187: {  	v4 =	vmax.f32 v4, v11;
	v14 =	vld.idx.msk [tilespmem:v9+s0+$0xFFFFFFB0 ss:$0x1], $0xffff;
	(pc) =	sbr.rel @p0 .LBB2_26-.Ltmp17, $4  }
0x188: {  	v3 =	vmax.f32 v3, v10;
	v13 =	vld.idx.msk [tilespmem:v9+s0+$0xFFFFFFC0 ss:$0x1], $0xffff  }
0x189: {  	v2 =	vmax.f32 v2, v12;
	v11 =	vld.idx.msk [tilespmem:v9+s0+$0xFFFFFFD0 ss:$0x1], $0xffff  }
0x18a: {  	v6 =	vmax.f32 v6, v17;
	v10 =	vld.idx.msk [tilespmem:v9+s0+$0xFFFFFFE0 ss:$0x1], $0xffff  }
0x18b: {  	v16 =	vmax.f32 v16, v18;
	v12 =	vld.idx.msk [tilespmem:v9+s0+$0xFFFFFFF0 ss:$0x1], $0xffff;
	s0 =	sshra.s32 s6, $0x2;
	s6 =	sadd.s32 $0x200, s6  }
0x18c: {  	_ =	sdelay $0x3  }
0x18d: {  	v17 =	vld.idx.msk [tilespmem:v9+s0+$0x0 ss:$0x1], $0xffff  }
0x18e: {  	v18 =	vld.idx.msk [tilespmem:v9+s0+$0xFFFFFF90 ss:$0x1], $0xffff  }
0x18f: {  	v19 =	vld.idx.msk [tilespmem:v9+s0+$0xFFFFFFA0 ss:$0x1], $0xffff  }
0x190: {  	v20 =	vld.idx.msk [tilespmem:v9+s0+$0xFFFFFFB0 ss:$0x1], $0xffff  }
0x191: {  	v21 =	vld.idx.msk [tilespmem:v9+s0+$0xFFFFFFC0 ss:$0x1], $0xffff  }
0x192: {  	v22 =	vld.idx.msk [tilespmem:v9+s0+$0xFFFFFFD0 ss:$0x1], $0xffff  }
0x193: {  	v23 =	vld.idx.msk [tilespmem:v9+s0+$0xFFFFFFE0 ss:$0x1], $0xffff;
	v8 =	vmax.f32 v8, v15;
	v62 =	vmax.f32 v16, v18  }
0x194: {  	v63 =	vld.idx.msk [tilespmem:v9+s0+$0xFFFFFFF0 ss:$0x1], $0xffff;
	v7 =	vmax.f32 v7, v14;
	v8 =	vmax.f32 v8, v19;
	[tilespmem:s1+$0xAB00] =	vst v62  }
0x195: {  	v5 =	vmax.f32 v5, v13;
	v7 =	vmax.f32 v7, v20;
	[tilespmem:s1+$0xAB10] =	vst v8  }
0x196: {  	v4 =	vmax.f32 v4, v11;
	v5 =	vmax.f32 v5, v21;
	[tilespmem:s1+$0xAB20] =	vst v7  }
.Ltmp18:
0x197: {  	v3 =	vmax.f32 v3, v10;
	v4 =	vmax.f32 v4, v22;
	[tilespmem:s1+$0xAB30] =	vst v5;
	(pc) =	sbr.rel .LBB2_28-.Ltmp18, $4  }
0x198: {  	v2 =	vmax.f32 v2, v12;
	v3 =	vmax.f32 v3, v23;
	[tilespmem:s1+$0xAB40] =	vst v4  }
0x199: {  	v2 =	vmax.f32 v2, v63;
	[tilespmem:s1+$0xAB50] =	vst v3  }
0x19a: {  	v3 =	vmax.f32 v6, v17;
	[tilespmem:s1+$0xAB60] =	vst v2  }
0x19b: {  	[tilespmem:s1+$0xAB70] =	vst v3  }
.LBB2_29:
0x19c: {  	_ =	swait.ge [sflag:s28], $0x800  }
0x19d: {  	[sflag:s28] =	ssyncset.done $0x0  }
0x19e: {  	[sflag:s28] =	ssyncadd.s32 $0xFFFFF800  }
0x19f: {  	_ =	swait.ge [sflag:s28], $0x1000  }
0x1a0: {  	[sflag:s28] =	ssyncset.done $0x0  }
0x1a1: {  	[sflag:s28] =	ssyncadd.s32 $0xFFFFF000  }
0x1a2: {  	_ =	swait.ge [sflag:s28], $0x2000  }
0x1a3: {  	[sflag:s28] =	ssyncset.done $0x0  }
0x1a4: {  	[sflag:s28] =	ssyncadd.s32 $0xFFFFE000  }
0x1a5: {  	v10 =	vld [tilespmem:$0x6B00]  }
0x1a6: {  	v13 =	vld [tilespmem:$0x6B10]  }
0x1a7: {  	v6 =	vld [tilespmem:$0x6B20]  }
0x1a8: {  	v5 =	vld [tilespmem:$0x6B30]  }
0x1a9: {  	v4 =	vld [tilespmem:$0x6B40]  }
0x1aa: {  	v3 =	vld [tilespmem:$0x6B50]  }
0x1ab: {  	v2 =	vld [tilespmem:$0x6B60]  }
0x1ac: {  	s6 =	simm.s32 $0x0;
	v7 =	vld [tilespmem:$0x6B70]  }
0x1ad: {  	v12 =	vld [tilespmem:s6+$0x6BF0]  }
0x1ae: {  	v15 =	vld [tilespmem:s6+$0x6B80]  }
0x1af: {  	v16 =	vld [tilespmem:s6+$0x6B90]  }
0x1b0: {  	v14 =	vld [tilespmem:s6+$0x6BA0]  }
0x1b1: {  	v11 =	vld [tilespmem:s6+$0x6BB0]  }
0x1b2: {  	v9 =	vld [tilespmem:s6+$0x6BC0]  }
0x1b3: {  	v8 =	vld [tilespmem:s6+$0x6BD0]  }
0x1b4: {  	s0 =	simm.s32 $0x80;
	s1 =	simm.s32 $0x400;
	v7 =	vmax.f32 v7, v12;
	v12 =	vmax.f32 v10, v15;
	v13 =	vmax.f32 v13, v16;
	v10 =	vld [tilespmem:s6+$0x6BE0]  }
.LBB2_30:
0x1b5: {  	p0 =	sne.s32 s1, $0x1C00;
	v15 =	vld [tilespmem:s0+$0x6BF0];
	v6 =	vmax.f32 v6, v14  }
0x1b6: {  	v16 =	vld [tilespmem:s0+$0x6B80];
	v5 =	vmax.f32 v5, v11  }
0x1b7: {  	v17 =	vld [tilespmem:s0+$0x6B90];
	v4 =	vmax.f32 v4, v9  }
.Ltmp19:
0x1b8: {  	v14 =	vld [tilespmem:s0+$0x6BA0];
	v3 =	vmax.f32 v3, v8;
	(pc) =	sbr.rel @p0 .LBB2_30-.Ltmp19, $4  }
0x1b9: {  	v11 =	vld [tilespmem:s0+$0x6BB0];
	v2 =	vmax.f32 v2, v10  }
0x1ba: {  	v9 =	vld [tilespmem:s0+$0x6BC0];
	v7 =	vmax.f32 v7, v15  }
0x1bb: {  	v12 =	vmax.f32 v12, v16;
	v8 =	vld [tilespmem:s0+$0x6BD0]  }
0x1bc: {  	v13 =	vmax.f32 v13, v17;
	v10 =	vld [tilespmem:s0+$0x6BE0];
	s0 =	sshra.s32 s1, $0x2;
	s1 =	sadd.s32 $0x200, s1  }
0x1bd: {  	v15 =	vld [tilespmem:s0+$0x6BF0]  }
0x1be: {  	v16 =	vld [tilespmem:s0+$0x6B80]  }
0x1bf: {  	v17 =	vld [tilespmem:s0+$0x6B90]  }
0x1c0: {  	v18 =	vld [tilespmem:s0+$0x6BA0]  }
0x1c1: {  	v19 =	vld [tilespmem:s0+$0x6BB0]  }
0x1c2: {  	v20 =	vld [tilespmem:s0+$0x6BC0]  }
0x1c3: {  	v21 =	vld [tilespmem:s0+$0x6BD0]  }
0x1c4: {  	v62 =	vld [tilespmem:s0+$0x6BE0];
	v12 =	vmax.f32 v12, v16  }
0x1c5: {  	v6 =	vmax.f32 v6, v14;
	v9 =	vmax.f32 v4, v9;
	v4 =	vld [tilespmem:$0x7320];
	v13 =	vmax.f32 v13, v17;
	[tilespmem:$0x15A80] =	vst v12  }
0x1c6: {  	v5 =	vmax.f32 v5, v11;
	v6 =	vmax.f32 v6, v18;
	v12 =	vld [tilespmem:$0x7300];
	[tilespmem:$0x15A90] =	vst v13  }
0x1c7: {  	v3 =	vmax.f32 v3, v8;
	v5 =	vmax.f32 v5, v19;
	v13 =	vld [tilespmem:$0x7310];
	[tilespmem:$0x15AA0] =	vst v6  }
0x1c8: {  	v2 =	vmax.f32 v2, v10;
	v3 =	vmax.f32 v3, v21;
	[tilespmem:$0x15AB0] =	vst v5;
	v5 =	vld [tilespmem:$0x7330]  }
0x1c9: {  	v2 =	vmax.f32 v2, v62;
	[tilespmem:$0x15AD0] =	vst v3;
	v3 =	vld [tilespmem:$0x7350]  }
0x1ca: {  	v7 =	vmax.f32 v7, v15;
	[tilespmem:$0x15AE0] =	vst v2;
	v2 =	vld [tilespmem:$0x7360]  }
0x1cb: {  	v6 =	vmax.f32 v9, v20;
	[tilespmem:$0x15AF0] =	vst v7;
	v7 =	vld [tilespmem:$0x7370]  }
0x1cc: {  	s6 =	simm.s32 $0x0;
	[tilespmem:$0x15AC0] =	vst v6;
	v6 =	vld [tilespmem:$0x7340]  }
0x1cd: {  	v10 =	vld [tilespmem:s6+$0x73F0]  }
0x1ce: {  	v15 =	vld [tilespmem:s6+$0x7380]  }
0x1cf: {  	v63 =	vld [tilespmem:s6+$0x7390]  }
0x1d0: {  	v14 =	vld [tilespmem:s6+$0x73A0]  }
0x1d1: {  	v11 =	vld [tilespmem:s6+$0x73B0]  }
0x1d2: {  	v9 =	vld [tilespmem:s6+$0x73C0]  }
0x1d3: {  	v8 =	vld [tilespmem:s6+$0x73D0]  }
0x1d4: {  	s0 =	simm.s32 $0x80;
	s1 =	simm.s32 $0x400;
	v7 =	vmax.f32 v7, v10;
	v12 =	vmax.f32 v12, v15;
	v13 =	vmax.f32 v13, v63;
	v10 =	vld [tilespmem:s6+$0x73E0]  }
.LBB2_32:
0x1d5: {  	p0 =	sne.s32 s1, $0x3C00;
	v15 =	vld [tilespmem:s0+$0x73F0];
	v4 =	vmax.f32 v4, v14  }
0x1d6: {  	v16 =	vld [tilespmem:s0+$0x7380];
	v5 =	vmax.f32 v5, v11  }
0x1d7: {  	v17 =	vld [tilespmem:s0+$0x7390];
	v6 =	vmax.f32 v6, v9  }
.Ltmp20:
0x1d8: {  	v14 =	vld [tilespmem:s0+$0x73A0];
	v3 =	vmax.f32 v3, v8;
	(pc) =	sbr.rel @p0 .LBB2_32-.Ltmp20, $4  }
0x1d9: {  	v11 =	vld [tilespmem:s0+$0x73B0];
	v2 =	vmax.f32 v2, v10  }
0x1da: {  	v9 =	vld [tilespmem:s0+$0x73C0];
	v7 =	vmax.f32 v7, v15  }
0x1db: {  	v12 =	vmax.f32 v12, v16;
	v8 =	vld [tilespmem:s0+$0x73D0]  }
0x1dc: {  	v13 =	vmax.f32 v13, v17;
	v10 =	vld [tilespmem:s0+$0x73E0];
	s0 =	sshra.s32 s1, $0x2;
	s1 =	sadd.s32 $0x200, s1  }
0x1dd: {  	v15 =	vld [tilespmem:s0+$0x73F0]  }
0x1de: {  	v16 =	vld [tilespmem:s0+$0x7380]  }
0x1df: {  	v17 =	vld [tilespmem:s0+$0x7390]  }
0x1e0: {  	v18 =	vld [tilespmem:s0+$0x73A0]  }
0x1e1: {  	v19 =	vld [tilespmem:s0+$0x73B0]  }
0x1e2: {  	v20 =	vld [tilespmem:s0+$0x73C0]  }
0x1e3: {  	v21 =	vld [tilespmem:s0+$0x73D0]  }
0x1e4: {  	v62 =	vld [tilespmem:s0+$0x73E0];
	v12 =	vmax.f32 v12, v16  }
0x1e5: {  	v4 =	vmax.f32 v4, v14;
	v5 =	vmax.f32 v5, v11;
	v11 =	vld [tilespmem:$0x8310];
	v13 =	vmax.f32 v13, v17;
	[tilespmem:$0x15E80] =	vst v12  }
0x1e6: {  	v8 =	vmax.f32 v3, v8;
	v3 =	vld [tilespmem:$0x8330];
	v4 =	vmax.f32 v4, v18;
	[tilespmem:$0x15E90] =	vst v13  }
0x1e7: {  	v6 =	vmax.f32 v6, v9;
	v5 =	vmax.f32 v5, v19;
	v12 =	vld [tilespmem:$0x8300];
	[tilespmem:$0x15EA0] =	vst v4  }
0x1e8: {  	v6 =	vmax.f32 v6, v20;
	v4 =	vld [tilespmem:$0x8320];
	[tilespmem:$0x15EB0] =	vst v5  }
0x1e9: {  	v7 =	vmax.f32 v7, v15;
	v5 =	vmax.f32 v2, v10;
	[tilespmem:$0x15EC0] =	vst v6;
	v2 =	vld [tilespmem:$0x8340]  }
0x1ea: {  	v8 =	vmax.f32 v8, v21;
	[tilespmem:$0x15EF0] =	vst v7;
	v7 =	vld [tilespmem:$0x8370]  }
0x1eb: {  	[tilespmem:$0x15ED0] =	vst v8;
	v6 =	vmax.f32 v5, v62;
	v5 =	vld [tilespmem:$0x8350]  }
0x1ec: {  	s6 =	simm.s32 $0x0;
	[tilespmem:$0x15EE0] =	vst v6;
	v6 =	vld [tilespmem:$0x8360]  }
0x1ed: {  	v13 =	vld [tilespmem:s6+$0x83F0]  }
0x1ee: {  	v15 =	vld [tilespmem:s6+$0x8380]  }
0x1ef: {  	v63 =	vld [tilespmem:s6+$0x8390]  }
0x1f0: {  	v14 =	vld [tilespmem:s6+$0x83A0]  }
0x1f1: {  	v10 =	vld [tilespmem:s6+$0x83B0]  }
0x1f2: {  	v9 =	vld [tilespmem:s6+$0x83C0]  }
0x1f3: {  	v8 =	vld [tilespmem:s6+$0x83D0]  }
0x1f4: {  	s0 =	simm.s32 $0x80;
	s1 =	simm.s32 $0x400;
	v7 =	vmax.f32 v7, v13;
	v12 =	vmax.f32 v12, v15;
	v13 =	vmax.f32 v11, v63;
	v11 =	vld [tilespmem:s6+$0x83E0]  }
.LBB2_34:
0x1f5: {  	p0 =	sne.s32 s1, $0x7C00;
	v15 =	vld [tilespmem:s0+$0x83F0];
	v4 =	vmax.f32 v4, v14  }
0x1f6: {  	v16 =	vld [tilespmem:s0+$0x8380];
	v3 =	vmax.f32 v3, v10  }
0x1f7: {  	v17 =	vld [tilespmem:s0+$0x8390];
	v2 =	vmax.f32 v2, v9  }
.Ltmp21:
0x1f8: {  	v14 =	vld [tilespmem:s0+$0x83A0];
	v5 =	vmax.f32 v5, v8;
	(pc) =	sbr.rel @p0 .LBB2_34-.Ltmp21, $4  }
0x1f9: {  	v10 =	vld [tilespmem:s0+$0x83B0];
	v6 =	vmax.f32 v6, v11  }
0x1fa: {  	v9 =	vld [tilespmem:s0+$0x83C0];
	v7 =	vmax.f32 v7, v15  }
0x1fb: {  	v12 =	vmax.f32 v12, v16;
	v8 =	vld [tilespmem:s0+$0x83D0]  }
0x1fc: {  	v13 =	vmax.f32 v13, v17;
	v11 =	vld [tilespmem:s0+$0x83E0];
	s0 =	sshra.s32 s1, $0x2;
	s1 =	sadd.s32 $0x200, s1  }
0x1fd: {  	v15 =	vld [tilespmem:s0+$0x83F0]  }
0x1fe: {  	v16 =	vld [tilespmem:s0+$0x8380]  }
0x1ff: {  	v17 =	vld [tilespmem:s0+$0x8390]  }
0x200: {  	v18 =	vld [tilespmem:s0+$0x83A0]  }
0x201: {  	v19 =	vld [tilespmem:s0+$0x83B0]  }
0x202: {  	v20 =	vld [tilespmem:s0+$0x83C0]  }
0x203: {  	v21 =	vld [tilespmem:s0+$0x83D0];
	v12 =	vmax.f32 v12, v16  }
0x204: {  	v62 =	vld [tilespmem:s0+$0x83E0];
	v4 =	vmax.f32 v4, v14;
	v13 =	vmax.f32 v13, v17;
	[tilespmem:$0x16280] =	vst v12  }
0x205: {  	v3 =	vmax.f32 v3, v10;
	v4 =	vmax.f32 v4, v18;
	[tilespmem:$0x16290] =	vst v13  }
0x206: {  	v2 =	vmax.f32 v2, v9;
	v3 =	vmax.f32 v3, v19;
	[tilespmem:$0x162A0] =	vst v4  }
0x207: {  	v63 =	vmax.f32 v5, v8;
	v2 =	vmax.f32 v2, v20;
	[tilespmem:$0x162B0] =	vst v3  }
0x208: {  	v3 =	vmax.f32 v6, v11;
	v4 =	vmax.f32 v63, v21;
	[tilespmem:$0x162C0] =	vst v2  }
0x209: {  	v2 =	vmax.f32 v3, v62;
	[tilespmem:$0x162D0] =	vst v4  }
0x20a: {  	v3 =	vmax.f32 v7, v15;
	[tilespmem:$0x162E0] =	vst v2  }
0x20b: {  	s29 =	rddreg [dreg:$0xa];
	s1 =	simm.s32 $0xA300;
	[tilespmem:$0x162F0] =	vst v3  }
0x20c: {  	[hbm4b:s29+s2] =	stream.linear.scatter [tilespmem:s1], [sflag:$0x2], $0xC000, $0x38;
	[tilespmem:$0x16300] =	vst v63  }
0x20d: {  	_ =	swait.ge [sflag:s16], $0xC000  }
0x20e: {  	s30 =	sadd.s32 $0x1, s30;
	s31 =	rddreg [dreg:$0xb]  }
0x20f: {  	p0 =	sne.s32 s30, s31  }
.Ltmp22:
0x210: {  	_ = 	snop;
	(pc) =	sbr.rel @p0 .LBB2_1-.Ltmp22, $3  }
0x211: {  	_ =	sdelay $0x1  }
0x212: {  	[sflag:s16] =	ssyncset.done $0x0  }
0x213: {  	[sflag:s16] =	ssyncadd.s32 $0xFFFF4000  }
0x214: {  	_ =	sfence.sel $0x180000  }
0x215: {  	[bflag:$0x0] =	sbarrier.arrive $0xFFFF  }
0x216: {  	_ =	strace $0x90000047  }
0x217: {  	s0 =	stileid.u32;
	[bflag:$0x2] =	sbarrier.arrive $0xFFFF  }
0x218: {  	p0 =	sne.s32 s0, $0x0;
	s0 =	rddreg [dreg:$0x3]  }
0x219: {  	s0 =	sadd.s32 @!p0 $0x100000, s0  }
0x21a: {  	[sflag:s0] =	ssyncadd.tile.s32 @!p0 $0x1;
	_ =	shalt  }
.Lfunc_end2:
_tile_overlayer_lowered:
.L_overlay_start_2:
0x21b: {  	(tag) =	ssettag $0x2  }
0x21c: {  	s0 =	rddreg [dreg:$0x0];
	s2 =	stileid.u32  }
0x21d: {  	s1 =	rddreg [dreg:$0x1];
	p0 =	sne.s32 s2, $0x0  }
0x21e: {  	s3 =	rddreg [dreg:$0x2];
	[bflag:$0x3] =	sbarrier.arrive $0xFFFF;
	s2 =	simm.s32 @!p0 $0x1C02  }
0x21f: {  	[timem:s3], [sflag:s2] =	dma.local @!p0 [hbm:s0], s1  }
0x220: {  	s0 =	simm.s32 @!p0 $0x2  }
0x221: {  	_ =	swait.ge @!p0 [sflag:s0], s1  }
0x222: {  	s1 =	ssub.s32 @!p0 $0x0, s1;
	[sflag:s0] =	ssyncset.done @!p0 $0x0  }
0x223: {  	[sflag:s0] =	ssyncadd.s32 @!p0 s1  }
0x224: {  	[bflag:$0x3] =	sbarrier.arrive $0xFFFF  }
0x225: {  	_ =	shalt  }

</sc_bundles>
